<compile_context>
chip_gen: v7x
topology: tpu7x:2x2x1
jax: 0.10.2.dev20260603
libtpu: 0.0.44.dev20260713+nightly
codegen_flags: <defaults>
</compile_context>

<pallas_src>
import functools

import jax
import jax.numpy as jnp
from jax import lax
from jax.experimental import pallas as pl
from jax.experimental.pallas import tpu as pltpu
from jax.experimental.pallas import tpu_sc as plsc

N = 10000
E = 320000
IN_CH = 128
HID = 256
OUT_CH = 128

NC, NS, L = 2, 16, 16
NW = NC * NS
CHUNK = 128
CH = 79
EPT = CH * CHUNK
EPAD = NW * EPT
NBLK = NW * CH
CH0 = 130
CH1 = 2 * CH - CH0
CHMAX = max(CH0, CH1)
NBLKP = max((NS - 1) * (CH0 + CH1) + CH0 + CHMAX, NBLK)
NPAD = 10240
RPT = NPAD // NS
BR = 1000
HW = 64

_mesh = plsc.VectorSubcoreMesh(
    core_axis_name="c", subcore_axis_name="s", num_cores=NC, num_subcores=NS)


@functools.partial(
    pl.kernel,
    out_type=jax.ShapeDtypeStruct((NC, NPAD, L), jnp.float32),
    mesh=_mesh,
    scratch_types=[
        pltpu.VMEM((CH, CHUNK), jnp.int32),
        pltpu.VMEM((CHUNK, L), jnp.float32),
        pltpu.VMEM((CHUNK, L), jnp.float32),
        pltpu.VMEM_SHARED((NPAD, L), jnp.float32),
    ],
    compiler_params=pltpu.CompilerParams(use_tc_tiling_on_sc=False),
)
def _deg_kernel(dstb, ones_hbm, zeros_hbm, out, dst_v, ones_v, zb, acc):
    c = lax.axis_index("c")
    s = lax.axis_index("s")
    wid = s * NC + c
    pltpu.sync_copy(dstb.at[pl.ds(wid * CH, CH)], dst_v)
    pltpu.sync_copy(ones_hbm, ones_v)
    pltpu.sync_copy(zeros_hbm, zb)
    for k in range(RPT // CHUNK):
        pltpu.sync_copy(zb, acc.at[pl.ds(s * RPT + k * CHUNK, CHUNK)])
    plsc.subcore_barrier()

    def body(j, carry):
        pltpu.sync_copy(ones_v, acc.at[dst_v.at[j]], add=True)
        return carry

    lax.fori_loop(0, CH, body, 0)
    plsc.subcore_barrier()
    pltpu.sync_copy(acc.at[pl.ds(s * RPT, RPT)], out.at[c, pl.ds(s * RPT, RPT)])


@functools.partial(
    pl.kernel,
    out_type=jax.ShapeDtypeStruct((NC, 2, NPAD, HW), jnp.float32),
    mesh=_mesh,
    scratch_types=[
        pltpu.VMEM((CHMAX, CHUNK), jnp.int32),
        pltpu.VMEM((CHMAX, CHUNK), jnp.int32),
        pltpu.VMEM((4, CHUNK, HW), jnp.float32),
        pltpu.VMEM((CHUNK, HW), jnp.float32),
        pltpu.VMEM_SHARED((NPAD, HW), jnp.float32),
        pltpu.SemaphoreType.DMA,
        pltpu.SemaphoreType.DMA,
    ],
    compiler_params=pltpu.CompilerParams(use_tc_tiling_on_sc=False),
)
def _agg_kernel(srcb, dstb, vp_lo, vp_hi, zeros_hbm, out, src_v, dst_v, rows,
                zb, acc, gsem, ssem):
    c = lax.axis_index("c")
    s = lax.axis_index("s")
    base = s * (CH0 + CH1) + c * CH0
    cnt = CH0 + c * (CH1 - CH0)
    pltpu.sync_copy(srcb.at[pl.ds(base, CHMAX)], src_v)
    pltpu.sync_copy(dstb.at[pl.ds(base, CHMAX)], dst_v)
    pltpu.sync_copy(zeros_hbm, zb)
    for h, vp in ((0, vp_lo), (1, vp_hi)):
        for k in range(RPT // CHUNK):
            pltpu.sync_copy(zb, acc.at[pl.ds(s * RPT + k * CHUNK, CHUNK)])
        plsc.subcore_barrier()

        @pl.when(cnt > 0)
        def _stream():
            for b in range(3):
                pltpu.async_copy(vp.at[src_v.at[b]], rows.at[b], gsem)

            def body(j, carry):
                b = lax.rem(j, 4)
                pltpu.make_async_copy(vp.at[src_v.at[j]], rows.at[b],
                                      gsem).wait()
                pltpu.async_copy(rows.at[b], acc.at[dst_v.at[j]], ssem,
                                 add=True)

                @pl.when(j >= 1)
                def _():
                    bp = lax.rem(j + 3, 4)
                    pltpu.make_async_copy(rows.at[bp], acc.at[dst_v.at[j - 1]],
                                          ssem).wait()

                @pl.when(j + 3 < cnt)
                def _():
                    pltpu.async_copy(vp.at[src_v.at[j + 3]],
                                     rows.at[lax.rem(j + 3, 4)], gsem)

                return carry

            lax.fori_loop(0, cnt, body, 0)
            pltpu.make_async_copy(rows.at[lax.rem(cnt - 1, 4)],
                                  acc.at[dst_v.at[cnt - 1]], ssem).wait()

        plsc.subcore_barrier()
        pltpu.sync_copy(acc.at[pl.ds(s * RPT, RPT)],
                        out.at[c, h, pl.ds(s * RPT, RPT)])
        plsc.subcore_barrier()


def _scale_kernel(degp_ref, x_ref, vplo_ref, vphi_ref, dinvb_ref):
    d = degp_ref[0] + degp_ref[1] + 1.0
    dinv = lax.rsqrt(d)
    db = jnp.broadcast_to(dinv[:, :1], (BR, 128))
    dinvb_ref[...] = db
    vp = db * x_ref[...]
    vplo_ref[...] = vp[:, :HW]
    vphi_ref[...] = vp[:, HW:]


def _halves(aggp_ref):
    return jnp.concatenate(
        [aggp_ref[0, 0] + aggp_ref[1, 0], aggp_ref[0, 1] + aggp_ref[1, 1]],
        axis=1)


def _mid_kernel(aggp_ref, vp1lo_ref, vp1hi_ref, dinvb_ref, w1_ref, b1_ref,
                w2_ref, vp2lo_ref, vp2hi_ref):
    vp1 = jnp.concatenate([vp1lo_ref[...], vp1hi_ref[...]], axis=1)
    a = (_halves(aggp_ref) + vp1) * dinvb_ref[...]
    h = jnp.dot(a, w1_ref[...], preferred_element_type=jnp.float32)
    h = jnp.maximum(h + b1_ref[...], 0.0)
    g = jnp.dot(h, w2_ref[...], preferred_element_type=jnp.float32)
    vp2 = g * dinvb_ref[...]
    vp2lo_ref[...] = vp2[:, :HW]
    vp2hi_ref[...] = vp2[:, HW:]


def _final_kernel(aggp_ref, vp2lo_ref, vp2hi_ref, dinvb_ref, b2_ref, out_ref):
    vp2 = jnp.concatenate([vp2lo_ref[...], vp2hi_ref[...]], axis=1)
    out_ref[...] = ((_halves(aggp_ref) + vp2)
                    * dinvb_ref[...] + b2_ref[...])


def kernel(x, edge_index, W1, b1, W2, b2):
    ei = edge_index.astype(jnp.int32)
    pad = NBLKP * CHUNK - E
    srcp = jnp.concatenate([ei[0], jnp.zeros((pad,), jnp.int32)])
    dstp = jnp.concatenate([ei[1], jnp.full((pad,), N, jnp.int32)])
    srcb = srcp.reshape(NBLKP, CHUNK)
    dstb = dstp.reshape(NBLKP, CHUNK)
    ones16 = jnp.ones((CHUNK, L), jnp.float32)
    zeros16 = jnp.zeros((CHUNK, L), jnp.float32)
    zeros64 = jnp.zeros((CHUNK, HW), jnp.float32)

    degp = _deg_kernel(dstb, ones16, zeros16)

    grid = N // BR
    half_spec = pl.BlockSpec((BR, HW), lambda i: (i, 0))
    full_spec = pl.BlockSpec((BR, 128), lambda i: (i, 0))
    half_shape = jax.ShapeDtypeStruct((N, HW), jnp.float32)

    vp1lo, vp1hi, dinvb = pl.pallas_call(
        _scale_kernel,
        grid=(grid,),
        in_specs=[
            pl.BlockSpec((2, BR, L), lambda i: (0, i, 0)),
            full_spec,
        ],
        out_specs=[half_spec, half_spec, full_spec],
        out_shape=[half_shape, half_shape,
                   jax.ShapeDtypeStruct((N, 128), jnp.float32)],
    )(degp, x)

    aggp1 = _agg_kernel(srcb, dstb, vp1lo, vp1hi, zeros64)

    vp2lo, vp2hi = pl.pallas_call(
        _mid_kernel,
        grid=(grid,),
        in_specs=[
            pl.BlockSpec((2, 2, BR, HW), lambda i: (0, 0, i, 0)),
            half_spec,
            half_spec,
            full_spec,
            pl.BlockSpec((IN_CH, HID), lambda i: (0, 0)),
            pl.BlockSpec((1, HID), lambda i: (0, 0)),
            pl.BlockSpec((HID, OUT_CH), lambda i: (0, 0)),
        ],
        out_specs=[half_spec, half_spec],
        out_shape=[half_shape, half_shape],
    )(aggp1, vp1lo, vp1hi, dinvb, W1, b1.reshape(1, HID), W2)

    aggp2 = _agg_kernel(srcb, dstb, vp2lo, vp2hi, zeros64)

    out = pl.pallas_call(
        _final_kernel,
        grid=(grid,),
        in_specs=[
            pl.BlockSpec((2, 2, BR, HW), lambda i: (0, 0, i, 0)),
            half_spec,
            half_spec,
            full_spec,
            pl.BlockSpec((1, OUT_CH), lambda i: (0, 0)),
        ],
        out_specs=full_spec,
        out_shape=jax.ShapeDtypeStruct((N, 128), jnp.float32),
    )(aggp2, vp2lo, vp2hi, dinvb, b2.reshape(1, OUT_CH))

    return out

# --- scband reference (transcript-rebuilt; emitter-appended) ---
"""Pipeline reference for scband-gcnencoder-75909251990062 (READ-ONLY COPY).

The authoritative reference and input builder live on the scoring server;
editing this copy changes nothing except your own understanding.
"""

import jax, jax.numpy as jnp
import numpy as np

N_NODES = 10000
N_EDGES = 320000
IN_CH = 128
OUT_CH = 128
HID = 2 * OUT_CH


def gcn_conv(x, edge_index, W, b, num_nodes):
    # PyG GCNConv default: add self-loops, symmetric normalization, bias.
    src = edge_index[0]
    dst = edge_index[1]
    loop = jnp.arange(num_nodes, dtype=edge_index.dtype)
    src = jnp.concatenate([src, loop])
    dst = jnp.concatenate([dst, loop])
    ew = jnp.ones(src.shape[0], dtype=x.dtype)
    deg = jax.ops.segment_sum(ew, dst, num_segments=num_nodes)
    deg_inv_sqrt = jnp.where(deg > 0, 1.0 / jnp.sqrt(deg), 0.0)
    norm = deg_inv_sqrt[src] * deg_inv_sqrt[dst]
    xw = x @ W
    msg = xw[src] * norm[:, None]
    out = jax.ops.segment_sum(msg, dst, num_segments=num_nodes)
    return out + b


def setup_inputs(seed: int = 0) -> dict:
    key = jax.random.key(seed)
    k1, k2, k3, k4, k5, k6 = jax.random.split(key, 6)
    x = jax.random.normal(k1, (N_NODES, IN_CH), dtype=jnp.float32)
    edge_index = jax.random.randint(k2, (2, N_EDGES), 0, N_NODES, dtype=jnp.int64)
    s1 = 1.0 / np.sqrt(IN_CH)
    s2 = 1.0 / np.sqrt(HID)
    W1 = jax.random.uniform(k3, (IN_CH, HID), dtype=jnp.float32, minval=-s1, maxval=s1)
    b1 = jnp.zeros((HID,), dtype=jnp.float32)
    W2 = jax.random.uniform(k4, (HID, OUT_CH), dtype=jnp.float32, minval=-s2, maxval=s2)
    b2 = jnp.zeros((OUT_CH,), dtype=jnp.float32)
    return {"x": x, "edge_index": edge_index, "W1": W1, "b1": b1, "W2": W2, "b2": b2}


def reference(x, edge_index, W1, b1, W2, b2):
    h = gcn_conv(x, edge_index, W1, b1, N_NODES)
    h = jax.nn.relu(h)
    out = gcn_conv(h, edge_index, W2, b2, N_NODES)
    return out

if __name__ == "__main__":
    import jax
    _d = setup_inputs()
    print(jax.jit(kernel)(*tuple(_d.values())))

</pallas_src>

<mosaic_0001>
#map = affine_map<(d0, d1) -> (0, 0)>
#map1 = affine_map<(d0, d1) -> (0, 0, 0, 0)>
module attributes {stable_mosaic.version = 14 : i64} {
  func.func @_agg_kernel(%arg0: i32, %arg1: i32, %arg2: memref<2630x128xi32, #tpu.memory_space<hbm>>, %arg3: memref<2630x128xi32, #tpu.memory_space<hbm>>, %arg4: memref<10000x64xf32, #tpu.memory_space<hbm>>, %arg5: memref<10000x64xf32, #tpu.memory_space<hbm>>, %arg6: memref<128x64xf32, #tpu.memory_space<hbm>>, %arg7: memref<2x2x10240x64xf32, #tpu.memory_space<hbm>>, %arg8: memref<130x128xi32, #tpu.memory_space<vmem>>, %arg9: memref<130x128xi32, #tpu.memory_space<vmem>>, %arg10: memref<4x128x64xf32, #tpu.memory_space<vmem>>, %arg11: memref<128x64xf32, #tpu.memory_space<vmem>>, %arg12: memref<10240x64xf32, #tpu.memory_space<vmem_shared>>, %arg13: memref<!tpu.dma_semaphore, #tpu.memory_space<semaphore_mem>>, %arg14: memref<!tpu.dma_semaphore, #tpu.memory_space<semaphore_mem>>) attributes {dimension_semantics = [#tpu.dimension_semantics<core_parallel>, #tpu.dimension_semantics<subcore_parallel>], iteration_bounds = array<i64: 2, 16>, scalar_prefetch = 0 : i64, scratch_operands = 7 : i64, tpu.core_type = #tpu.core_type<sc_vector_subcore>, window_params = [{transform_indices = #map}, {transform_indices = #map}, {transform_indices = #map}, {transform_indices = #map}, {transform_indices = #map}, {transform_indices = #map1}]} {
    %mul3A = arith.constant 158 : i32
    %mul3A_0 = arith.muli %arg1, %mul3A : i32
    %mul3A_1 = arith.constant 130 : i32
    %mul3A_2 = arith.muli %arg0, %mul3A_1 : i32
    %add3A = arith.addi %mul3A_0, %mul3A_2 : i32
    %mul3A_3 = arith.constant -102 : i32
    %mul3A_4 = arith.muli %arg0, %mul3A_3 : i32
    %add3A_5 = arith.constant 130 : i32
    %add3A_6 = arith.addi %add3A_5, %mul3A_4 : i32
    "tpu.region"() ({
      %run_scoped3A_68 = tpu.sem_alloc : memref<!tpu.dma_semaphore, #tpu.memory_space<semaphore_mem>>
      %dma_start3A = arith.constant 0 : i32
      %dma_start3A_69 = tpu.memref_slice %arg2[%add3A, %dma_start3A] : memref<2630x128xi32, #tpu.memory_space<hbm>> -> memref<130x128xi32, #tpu.memory_space<hbm>>
      %dma_start3A_70 = arith.constant 0 : i32
      %dma_start3A_71 = tpu.memref_slice %arg2[%add3A, %dma_start3A_70] : memref<2630x128xi32, #tpu.memory_space<hbm>> -> memref<130x128xi32, #tpu.memory_space<hbm>>
      tpu.enqueue_dma source(%dma_start3A_71 : memref<130x128xi32, #tpu.memory_space<hbm>>) target(%arg8 : memref<130x128xi32, #tpu.memory_space<vmem>>) target_semaphore(%run_scoped3A_68 : memref<!tpu.dma_semaphore, #tpu.memory_space<semaphore_mem>>)
      %dma_wait3A = arith.constant 0 : i32
      %dma_wait3A_72 = tpu.memref_slice %arg2[%add3A, %dma_wait3A] : memref<2630x128xi32, #tpu.memory_space<hbm>> -> memref<130x128xi32, #tpu.memory_space<hbm>>
      %dma_wait3A_73 = arith.constant 0 : i32
      %dma_wait3A_74 = tpu.memref_slice %arg2[%add3A, %dma_wait3A_73] : memref<2630x128xi32, #tpu.memory_space<hbm>> -> memref<130x128xi32, #tpu.memory_space<hbm>>
      tpu.wait_dma2 semaphore(%run_scoped3A_68 : memref<!tpu.dma_semaphore, #tpu.memory_space<semaphore_mem>>) src(%dma_wait3A_74 : memref<130x128xi32, #tpu.memory_space<hbm>>) dst(%arg8 : memref<130x128xi32, #tpu.memory_space<vmem>>)
      tpu.yield
    }) : () -> ()
    "tpu.region"() ({
      %run_scoped3A_68 = tpu.sem_alloc : memref<!tpu.dma_semaphore, #tpu.memory_space<semaphore_mem>>
      %dma_start3A = arith.constant 0 : i32
      %dma_start3A_69 = tpu.memref_slice %arg3[%add3A, %dma_start3A] : memref<2630x128xi32, #tpu.memory_space<hbm>> -> memref<130x128xi32, #tpu.memory_space<hbm>>
      %dma_start3A_70 = arith.constant 0 : i32
      %dma_start3A_71 = tpu.memref_slice %arg3[%add3A, %dma_start3A_70] : memref<2630x128xi32, #tpu.memory_space<hbm>> -> memref<130x128xi32, #tpu.memory_space<hbm>>
      tpu.enqueue_dma source(%dma_start3A_71 : memref<130x128xi32, #tpu.memory_space<hbm>>) target(%arg9 : memref<130x128xi32, #tpu.memory_space<vmem>>) target_semaphore(%run_scoped3A_68 : memref<!tpu.dma_semaphore, #tpu.memory_space<semaphore_mem>>)
      %dma_wait3A = arith.constant 0 : i32
      %dma_wait3A_72 = tpu.memref_slice %arg3[%add3A, %dma_wait3A] : memref<2630x128xi32, #tpu.memory_space<hbm>> -> memref<130x128xi32, #tpu.memory_space<hbm>>
      %dma_wait3A_73 = arith.constant 0 : i32
      %dma_wait3A_74 = tpu.memref_slice %arg3[%add3A, %dma_wait3A_73] : memref<2630x128xi32, #tpu.memory_space<hbm>> -> memref<130x128xi32, #tpu.memory_space<hbm>>
      tpu.wait_dma2 semaphore(%run_scoped3A_68 : memref<!tpu.dma_semaphore, #tpu.memory_space<semaphore_mem>>) src(%dma_wait3A_74 : memref<130x128xi32, #tpu.memory_space<hbm>>) dst(%arg9 : memref<130x128xi32, #tpu.memory_space<vmem>>)
      tpu.yield
    }) : () -> ()
    "tpu.region"() ({
      %run_scoped3A_68 = tpu.sem_alloc : memref<!tpu.dma_semaphore, #tpu.memory_space<semaphore_mem>>
      tpu.enqueue_dma source(%arg6 : memref<128x64xf32, #tpu.memory_space<hbm>>) target(%arg11 : memref<128x64xf32, #tpu.memory_space<vmem>>) target_semaphore(%run_scoped3A_68 : memref<!tpu.dma_semaphore, #tpu.memory_space<semaphore_mem>>)
      tpu.wait_dma2 semaphore(%run_scoped3A_68 : memref<!tpu.dma_semaphore, #tpu.memory_space<semaphore_mem>>) src(%arg6 : memref<128x64xf32, #tpu.memory_space<hbm>>) dst(%arg11 : memref<128x64xf32, #tpu.memory_space<vmem>>)
      tpu.yield
    }) : () -> ()
    %mul3A_7 = arith.constant 640 : i32
    %mul3A_8 = arith.muli %arg1, %mul3A_7 : i32
    %add3A_9 = arith.constant 0 : i32
    %add3A_10 = arith.addi %mul3A_8, %add3A_9 : i32
    "tpu.region"() ({
      %run_scoped3A_68 = tpu.sem_alloc : memref<!tpu.dma_semaphore, #tpu.memory_space<semaphore_mem>>
      %dma_start3A = arith.constant 0 : i32
      %dma_start3A_69 = tpu.memref_slice %arg12[%add3A_10, %dma_start3A] : memref<10240x64xf32, #tpu.memory_space<vmem_shared>> -> memref<128x64xf32, #tpu.memory_space<vmem_shared>>
      %dma_start3A_70 = arith.constant 0 : i32
      %dma_start3A_71 = tpu.memref_slice %arg12[%add3A_10, %dma_start3A_70] : memref<10240x64xf32, #tpu.memory_space<vmem_shared>> -> memref<128x64xf32, #tpu.memory_space<vmem_shared>>
      tpu.enqueue_dma source(%arg11 : memref<128x64xf32, #tpu.memory_space<vmem>>) target(%dma_start3A_71 : memref<128x64xf32, #tpu.memory_space<vmem_shared>>) target_semaphore(%run_scoped3A_68 : memref<!tpu.dma_semaphore, #tpu.memory_space<semaphore_mem>>)
      %dma_wait3A = arith.constant 0 : i32
      %dma_wait3A_72 = tpu.memref_slice %arg12[%add3A_10, %dma_wait3A] : memref<10240x64xf32, #tpu.memory_space<vmem_shared>> -> memref<128x64xf32, #tpu.memory_space<vmem_shared>>
      %dma_wait3A_73 = arith.constant 0 : i32
      %dma_wait3A_74 = tpu.memref_slice %arg12[%add3A_10, %dma_wait3A_73] : memref<10240x64xf32, #tpu.memory_space<vmem_shared>> -> memref<128x64xf32, #tpu.memory_space<vmem_shared>>
      tpu.wait_dma2 semaphore(%run_scoped3A_68 : memref<!tpu.dma_semaphore, #tpu.memory_space<semaphore_mem>>) src(%arg11 : memref<128x64xf32, #tpu.memory_space<vmem>>) dst(%dma_wait3A_74 : memref<128x64xf32, #tpu.memory_space<vmem_shared>>)
      tpu.yield
    }) : () -> ()
    %mul3A_11 = arith.constant 640 : i32
    %mul3A_12 = arith.muli %arg1, %mul3A_11 : i32
    %add3A_13 = arith.constant 128 : i32
    %add3A_14 = arith.addi %mul3A_12, %add3A_13 : i32
    "tpu.region"() ({
      %run_scoped3A_68 = tpu.sem_alloc : memref<!tpu.dma_semaphore, #tpu.memory_space<semaphore_mem>>
      %dma_start3A = arith.constant 0 : i32
      %dma_start3A_69 = tpu.memref_slice %arg12[%add3A_14, %dma_start3A] : memref<10240x64xf32, #tpu.memory_space<vmem_shared>> -> memref<128x64xf32, #tpu.memory_space<vmem_shared>>
      %dma_start3A_70 = arith.constant 0 : i32
      %dma_start3A_71 = tpu.memref_slice %arg12[%add3A_14, %dma_start3A_70] : memref<10240x64xf32, #tpu.memory_space<vmem_shared>> -> memref<128x64xf32, #tpu.memory_space<vmem_shared>>
      tpu.enqueue_dma source(%arg11 : memref<128x64xf32, #tpu.memory_space<vmem>>) target(%dma_start3A_71 : memref<128x64xf32, #tpu.memory_space<vmem_shared>>) target_semaphore(%run_scoped3A_68 : memref<!tpu.dma_semaphore, #tpu.memory_space<semaphore_mem>>)
      %dma_wait3A = arith.constant 0 : i32
      %dma_wait3A_72 = tpu.memref_slice %arg12[%add3A_14, %dma_wait3A] : memref<10240x64xf32, #tpu.memory_space<vmem_shared>> -> memref<128x64xf32, #tpu.memory_space<vmem_shared>>
      %dma_wait3A_73 = arith.constant 0 : i32
      %dma_wait3A_74 = tpu.memref_slice %arg12[%add3A_14, %dma_wait3A_73] : memref<10240x64xf32, #tpu.memory_space<vmem_shared>> -> memref<128x64xf32, #tpu.memory_space<vmem_shared>>
      tpu.wait_dma2 semaphore(%run_scoped3A_68 : memref<!tpu.dma_semaphore, #tpu.memory_space<semaphore_mem>>) src(%arg11 : memref<128x64xf32, #tpu.memory_space<vmem>>) dst(%dma_wait3A_74 : memref<128x64xf32, #tpu.memory_space<vmem_shared>>)
      tpu.yield
    }) : () -> ()
    %mul3A_15 = arith.constant 640 : i32
    %mul3A_16 = arith.muli %arg1, %mul3A_15 : i32
    %add3A_17 = arith.constant 256 : i32
    %add3A_18 = arith.addi %mul3A_16, %add3A_17 : i32
    "tpu.region"() ({
      %run_scoped3A_68 = tpu.sem_alloc : memref<!tpu.dma_semaphore, #tpu.memory_space<semaphore_mem>>
      %dma_start3A = arith.constant 0 : i32
      %dma_start3A_69 = tpu.memref_slice %arg12[%add3A_18, %dma_start3A] : memref<10240x64xf32, #tpu.memory_space<vmem_shared>> -> memref<128x64xf32, #tpu.memory_space<vmem_shared>>
      %dma_start3A_70 = arith.constant 0 : i32
      %dma_start3A_71 = tpu.memref_slice %arg12[%add3A_18, %dma_start3A_70] : memref<10240x64xf32, #tpu.memory_space<vmem_shared>> -> memref<128x64xf32, #tpu.memory_space<vmem_shared>>
      tpu.enqueue_dma source(%arg11 : memref<128x64xf32, #tpu.memory_space<vmem>>) target(%dma_start3A_71 : memref<128x64xf32, #tpu.memory_space<vmem_shared>>) target_semaphore(%run_scoped3A_68 : memref<!tpu.dma_semaphore, #tpu.memory_space<semaphore_mem>>)
      %dma_wait3A = arith.constant 0 : i32
      %dma_wait3A_72 = tpu.memref_slice %arg12[%add3A_18, %dma_wait3A] : memref<10240x64xf32, #tpu.memory_space<vmem_shared>> -> memref<128x64xf32, #tpu.memory_space<vmem_shared>>
      %dma_wait3A_73 = arith.constant 0 : i32
      %dma_wait3A_74 = tpu.memref_slice %arg12[%add3A_18, %dma_wait3A_73] : memref<10240x64xf32, #tpu.memory_space<vmem_shared>> -> memref<128x64xf32, #tpu.memory_space<vmem_shared>>
      tpu.wait_dma2 semaphore(%run_scoped3A_68 : memref<!tpu.dma_semaphore, #tpu.memory_space<semaphore_mem>>) src(%arg11 : memref<128x64xf32, #tpu.memory_space<vmem>>) dst(%dma_wait3A_74 : memref<128x64xf32, #tpu.memory_space<vmem_shared>>)
      tpu.yield
    }) : () -> ()
    %mul3A_19 = arith.constant 640 : i32
    %mul3A_20 = arith.muli %arg1, %mul3A_19 : i32
    %add3A_21 = arith.constant 384 : i32
    %add3A_22 = arith.addi %mul3A_20, %add3A_21 : i32
    "tpu.region"() ({
      %run_scoped3A_68 = tpu.sem_alloc : memref<!tpu.dma_semaphore, #tpu.memory_space<semaphore_mem>>
      %dma_start3A = arith.constant 0 : i32
      %dma_start3A_69 = tpu.memref_slice %arg12[%add3A_22, %dma_start3A] : memref<10240x64xf32, #tpu.memory_space<vmem_shared>> -> memref<128x64xf32, #tpu.memory_space<vmem_shared>>
      %dma_start3A_70 = arith.constant 0 : i32
      %dma_start3A_71 = tpu.memref_slice %arg12[%add3A_22, %dma_start3A_70] : memref<10240x64xf32, #tpu.memory_space<vmem_shared>> -> memref<128x64xf32, #tpu.memory_space<vmem_shared>>
      tpu.enqueue_dma source(%arg11 : memref<128x64xf32, #tpu.memory_space<vmem>>) target(%dma_start3A_71 : memref<128x64xf32, #tpu.memory_space<vmem_shared>>) target_semaphore(%run_scoped3A_68 : memref<!tpu.dma_semaphore, #tpu.memory_space<semaphore_mem>>)
      %dma_wait3A = arith.constant 0 : i32
      %dma_wait3A_72 = tpu.memref_slice %arg12[%add3A_22, %dma_wait3A] : memref<10240x64xf32, #tpu.memory_space<vmem_shared>> -> memref<128x64xf32, #tpu.memory_space<vmem_shared>>
      %dma_wait3A_73 = arith.constant 0 : i32
      %dma_wait3A_74 = tpu.memref_slice %arg12[%add3A_22, %dma_wait3A_73] : memref<10240x64xf32, #tpu.memory_space<vmem_shared>> -> memref<128x64xf32, #tpu.memory_space<vmem_shared>>
      tpu.wait_dma2 semaphore(%run_scoped3A_68 : memref<!tpu.dma_semaphore, #tpu.memory_space<semaphore_mem>>) src(%arg11 : memref<128x64xf32, #tpu.memory_space<vmem>>) dst(%dma_wait3A_74 : memref<128x64xf32, #tpu.memory_space<vmem_shared>>)
      tpu.yield
    }) : () -> ()
    %mul3A_23 = arith.constant 640 : i32
    %mul3A_24 = arith.muli %arg1, %mul3A_23 : i32
    %add3A_25 = arith.constant 512 : i32
    %add3A_26 = arith.addi %mul3A_24, %add3A_25 : i32
    "tpu.region"() ({
      %run_scoped3A_68 = tpu.sem_alloc : memref<!tpu.dma_semaphore, #tpu.memory_space<semaphore_mem>>
      %dma_start3A = arith.constant 0 : i32
      %dma_start3A_69 = tpu.memref_slice %arg12[%add3A_26, %dma_start3A] : memref<10240x64xf32, #tpu.memory_space<vmem_shared>> -> memref<128x64xf32, #tpu.memory_space<vmem_shared>>
      %dma_start3A_70 = arith.constant 0 : i32
      %dma_start3A_71 = tpu.memref_slice %arg12[%add3A_26, %dma_start3A_70] : memref<10240x64xf32, #tpu.memory_space<vmem_shared>> -> memref<128x64xf32, #tpu.memory_space<vmem_shared>>
      tpu.enqueue_dma source(%arg11 : memref<128x64xf32, #tpu.memory_space<vmem>>) target(%dma_start3A_71 : memref<128x64xf32, #tpu.memory_space<vmem_shared>>) target_semaphore(%run_scoped3A_68 : memref<!tpu.dma_semaphore, #tpu.memory_space<semaphore_mem>>)
      %dma_wait3A = arith.constant 0 : i32
      %dma_wait3A_72 = tpu.memref_slice %arg12[%add3A_26, %dma_wait3A] : memref<10240x64xf32, #tpu.memory_space<vmem_shared>> -> memref<128x64xf32, #tpu.memory_space<vmem_shared>>
      %dma_wait3A_73 = arith.constant 0 : i32
      %dma_wait3A_74 = tpu.memref_slice %arg12[%add3A_26, %dma_wait3A_73] : memref<10240x64xf32, #tpu.memory_space<vmem_shared>> -> memref<128x64xf32, #tpu.memory_space<vmem_shared>>
      tpu.wait_dma2 semaphore(%run_scoped3A_68 : memref<!tpu.dma_semaphore, #tpu.memory_space<semaphore_mem>>) src(%arg11 : memref<128x64xf32, #tpu.memory_space<vmem>>) dst(%dma_wait3A_74 : memref<128x64xf32, #tpu.memory_space<vmem_shared>>)
      tpu.yield
    }) : () -> ()
    %barrier3A = arith.constant 0 : index
    tpu.barrier barrier_id(%barrier3A)
    %gt3A = arith.constant 0 : i32
    %gt3A_27 = arith.cmpi sgt, %add3A_6, %gt3A : i32
    %convert_element_type3A = arith.extui %gt3A_27 : i1 to i32
    %cond3A = arith.constant 0 : i32
    %cond3A_28 = arith.cmpi ne, %convert_element_type3A, %cond3A : i32
    scf.if %cond3A_28 {
      %dma_start3A = arith.constant 0 : i32
      %dma_start3A_68 = arith.constant 0 : i32
      %dma_start3A_69 = arith.constant 0 : i32
      %dma_start3A_70 = arith.constant 0 : i32
      %dma_start3A_71 = tpu.memref_slice %arg10[%dma_start3A_68, %dma_start3A_69, %dma_start3A_70] : memref<4x128x64xf32, #tpu.memory_space<vmem>> -> memref<1x128x64xf32, #tpu.memory_space<vmem>>
      %dma_start3A_72 = tpu.memref_squeeze %dma_start3A_71 : memref<1x128x64xf32, #tpu.memory_space<vmem>> -> memref<128x64xf32, #tpu.memory_space<vmem>>
      %dma_start3A_73 = arith.constant 0 : i32
      %dma_start3A_74 = tpu.memref_slice %arg8[%dma_start3A, %dma_start3A_73] : memref<130x128xi32, #tpu.memory_space<vmem>> -> memref<1x128xi32, #tpu.memory_space<vmem>>
      %dma_start3A_75 = tpu.memref_squeeze %dma_start3A_74 : memref<1x128xi32, #tpu.memory_space<vmem>> -> memref<128xi32, #tpu.memory_space<vmem>>
      %dma_start3A_76 = arith.constant 0 : i32
      %dma_start3A_77 = arith.constant 0 : i32
      %dma_start3A_78 = tpu.memref_slice %arg4[%dma_start3A_76, %dma_start3A_77] : memref<10000x64xf32, #tpu.memory_space<hbm>> -> memref<10000x64xf32, #tpu.memory_space<hbm>>
      tpu.enqueue_indirect_dma source(%dma_start3A_78 : memref<10000x64xf32, #tpu.memory_space<hbm>>) target(%dma_start3A_72 : memref<128x64xf32, #tpu.memory_space<vmem>>) offsets(%dma_start3A_75 : memref<128xi32, #tpu.memory_space<vmem>>) semaphore(%arg13 : memref<!tpu.dma_semaphore, #tpu.memory_space<semaphore_mem>>)
      %dma_start3A_79 = arith.constant 1 : i32
      %dma_start3A_80 = arith.constant 1 : i32
      %dma_start3A_81 = arith.constant 0 : i32
      %dma_start3A_82 = arith.constant 0 : i32
      %dma_start3A_83 = tpu.memref_slice %arg10[%dma_start3A_80, %dma_start3A_81, %dma_start3A_82] : memref<4x128x64xf32, #tpu.memory_space<vmem>> -> memref<1x128x64xf32, #tpu.memory_space<vmem>>
      %dma_start3A_84 = tpu.memref_squeeze %dma_start3A_83 : memref<1x128x64xf32, #tpu.memory_space<vmem>> -> memref<128x64xf32, #tpu.memory_space<vmem>>
      %dma_start3A_85 = arith.constant 0 : i32
      %dma_start3A_86 = tpu.memref_slice %arg8[%dma_start3A_79, %dma_start3A_85] : memref<130x128xi32, #tpu.memory_space<vmem>> -> memref<1x128xi32, #tpu.memory_space<vmem>>
      %dma_start3A_87 = tpu.memref_squeeze %dma_start3A_86 : memref<1x128xi32, #tpu.memory_space<vmem>> -> memref<128xi32, #tpu.memory_space<vmem>>
      %dma_start3A_88 = arith.constant 0 : i32
      %dma_start3A_89 = arith.constant 0 : i32
      %dma_start3A_90 = tpu.memref_slice %arg4[%dma_start3A_88, %dma_start3A_89] : memref<10000x64xf32, #tpu.memory_space<hbm>> -> memref<10000x64xf32, #tpu.memory_space<hbm>>
      tpu.enqueue_indirect_dma source(%dma_start3A_90 : memref<10000x64xf32, #tpu.memory_space<hbm>>) target(%dma_start3A_84 : memref<128x64xf32, #tpu.memory_space<vmem>>) offsets(%dma_start3A_87 : memref<128xi32, #tpu.memory_space<vmem>>) semaphore(%arg13 : memref<!tpu.dma_semaphore, #tpu.memory_space<semaphore_mem>>)
      %dma_start3A_91 = arith.constant 2 : i32
      %dma_start3A_92 = arith.constant 2 : i32
      %dma_start3A_93 = arith.constant 0 : i32
      %dma_start3A_94 = arith.constant 0 : i32
      %dma_start3A_95 = tpu.memref_slice %arg10[%dma_start3A_92, %dma_start3A_93, %dma_start3A_94] : memref<4x128x64xf32, #tpu.memory_space<vmem>> -> memref<1x128x64xf32, #tpu.memory_space<vmem>>
      %dma_start3A_96 = tpu.memref_squeeze %dma_start3A_95 : memref<1x128x64xf32, #tpu.memory_space<vmem>> -> memref<128x64xf32, #tpu.memory_space<vmem>>
      %dma_start3A_97 = arith.constant 0 : i32
      %dma_start3A_98 = tpu.memref_slice %arg8[%dma_start3A_91, %dma_start3A_97] : memref<130x128xi32, #tpu.memory_space<vmem>> -> memref<1x128xi32, #tpu.memory_space<vmem>>
      %dma_start3A_99 = tpu.memref_squeeze %dma_start3A_98 : memref<1x128xi32, #tpu.memory_space<vmem>> -> memref<128xi32, #tpu.memory_space<vmem>>
      %dma_start3A_100 = arith.constant 0 : i32
      %dma_start3A_101 = arith.constant 0 : i32
      %dma_start3A_102 = tpu.memref_slice %arg4[%dma_start3A_100, %dma_start3A_101] : memref<10000x64xf32, #tpu.memory_space<hbm>> -> memref<10000x64xf32, #tpu.memory_space<hbm>>
      tpu.enqueue_indirect_dma source(%dma_start3A_102 : memref<10000x64xf32, #tpu.memory_space<hbm>>) target(%dma_start3A_96 : memref<128x64xf32, #tpu.memory_space<vmem>>) offsets(%dma_start3A_99 : memref<128xi32, #tpu.memory_space<vmem>>) semaphore(%arg13 : memref<!tpu.dma_semaphore, #tpu.memory_space<semaphore_mem>>)
      %while3A = arith.constant 0 : i32
      %while3A_103 = arith.constant 0 : i32
      %while3A_104 = arith.subi %add3A_6, %while3A_103 : i32
      %while3A_105 = arith.addi %while3A_103, %while3A_104 : i32
      %while3A_106 = arith.constant 1 : i32
      %while3A_107 = arith.divsi %while3A_104, %while3A_106 : i32
      %while3A_108 = arith.muli %while3A_107, %while3A_106 : i32
      %while3A_109 = arith.addi %while3A_103, %while3A_108 : i32
      %while3A_110 = arith.constant 1 : i32
      scf.for %while3A_125 = %while3A_103 to %while3A_109 step %while3A_110  : i32 {
        %rem3A_126 = arith.constant 4 : i32
        %rem3A_127 = arith.remsi %while3A_125, %rem3A_126 : i32
        %dma_wait3A_128 = arith.constant 0 : i32
        %dma_wait3A_129 = arith.constant 0 : i32
        %dma_wait3A_130 = tpu.memref_slice %arg10[%rem3A_127, %dma_wait3A_128, %dma_wait3A_129] : memref<4x128x64xf32, #tpu.memory_space<vmem>> -> memref<1x128x64xf32, #tpu.memory_space<vmem>>
        %dma_wait3A_131 = tpu.memref_squeeze %dma_wait3A_130 : memref<1x128x64xf32, #tpu.memory_space<vmem>> -> memref<128x64xf32, #tpu.memory_space<vmem>>
        %dma_wait3A_132 = arith.constant 0 : i32
        %dma_wait3A_133 = tpu.memref_slice %arg8[%while3A_125, %dma_wait3A_132] : memref<130x128xi32, #tpu.memory_space<vmem>> -> memref<1x128xi32, #tpu.memory_space<vmem>>
        %dma_wait3A_134 = tpu.memref_squeeze %dma_wait3A_133 : memref<1x128xi32, #tpu.memory_space<vmem>> -> memref<128xi32, #tpu.memory_space<vmem>>
        %dma_wait3A_135 = arith.constant 0 : i32
        %dma_wait3A_136 = arith.constant 0 : i32
        %dma_wait3A_137 = tpu.memref_slice %arg4[%dma_wait3A_135, %dma_wait3A_136] : memref<10000x64xf32, #tpu.memory_space<hbm>> -> memref<10000x64xf32, #tpu.memory_space<hbm>>
        tpu.wait_indirect_dma semaphore(%arg13 : memref<!tpu.dma_semaphore, #tpu.memory_space<semaphore_mem>>) src(%dma_wait3A_137 : memref<10000x64xf32, #tpu.memory_space<hbm>>) dst(%dma_wait3A_131 : memref<128x64xf32, #tpu.memory_space<vmem>>)
        %dma_start3A_138 = arith.constant 0 : i32
        %dma_start3A_139 = arith.constant 0 : i32
        %dma_start3A_140 = tpu.memref_slice %arg10[%rem3A_127, %dma_start3A_138, %dma_start3A_139] : memref<4x128x64xf32, #tpu.memory_space<vmem>> -> memref<1x128x64xf32, #tpu.memory_space<vmem>>
        %dma_start3A_141 = tpu.memref_squeeze %dma_start3A_140 : memref<1x128x64xf32, #tpu.memory_space<vmem>> -> memref<128x64xf32, #tpu.memory_space<vmem>>
        %dma_start3A_142 = arith.constant 0 : i32
        %dma_start3A_143 = tpu.memref_slice %arg9[%while3A_125, %dma_start3A_142] : memref<130x128xi32, #tpu.memory_space<vmem>> -> memref<1x128xi32, #tpu.memory_space<vmem>>
        %dma_start3A_144 = tpu.memref_squeeze %dma_start3A_143 : memref<1x128xi32, #tpu.memory_space<vmem>> -> memref<128xi32, #tpu.memory_space<vmem>>
        %dma_start3A_145 = arith.constant 0 : i32
        %dma_start3A_146 = arith.constant 0 : i32
        %dma_start3A_147 = tpu.memref_slice %arg12[%dma_start3A_145, %dma_start3A_146] : memref<10240x64xf32, #tpu.memory_space<vmem_shared>> -> memref<10240x64xf32, #tpu.memory_space<vmem_shared>>
        tpu.enqueue_indirect_dma source(%dma_start3A_141 : memref<128x64xf32, #tpu.memory_space<vmem>>) target(%dma_start3A_147 : memref<10240x64xf32, #tpu.memory_space<vmem_shared>>) offsets(%dma_start3A_144 : memref<128xi32, #tpu.memory_space<vmem>>) semaphore(%arg14 : memref<!tpu.dma_semaphore, #tpu.memory_space<semaphore_mem>>) {add = true}
        %ge3A = arith.constant 1 : i32
        %ge3A_148 = arith.cmpi sge, %while3A_125, %ge3A : i32
        %convert_element_type3A_149 = arith.extui %ge3A_148 : i1 to i32
        %cond3A_150 = arith.constant 0 : i32
        %cond3A_151 = arith.cmpi ne, %convert_element_type3A_149, %cond3A_150 : i32
        scf.if %cond3A_151 {
          %add3A_157 = arith.constant 3 : i32
          %add3A_158 = arith.addi %while3A_125, %add3A_157 : i32
          %rem3A_159 = arith.constant 4 : i32
          %rem3A_160 = arith.remsi %add3A_158, %rem3A_159 : i32
          %sub3A_161 = arith.constant 1 : i32
          %sub3A_162 = arith.subi %while3A_125, %sub3A_161 : i32
          %dma_wait3A_163 = arith.constant 0 : i32
          %dma_wait3A_164 = arith.constant 0 : i32
          %dma_wait3A_165 = tpu.memref_slice %arg10[%rem3A_160, %dma_wait3A_163, %dma_wait3A_164] : memref<4x128x64xf32, #tpu.memory_space<vmem>> -> memref<1x128x64xf32, #tpu.memory_space<vmem>>
          %dma_wait3A_166 = tpu.memref_squeeze %dma_wait3A_165 : memref<1x128x64xf32, #tpu.memory_space<vmem>> -> memref<128x64xf32, #tpu.memory_space<vmem>>
          %dma_wait3A_167 = arith.constant 0 : i32
          %dma_wait3A_168 = tpu.memref_slice %arg9[%sub3A_162, %dma_wait3A_167] : memref<130x128xi32, #tpu.memory_space<vmem>> -> memref<1x128xi32, #tpu.memory_space<vmem>>
          %dma_wait3A_169 = tpu.memref_squeeze %dma_wait3A_168 : memref<1x128xi32, #tpu.memory_space<vmem>> -> memref<128xi32, #tpu.memory_space<vmem>>
          %dma_wait3A_170 = arith.constant 0 : i32
          %dma_wait3A_171 = arith.constant 0 : i32
          %dma_wait3A_172 = tpu.memref_slice %arg12[%dma_wait3A_170, %dma_wait3A_171] : memref<10240x64xf32, #tpu.memory_space<vmem_shared>> -> memref<10240x64xf32, #tpu.memory_space<vmem_shared>>
          tpu.wait_indirect_dma semaphore(%arg14 : memref<!tpu.dma_semaphore, #tpu.memory_space<semaphore_mem>>) src(%dma_wait3A_166 : memref<128x64xf32, #tpu.memory_space<vmem>>) dst(%dma_wait3A_172 : memref<10240x64xf32, #tpu.memory_space<vmem_shared>>)
        } else {
        }
        %add3A_152 = arith.constant 3 : i32
        %add3A_153 = arith.addi %while3A_125, %add3A_152 : i32
        %lt3A = arith.cmpi slt, %add3A_153, %add3A_6 : i32
        %convert_element_type3A_154 = arith.extui %lt3A : i1 to i32
        %cond3A_155 = arith.constant 0 : i32
        %cond3A_156 = arith.cmpi ne, %convert_element_type3A_154, %cond3A_155 : i32
        scf.if %cond3A_156 {
          %add3A_157 = arith.constant 3 : i32
          %add3A_158 = arith.addi %while3A_125, %add3A_157 : i32
          %add3A_159 = arith.constant 3 : i32
          %add3A_160 = arith.addi %while3A_125, %add3A_159 : i32
          %rem3A_161 = arith.constant 4 : i32
          %rem3A_162 = arith.remsi %add3A_160, %rem3A_161 : i32
          %dma_start3A_163 = arith.constant 0 : i32
          %dma_start3A_164 = arith.constant 0 : i32
          %dma_start3A_165 = tpu.memref_slice %arg10[%rem3A_162, %dma_start3A_163, %dma_start3A_164] : memref<4x128x64xf32, #tpu.memory_space<vmem>> -> memref<1x128x64xf32, #tpu.memory_space<vmem>>
          %dma_start3A_166 = tpu.memref_squeeze %dma_start3A_165 : memref<1x128x64xf32, #tpu.memory_space<vmem>> -> memref<128x64xf32, #tpu.memory_space<vmem>>
          %dma_start3A_167 = arith.constant 0 : i32
          %dma_start3A_168 = tpu.memref_slice %arg8[%add3A_158, %dma_start3A_167] : memref<130x128xi32, #tpu.memory_space<vmem>> -> memref<1x128xi32, #tpu.memory_space<vmem>>
          %dma_start3A_169 = tpu.memref_squeeze %dma_start3A_168 : memref<1x128xi32, #tpu.memory_space<vmem>> -> memref<128xi32, #tpu.memory_space<vmem>>
          %dma_start3A_170 = arith.constant 0 : i32
          %dma_start3A_171 = arith.constant 0 : i32
          %dma_start3A_172 = tpu.memref_slice %arg4[%dma_start3A_170, %dma_start3A_171] : memref<10000x64xf32, #tpu.memory_space<hbm>> -> memref<10000x64xf32, #tpu.memory_space<hbm>>
          tpu.enqueue_indirect_dma source(%dma_start3A_172 : memref<10000x64xf32, #tpu.memory_space<hbm>>) target(%dma_start3A_166 : memref<128x64xf32, #tpu.memory_space<vmem>>) offsets(%dma_start3A_169 : memref<128xi32, #tpu.memory_space<vmem>>) semaphore(%arg13 : memref<!tpu.dma_semaphore, #tpu.memory_space<semaphore_mem>>)
        } else {
        }
      }
      %while3A_111 = arith.constant 1 : i32
      scf.for %while3A_125 = %while3A_109 to %while3A_105 step %while3A_111  : i32 {
        %rem3A_126 = arith.constant 4 : i32
        %rem3A_127 = arith.remsi %while3A_125, %rem3A_126 : i32
        %dma_wait3A_128 = arith.constant 0 : i32
        %dma_wait3A_129 = arith.constant 0 : i32
        %dma_wait3A_130 = tpu.memref_slice %arg10[%rem3A_127, %dma_wait3A_128, %dma_wait3A_129] : memref<4x128x64xf32, #tpu.memory_space<vmem>> -> memref<1x128x64xf32, #tpu.memory_space<vmem>>
        %dma_wait3A_131 = tpu.memref_squeeze %dma_wait3A_130 : memref<1x128x64xf32, #tpu.memory_space<vmem>> -> memref<128x64xf32, #tpu.memory_space<vmem>>
        %dma_wait3A_132 = arith.constant 0 : i32
        %dma_wait3A_133 = tpu.memref_slice %arg8[%while3A_125, %dma_wait3A_132] : memref<130x128xi32, #tpu.memory_space<vmem>> -> memref<1x128xi32, #tpu.memory_space<vmem>>
        %dma_wait3A_134 = tpu.memref_squeeze %dma_wait3A_133 : memref<1x128xi32, #tpu.memory_space<vmem>> -> memref<128xi32, #tpu.memory_space<vmem>>
        %dma_wait3A_135 = arith.constant 0 : i32
        %dma_wait3A_136 = arith.constant 0 : i32
        %dma_wait3A_137 = tpu.memref_slice %arg4[%dma_wait3A_135, %dma_wait3A_136] : memref<10000x64xf32, #tpu.memory_space<hbm>> -> memref<10000x64xf32, #tpu.memory_space<hbm>>
        tpu.wait_indirect_dma semaphore(%arg13 : memref<!tpu.dma_semaphore, #tpu.memory_space<semaphore_mem>>) src(%dma_wait3A_137 : memref<10000x64xf32, #tpu.memory_space<hbm>>) dst(%dma_wait3A_131 : memref<128x64xf32, #tpu.memory_space<vmem>>)
        %dma_start3A_138 = arith.constant 0 : i32
        %dma_start3A_139 = arith.constant 0 : i32
        %dma_start3A_140 = tpu.memref_slice %arg10[%rem3A_127, %dma_start3A_138, %dma_start3A_139] : memref<4x128x64xf32, #tpu.memory_space<vmem>> -> memref<1x128x64xf32, #tpu.memory_space<vmem>>
        %dma_start3A_141 = tpu.memref_squeeze %dma_start3A_140 : memref<1x128x64xf32, #tpu.memory_space<vmem>> -> memref<128x64xf32, #tpu.memory_space<vmem>>
        %dma_start3A_142 = arith.constant 0 : i32
        %dma_start3A_143 = tpu.memref_slice %arg9[%while3A_125, %dma_start3A_142] : memref<130x128xi32, #tpu.memory_space<vmem>> -> memref<1x128xi32, #tpu.memory_space<vmem>>
        %dma_start3A_144 = tpu.memref_squeeze %dma_start3A_143 : memref<1x128xi32, #tpu.memory_space<vmem>> -> memref<128xi32, #tpu.memory_space<vmem>>
        %dma_start3A_145 = arith.constant 0 : i32
        %dma_start3A_146 = arith.constant 0 : i32
        %dma_start3A_147 = tpu.memref_slice %arg12[%dma_start3A_145, %dma_start3A_146] : memref<10240x64xf32, #tpu.memory_space<vmem_shared>> -> memref<10240x64xf32, #tpu.memory_space<vmem_shared>>
        tpu.enqueue_indirect_dma source(%dma_start3A_141 : memref<128x64xf32, #tpu.memory_space<vmem>>) target(%dma_start3A_147 : memref<10240x64xf32, #tpu.memory_space<vmem_shared>>) offsets(%dma_start3A_144 : memref<128xi32, #tpu.memory_space<vmem>>) semaphore(%arg14 : memref<!tpu.dma_semaphore, #tpu.memory_space<semaphore_mem>>) {add = true}
        %ge3A = arith.constant 1 : i32
        %ge3A_148 = arith.cmpi sge, %while3A_125, %ge3A : i32
        %convert_element_type3A_149 = arith.extui %ge3A_148 : i1 to i32
        %cond3A_150 = arith.constant 0 : i32
        %cond3A_151 = arith.cmpi ne, %convert_element_type3A_149, %cond3A_150 : i32
        scf.if %cond3A_151 {
          %add3A_157 = arith.constant 3 : i32
          %add3A_158 = arith.addi %while3A_125, %add3A_157 : i32
          %rem3A_159 = arith.constant 4 : i32
          %rem3A_160 = arith.remsi %add3A_158, %rem3A_159 : i32
          %sub3A_161 = arith.constant 1 : i32
          %sub3A_162 = arith.subi %while3A_125, %sub3A_161 : i32
          %dma_wait3A_163 = arith.constant 0 : i32
          %dma_wait3A_164 = arith.constant 0 : i32
          %dma_wait3A_165 = tpu.memref_slice %arg10[%rem3A_160, %dma_wait3A_163, %dma_wait3A_164] : memref<4x128x64xf32, #tpu.memory_space<vmem>> -> memref<1x128x64xf32, #tpu.memory_space<vmem>>
          %dma_wait3A_166 = tpu.memref_squeeze %dma_wait3A_165 : memref<1x128x64xf32, #tpu.memory_space<vmem>> -> memref<128x64xf32, #tpu.memory_space<vmem>>
          %dma_wait3A_167 = arith.constant 0 : i32
          %dma_wait3A_168 = tpu.memref_slice %arg9[%sub3A_162, %dma_wait3A_167] : memref<130x128xi32, #tpu.memory_space<vmem>> -> memref<1x128xi32, #tpu.memory_space<vmem>>
          %dma_wait3A_169 = tpu.memref_squeeze %dma_wait3A_168 : memref<1x128xi32, #tpu.memory_space<vmem>> -> memref<128xi32, #tpu.memory_space<vmem>>
          %dma_wait3A_170 = arith.constant 0 : i32
          %dma_wait3A_171 = arith.constant 0 : i32
          %dma_wait3A_172 = tpu.memref_slice %arg12[%dma_wait3A_170, %dma_wait3A_171] : memref<10240x64xf32, #tpu.memory_space<vmem_shared>> -> memref<10240x64xf32, #tpu.memory_space<vmem_shared>>
          tpu.wait_indirect_dma semaphore(%arg14 : memref<!tpu.dma_semaphore, #tpu.memory_space<semaphore_mem>>) src(%dma_wait3A_166 : memref<128x64xf32, #tpu.memory_space<vmem>>) dst(%dma_wait3A_172 : memref<10240x64xf32, #tpu.memory_space<vmem_shared>>)
        } else {
        }
        %add3A_152 = arith.constant 3 : i32
        %add3A_153 = arith.addi %while3A_125, %add3A_152 : i32
        %lt3A = arith.cmpi slt, %add3A_153, %add3A_6 : i32
        %convert_element_type3A_154 = arith.extui %lt3A : i1 to i32
        %cond3A_155 = arith.constant 0 : i32
        %cond3A_156 = arith.cmpi ne, %convert_element_type3A_154, %cond3A_155 : i32
        scf.if %cond3A_156 {
          %add3A_157 = arith.constant 3 : i32
          %add3A_158 = arith.addi %while3A_125, %add3A_157 : i32
          %add3A_159 = arith.constant 3 : i32
          %add3A_160 = arith.addi %while3A_125, %add3A_159 : i32
          %rem3A_161 = arith.constant 4 : i32
          %rem3A_162 = arith.remsi %add3A_160, %rem3A_161 : i32
          %dma_start3A_163 = arith.constant 0 : i32
          %dma_start3A_164 = arith.constant 0 : i32
          %dma_start3A_165 = tpu.memref_slice %arg10[%rem3A_162, %dma_start3A_163, %dma_start3A_164] : memref<4x128x64xf32, #tpu.memory_space<vmem>> -> memref<1x128x64xf32, #tpu.memory_space<vmem>>
          %dma_start3A_166 = tpu.memref_squeeze %dma_start3A_165 : memref<1x128x64xf32, #tpu.memory_space<vmem>> -> memref<128x64xf32, #tpu.memory_space<vmem>>
          %dma_start3A_167 = arith.constant 0 : i32
          %dma_start3A_168 = tpu.memref_slice %arg8[%add3A_158, %dma_start3A_167] : memref<130x128xi32, #tpu.memory_space<vmem>> -> memref<1x128xi32, #tpu.memory_space<vmem>>
          %dma_start3A_169 = tpu.memref_squeeze %dma_start3A_168 : memref<1x128xi32, #tpu.memory_space<vmem>> -> memref<128xi32, #tpu.memory_space<vmem>>
          %dma_start3A_170 = arith.constant 0 : i32
          %dma_start3A_171 = arith.constant 0 : i32
          %dma_start3A_172 = tpu.memref_slice %arg4[%dma_start3A_170, %dma_start3A_171] : memref<10000x64xf32, #tpu.memory_space<hbm>> -> memref<10000x64xf32, #tpu.memory_space<hbm>>
          tpu.enqueue_indirect_dma source(%dma_start3A_172 : memref<10000x64xf32, #tpu.memory_space<hbm>>) target(%dma_start3A_166 : memref<128x64xf32, #tpu.memory_space<vmem>>) offsets(%dma_start3A_169 : memref<128xi32, #tpu.memory_space<vmem>>) semaphore(%arg13 : memref<!tpu.dma_semaphore, #tpu.memory_space<semaphore_mem>>)
        } else {
        }
      }
      %sub3A = arith.constant 1 : i32
      %sub3A_112 = arith.subi %add3A_6, %sub3A : i32
      %rem3A = arith.constant 4 : i32
      %rem3A_113 = arith.remsi %sub3A_112, %rem3A : i32
      %sub3A_114 = arith.constant 1 : i32
      %sub3A_115 = arith.subi %add3A_6, %sub3A_114 : i32
      %dma_wait3A = arith.constant 0 : i32
      %dma_wait3A_116 = arith.constant 0 : i32
      %dma_wait3A_117 = tpu.memref_slice %arg10[%rem3A_113, %dma_wait3A, %dma_wait3A_116] : memref<4x128x64xf32, #tpu.memory_space<vmem>> -> memref<1x128x64xf32, #tpu.memory_space<vmem>>
      %dma_wait3A_118 = tpu.memref_squeeze %dma_wait3A_117 : memref<1x128x64xf32, #tpu.memory_space<vmem>> -> memref<128x64xf32, #tpu.memory_space<vmem>>
      %dma_wait3A_119 = arith.constant 0 : i32
      %dma_wait3A_120 = tpu.memref_slice %arg9[%sub3A_115, %dma_wait3A_119] : memref<130x128xi32, #tpu.memory_space<vmem>> -> memref<1x128xi32, #tpu.memory_space<vmem>>
      %dma_wait3A_121 = tpu.memref_squeeze %dma_wait3A_120 : memref<1x128xi32, #tpu.memory_space<vmem>> -> memref<128xi32, #tpu.memory_space<vmem>>
      %dma_wait3A_122 = arith.constant 0 : i32
      %dma_wait3A_123 = arith.constant 0 : i32
      %dma_wait3A_124 = tpu.memref_slice %arg12[%dma_wait3A_122, %dma_wait3A_123] : memref<10240x64xf32, #tpu.memory_space<vmem_shared>> -> memref<10240x64xf32, #tpu.memory_space<vmem_shared>>
      tpu.wait_indirect_dma semaphore(%arg14 : memref<!tpu.dma_semaphore, #tpu.memory_space<semaphore_mem>>) src(%dma_wait3A_118 : memref<128x64xf32, #tpu.memory_space<vmem>>) dst(%dma_wait3A_124 : memref<10240x64xf32, #tpu.memory_space<vmem_shared>>)
    } else {
    }
    %barrier3A_29 = arith.constant 0 : index
    tpu.barrier barrier_id(%barrier3A_29)
    %mul3A_30 = arith.constant 640 : i32
    %mul3A_31 = arith.muli %arg1, %mul3A_30 : i32
    %mul3A_32 = arith.constant 640 : i32
    %mul3A_33 = arith.muli %arg1, %mul3A_32 : i32
    %run_scoped3A = arith.constant 0 : i32
    "tpu.region"() ({
      %run_scoped3A_68 = tpu.sem_alloc : memref<!tpu.dma_semaphore, #tpu.memory_space<semaphore_mem>>
      %dma_start3A = arith.constant 0 : i32
      %dma_start3A_69 = tpu.memref_slice %arg7[%arg0, %run_scoped3A, %mul3A_33, %dma_start3A] : memref<2x2x10240x64xf32, #tpu.memory_space<hbm>> -> memref<1x1x640x64xf32, #tpu.memory_space<hbm>>
      %dma_start3A_70 = tpu.memref_squeeze %dma_start3A_69 : memref<1x1x640x64xf32, #tpu.memory_space<hbm>> -> memref<640x64xf32, #tpu.memory_space<hbm>>
      %dma_start3A_71 = arith.constant 0 : i32
      %dma_start3A_72 = tpu.memref_slice %arg12[%mul3A_31, %dma_start3A_71] : memref<10240x64xf32, #tpu.memory_space<vmem_shared>> -> memref<640x64xf32, #tpu.memory_space<vmem_shared>>
      tpu.enqueue_dma source(%dma_start3A_72 : memref<640x64xf32, #tpu.memory_space<vmem_shared>>) target(%dma_start3A_70 : memref<640x64xf32, #tpu.memory_space<hbm>>) target_semaphore(%run_scoped3A_68 : memref<!tpu.dma_semaphore, #tpu.memory_space<semaphore_mem>>)
      %dma_wait3A = arith.constant 0 : i32
      %dma_wait3A_73 = tpu.memref_slice %arg7[%arg0, %run_scoped3A, %mul3A_33, %dma_wait3A] : memref<2x2x10240x64xf32, #tpu.memory_space<hbm>> -> memref<1x1x640x64xf32, #tpu.memory_space<hbm>>
      %dma_wait3A_74 = tpu.memref_squeeze %dma_wait3A_73 : memref<1x1x640x64xf32, #tpu.memory_space<hbm>> -> memref<640x64xf32, #tpu.memory_space<hbm>>
      %dma_wait3A_75 = arith.constant 0 : i32
      %dma_wait3A_76 = tpu.memref_slice %arg12[%mul3A_31, %dma_wait3A_75] : memref<10240x64xf32, #tpu.memory_space<vmem_shared>> -> memref<640x64xf32, #tpu.memory_space<vmem_shared>>
      tpu.wait_dma2 semaphore(%run_scoped3A_68 : memref<!tpu.dma_semaphore, #tpu.memory_space<semaphore_mem>>) src(%dma_wait3A_76 : memref<640x64xf32, #tpu.memory_space<vmem_shared>>) dst(%dma_wait3A_74 : memref<640x64xf32, #tpu.memory_space<hbm>>)
      tpu.yield
    }) : () -> ()
    %barrier3A_34 = arith.constant 0 : index
    tpu.barrier barrier_id(%barrier3A_34)
    %mul3A_35 = arith.constant 640 : i32
    %mul3A_36 = arith.muli %arg1, %mul3A_35 : i32
    %add3A_37 = arith.constant 0 : i32
    %add3A_38 = arith.addi %mul3A_36, %add3A_37 : i32
    "tpu.region"() ({
      %run_scoped3A_68 = tpu.sem_alloc : memref<!tpu.dma_semaphore, #tpu.memory_space<semaphore_mem>>
      %dma_start3A = arith.constant 0 : i32
      %dma_start3A_69 = tpu.memref_slice %arg12[%add3A_38, %dma_start3A] : memref<10240x64xf32, #tpu.memory_space<vmem_shared>> -> memref<128x64xf32, #tpu.memory_space<vmem_shared>>
      %dma_start3A_70 = arith.constant 0 : i32
      %dma_start3A_71 = tpu.memref_slice %arg12[%add3A_38, %dma_start3A_70] : memref<10240x64xf32, #tpu.memory_space<vmem_shared>> -> memref<128x64xf32, #tpu.memory_space<vmem_shared>>
      tpu.enqueue_dma source(%arg11 : memref<128x64xf32, #tpu.memory_space<vmem>>) target(%dma_start3A_71 : memref<128x64xf32, #tpu.memory_space<vmem_shared>>) target_semaphore(%run_scoped3A_68 : memref<!tpu.dma_semaphore, #tpu.memory_space<semaphore_mem>>)
      %dma_wait3A = arith.constant 0 : i32
      %dma_wait3A_72 = tpu.memref_slice %arg12[%add3A_38, %dma_wait3A] : memref<10240x64xf32, #tpu.memory_space<vmem_shared>> -> memref<128x64xf32, #tpu.memory_space<vmem_shared>>
      %dma_wait3A_73 = arith.constant 0 : i32
      %dma_wait3A_74 = tpu.memref_slice %arg12[%add3A_38, %dma_wait3A_73] : memref<10240x64xf32, #tpu.memory_space<vmem_shared>> -> memref<128x64xf32, #tpu.memory_space<vmem_shared>>
      tpu.wait_dma2 semaphore(%run_scoped3A_68 : memref<!tpu.dma_semaphore, #tpu.memory_space<semaphore_mem>>) src(%arg11 : memref<128x64xf32, #tpu.memory_space<vmem>>) dst(%dma_wait3A_74 : memref<128x64xf32, #tpu.memory_space<vmem_shared>>)
      tpu.yield
    }) : () -> ()
    %mul3A_39 = arith.constant 640 : i32
    %mul3A_40 = arith.muli %arg1, %mul3A_39 : i32
    %add3A_41 = arith.constant 128 : i32
    %add3A_42 = arith.addi %mul3A_40, %add3A_41 : i32
    "tpu.region"() ({
      %run_scoped3A_68 = tpu.sem_alloc : memref<!tpu.dma_semaphore, #tpu.memory_space<semaphore_mem>>
      %dma_start3A = arith.constant 0 : i32
      %dma_start3A_69 = tpu.memref_slice %arg12[%add3A_42, %dma_start3A] : memref<10240x64xf32, #tpu.memory_space<vmem_shared>> -> memref<128x64xf32, #tpu.memory_space<vmem_shared>>
      %dma_start3A_70 = arith.constant 0 : i32
      %dma_start3A_71 = tpu.memref_slice %arg12[%add3A_42, %dma_start3A_70] : memref<10240x64xf32, #tpu.memory_space<vmem_shared>> -> memref<128x64xf32, #tpu.memory_space<vmem_shared>>
      tpu.enqueue_dma source(%arg11 : memref<128x64xf32, #tpu.memory_space<vmem>>) target(%dma_start3A_71 : memref<128x64xf32, #tpu.memory_space<vmem_shared>>) target_semaphore(%run_scoped3A_68 : memref<!tpu.dma_semaphore, #tpu.memory_space<semaphore_mem>>)
      %dma_wait3A = arith.constant 0 : i32
      %dma_wait3A_72 = tpu.memref_slice %arg12[%add3A_42, %dma_wait3A] : memref<10240x64xf32, #tpu.memory_space<vmem_shared>> -> memref<128x64xf32, #tpu.memory_space<vmem_shared>>
      %dma_wait3A_73 = arith.constant 0 : i32
      %dma_wait3A_74 = tpu.memref_slice %arg12[%add3A_42, %dma_wait3A_73] : memref<10240x64xf32, #tpu.memory_space<vmem_shared>> -> memref<128x64xf32, #tpu.memory_space<vmem_shared>>
      tpu.wait_dma2 semaphore(%run_scoped3A_68 : memref<!tpu.dma_semaphore, #tpu.memory_space<semaphore_mem>>) src(%arg11 : memref<128x64xf32, #tpu.memory_space<vmem>>) dst(%dma_wait3A_74 : memref<128x64xf32, #tpu.memory_space<vmem_shared>>)
      tpu.yield
    }) : () -> ()
    %mul3A_43 = arith.constant 640 : i32
    %mul3A_44 = arith.muli %arg1, %mul3A_43 : i32
    %add3A_45 = arith.constant 256 : i32
    %add3A_46 = arith.addi %mul3A_44, %add3A_45 : i32
    "tpu.region"() ({
      %run_scoped3A_68 = tpu.sem_alloc : memref<!tpu.dma_semaphore, #tpu.memory_space<semaphore_mem>>
      %dma_start3A = arith.constant 0 : i32
      %dma_start3A_69 = tpu.memref_slice %arg12[%add3A_46, %dma_start3A] : memref<10240x64xf32, #tpu.memory_space<vmem_shared>> -> memref<128x64xf32, #tpu.memory_space<vmem_shared>>
      %dma_start3A_70 = arith.constant 0 : i32
      %dma_start3A_71 = tpu.memref_slice %arg12[%add3A_46, %dma_start3A_70] : memref<10240x64xf32, #tpu.memory_space<vmem_shared>> -> memref<128x64xf32, #tpu.memory_space<vmem_shared>>
      tpu.enqueue_dma source(%arg11 : memref<128x64xf32, #tpu.memory_space<vmem>>) target(%dma_start3A_71 : memref<128x64xf32, #tpu.memory_space<vmem_shared>>) target_semaphore(%run_scoped3A_68 : memref<!tpu.dma_semaphore, #tpu.memory_space<semaphore_mem>>)
      %dma_wait3A = arith.constant 0 : i32
      %dma_wait3A_72 = tpu.memref_slice %arg12[%add3A_46, %dma_wait3A] : memref<10240x64xf32, #tpu.memory_space<vmem_shared>> -> memref<128x64xf32, #tpu.memory_space<vmem_shared>>
      %dma_wait3A_73 = arith.constant 0 : i32
      %dma_wait3A_74 = tpu.memref_slice %arg12[%add3A_46, %dma_wait3A_73] : memref<10240x64xf32, #tpu.memory_space<vmem_shared>> -> memref<128x64xf32, #tpu.memory_space<vmem_shared>>
      tpu.wait_dma2 semaphore(%run_scoped3A_68 : memref<!tpu.dma_semaphore, #tpu.memory_space<semaphore_mem>>) src(%arg11 : memref<128x64xf32, #tpu.memory_space<vmem>>) dst(%dma_wait3A_74 : memref<128x64xf32, #tpu.memory_space<vmem_shared>>)
      tpu.yield
    }) : () -> ()
    %mul3A_47 = arith.constant 640 : i32
    %mul3A_48 = arith.muli %arg1, %mul3A_47 : i32
    %add3A_49 = arith.constant 384 : i32
    %add3A_50 = arith.addi %mul3A_48, %add3A_49 : i32
    "tpu.region"() ({
      %run_scoped3A_68 = tpu.sem_alloc : memref<!tpu.dma_semaphore, #tpu.memory_space<semaphore_mem>>
      %dma_start3A = arith.constant 0 : i32
      %dma_start3A_69 = tpu.memref_slice %arg12[%add3A_50, %dma_start3A] : memref<10240x64xf32, #tpu.memory_space<vmem_shared>> -> memref<128x64xf32, #tpu.memory_space<vmem_shared>>
      %dma_start3A_70 = arith.constant 0 : i32
      %dma_start3A_71 = tpu.memref_slice %arg12[%add3A_50, %dma_start3A_70] : memref<10240x64xf32, #tpu.memory_space<vmem_shared>> -> memref<128x64xf32, #tpu.memory_space<vmem_shared>>
      tpu.enqueue_dma source(%arg11 : memref<128x64xf32, #tpu.memory_space<vmem>>) target(%dma_start3A_71 : memref<128x64xf32, #tpu.memory_space<vmem_shared>>) target_semaphore(%run_scoped3A_68 : memref<!tpu.dma_semaphore, #tpu.memory_space<semaphore_mem>>)
      %dma_wait3A = arith.constant 0 : i32
      %dma_wait3A_72 = tpu.memref_slice %arg12[%add3A_50, %dma_wait3A] : memref<10240x64xf32, #tpu.memory_space<vmem_shared>> -> memref<128x64xf32, #tpu.memory_space<vmem_shared>>
      %dma_wait3A_73 = arith.constant 0 : i32
      %dma_wait3A_74 = tpu.memref_slice %arg12[%add3A_50, %dma_wait3A_73] : memref<10240x64xf32, #tpu.memory_space<vmem_shared>> -> memref<128x64xf32, #tpu.memory_space<vmem_shared>>
      tpu.wait_dma2 semaphore(%run_scoped3A_68 : memref<!tpu.dma_semaphore, #tpu.memory_space<semaphore_mem>>) src(%arg11 : memref<128x64xf32, #tpu.memory_space<vmem>>) dst(%dma_wait3A_74 : memref<128x64xf32, #tpu.memory_space<vmem_shared>>)
      tpu.yield
    }) : () -> ()
    %mul3A_51 = arith.constant 640 : i32
    %mul3A_52 = arith.muli %arg1, %mul3A_51 : i32
    %add3A_53 = arith.constant 512 : i32
    %add3A_54 = arith.addi %mul3A_52, %add3A_53 : i32
    "tpu.region"() ({
      %run_scoped3A_68 = tpu.sem_alloc : memref<!tpu.dma_semaphore, #tpu.memory_space<semaphore_mem>>
      %dma_start3A = arith.constant 0 : i32
      %dma_start3A_69 = tpu.memref_slice %arg12[%add3A_54, %dma_start3A] : memref<10240x64xf32, #tpu.memory_space<vmem_shared>> -> memref<128x64xf32, #tpu.memory_space<vmem_shared>>
      %dma_start3A_70 = arith.constant 0 : i32
      %dma_start3A_71 = tpu.memref_slice %arg12[%add3A_54, %dma_start3A_70] : memref<10240x64xf32, #tpu.memory_space<vmem_shared>> -> memref<128x64xf32, #tpu.memory_space<vmem_shared>>
      tpu.enqueue_dma source(%arg11 : memref<128x64xf32, #tpu.memory_space<vmem>>) target(%dma_start3A_71 : memref<128x64xf32, #tpu.memory_space<vmem_shared>>) target_semaphore(%run_scoped3A_68 : memref<!tpu.dma_semaphore, #tpu.memory_space<semaphore_mem>>)
      %dma_wait3A = arith.constant 0 : i32
      %dma_wait3A_72 = tpu.memref_slice %arg12[%add3A_54, %dma_wait3A] : memref<10240x64xf32, #tpu.memory_space<vmem_shared>> -> memref<128x64xf32, #tpu.memory_space<vmem_shared>>
      %dma_wait3A_73 = arith.constant 0 : i32
      %dma_wait3A_74 = tpu.memref_slice %arg12[%add3A_54, %dma_wait3A_73] : memref<10240x64xf32, #tpu.memory_space<vmem_shared>> -> memref<128x64xf32, #tpu.memory_space<vmem_shared>>
      tpu.wait_dma2 semaphore(%run_scoped3A_68 : memref<!tpu.dma_semaphore, #tpu.memory_space<semaphore_mem>>) src(%arg11 : memref<128x64xf32, #tpu.memory_space<vmem>>) dst(%dma_wait3A_74 : memref<128x64xf32, #tpu.memory_space<vmem_shared>>)
      tpu.yield
    }) : () -> ()
    %barrier3A_55 = arith.constant 0 : index
    tpu.barrier barrier_id(%barrier3A_55)
    %gt3A_56 = arith.constant 0 : i32
    %gt3A_57 = arith.cmpi sgt, %add3A_6, %gt3A_56 : i32
    %convert_element_type3A_58 = arith.extui %gt3A_57 : i1 to i32
    %cond3A_59 = arith.constant 0 : i32
    %cond3A_60 = arith.cmpi ne, %convert_element_type3A_58, %cond3A_59 : i32
    scf.if %cond3A_60 {
      %dma_start3A = arith.constant 0 : i32
      %dma_start3A_68 = arith.constant 0 : i32
      %dma_start3A_69 = arith.constant 0 : i32
      %dma_start3A_70 = arith.constant 0 : i32
      %dma_start3A_71 = tpu.memref_slice %arg10[%dma_start3A_68, %dma_start3A_69, %dma_start3A_70] : memref<4x128x64xf32, #tpu.memory_space<vmem>> -> memref<1x128x64xf32, #tpu.memory_space<vmem>>
      %dma_start3A_72 = tpu.memref_squeeze %dma_start3A_71 : memref<1x128x64xf32, #tpu.memory_space<vmem>> -> memref<128x64xf32, #tpu.memory_space<vmem>>
      %dma_start3A_73 = arith.constant 0 : i32
      %dma_start3A_74 = tpu.memref_slice %arg8[%dma_start3A, %dma_start3A_73] : memref<130x128xi32, #tpu.memory_space<vmem>> -> memref<1x128xi32, #tpu.memory_space<vmem>>
      %dma_start3A_75 = tpu.memref_squeeze %dma_start3A_74 : memref<1x128xi32, #tpu.memory_space<vmem>> -> memref<128xi32, #tpu.memory_space<vmem>>
      %dma_start3A_76 = arith.constant 0 : i32
      %dma_start3A_77 = arith.constant 0 : i32
      %dma_start3A_78 = tpu.memref_slice %arg5[%dma_start3A_76, %dma_start3A_77] : memref<10000x64xf32, #tpu.memory_space<hbm>> -> memref<10000x64xf32, #tpu.memory_space<hbm>>
      tpu.enqueue_indirect_dma source(%dma_start3A_78 : memref<10000x64xf32, #tpu.memory_space<hbm>>) target(%dma_start3A_72 : memref<128x64xf32, #tpu.memory_space<vmem>>) offsets(%dma_start3A_75 : memref<128xi32, #tpu.memory_space<vmem>>) semaphore(%arg13 : memref<!tpu.dma_semaphore, #tpu.memory_space<semaphore_mem>>)
      %dma_start3A_79 = arith.constant 1 : i32
      %dma_start3A_80 = arith.constant 1 : i32
      %dma_start3A_81 = arith.constant 0 : i32
      %dma_start3A_82 = arith.constant 0 : i32
      %dma_start3A_83 = tpu.memref_slice %arg10[%dma_start3A_80, %dma_start3A_81, %dma_start3A_82] : memref<4x128x64xf32, #tpu.memory_space<vmem>> -> memref<1x128x64xf32, #tpu.memory_space<vmem>>
      %dma_start3A_84 = tpu.memref_squeeze %dma_start3A_83 : memref<1x128x64xf32, #tpu.memory_space<vmem>> -> memref<128x64xf32, #tpu.memory_space<vmem>>
      %dma_start3A_85 = arith.constant 0 : i32
      %dma_start3A_86 = tpu.memref_slice %arg8[%dma_start3A_79, %dma_start3A_85] : memref<130x128xi32, #tpu.memory_space<vmem>> -> memref<1x128xi32, #tpu.memory_space<vmem>>
      %dma_start3A_87 = tpu.memref_squeeze %dma_start3A_86 : memref<1x128xi32, #tpu.memory_space<vmem>> -> memref<128xi32, #tpu.memory_space<vmem>>
      %dma_start3A_88 = arith.constant 0 : i32
      %dma_start3A_89 = arith.constant 0 : i32
      %dma_start3A_90 = tpu.memref_slice %arg5[%dma_start3A_88, %dma_start3A_89] : memref<10000x64xf32, #tpu.memory_space<hbm>> -> memref<10000x64xf32, #tpu.memory_space<hbm>>
      tpu.enqueue_indirect_dma source(%dma_start3A_90 : memref<10000x64xf32, #tpu.memory_space<hbm>>) target(%dma_start3A_84 : memref<128x64xf32, #tpu.memory_space<vmem>>) offsets(%dma_start3A_87 : memref<128xi32, #tpu.memory_space<vmem>>) semaphore(%arg13 : memref<!tpu.dma_semaphore, #tpu.memory_space<semaphore_mem>>)
      %dma_start3A_91 = arith.constant 2 : i32
      %dma_start3A_92 = arith.constant 2 : i32
      %dma_start3A_93 = arith.constant 0 : i32
      %dma_start3A_94 = arith.constant 0 : i32
      %dma_start3A_95 = tpu.memref_slice %arg10[%dma_start3A_92, %dma_start3A_93, %dma_start3A_94] : memref<4x128x64xf32, #tpu.memory_space<vmem>> -> memref<1x128x64xf32, #tpu.memory_space<vmem>>
      %dma_start3A_96 = tpu.memref_squeeze %dma_start3A_95 : memref<1x128x64xf32, #tpu.memory_space<vmem>> -> memref<128x64xf32, #tpu.memory_space<vmem>>
      %dma_start3A_97 = arith.constant 0 : i32
      %dma_start3A_98 = tpu.memref_slice %arg8[%dma_start3A_91, %dma_start3A_97] : memref<130x128xi32, #tpu.memory_space<vmem>> -> memref<1x128xi32, #tpu.memory_space<vmem>>
      %dma_start3A_99 = tpu.memref_squeeze %dma_start3A_98 : memref<1x128xi32, #tpu.memory_space<vmem>> -> memref<128xi32, #tpu.memory_space<vmem>>
      %dma_start3A_100 = arith.constant 0 : i32
      %dma_start3A_101 = arith.constant 0 : i32
      %dma_start3A_102 = tpu.memref_slice %arg5[%dma_start3A_100, %dma_start3A_101] : memref<10000x64xf32, #tpu.memory_space<hbm>> -> memref<10000x64xf32, #tpu.memory_space<hbm>>
      tpu.enqueue_indirect_dma source(%dma_start3A_102 : memref<10000x64xf32, #tpu.memory_space<hbm>>) target(%dma_start3A_96 : memref<128x64xf32, #tpu.memory_space<vmem>>) offsets(%dma_start3A_99 : memref<128xi32, #tpu.memory_space<vmem>>) semaphore(%arg13 : memref<!tpu.dma_semaphore, #tpu.memory_space<semaphore_mem>>)
      %while3A = arith.constant 0 : i32
      %while3A_103 = arith.constant 0 : i32
      %while3A_104 = arith.subi %add3A_6, %while3A_103 : i32
      %while3A_105 = arith.addi %while3A_103, %while3A_104 : i32
      %while3A_106 = arith.constant 1 : i32
      %while3A_107 = arith.divsi %while3A_104, %while3A_106 : i32
      %while3A_108 = arith.muli %while3A_107, %while3A_106 : i32
      %while3A_109 = arith.addi %while3A_103, %while3A_108 : i32
      %while3A_110 = arith.constant 1 : i32
      scf.for %while3A_125 = %while3A_103 to %while3A_109 step %while3A_110  : i32 {
        %rem3A_126 = arith.constant 4 : i32
        %rem3A_127 = arith.remsi %while3A_125, %rem3A_126 : i32
        %dma_wait3A_128 = arith.constant 0 : i32
        %dma_wait3A_129 = arith.constant 0 : i32
        %dma_wait3A_130 = tpu.memref_slice %arg10[%rem3A_127, %dma_wait3A_128, %dma_wait3A_129] : memref<4x128x64xf32, #tpu.memory_space<vmem>> -> memref<1x128x64xf32, #tpu.memory_space<vmem>>
        %dma_wait3A_131 = tpu.memref_squeeze %dma_wait3A_130 : memref<1x128x64xf32, #tpu.memory_space<vmem>> -> memref<128x64xf32, #tpu.memory_space<vmem>>
        %dma_wait3A_132 = arith.constant 0 : i32
        %dma_wait3A_133 = tpu.memref_slice %arg8[%while3A_125, %dma_wait3A_132] : memref<130x128xi32, #tpu.memory_space<vmem>> -> memref<1x128xi32, #tpu.memory_space<vmem>>
        %dma_wait3A_134 = tpu.memref_squeeze %dma_wait3A_133 : memref<1x128xi32, #tpu.memory_space<vmem>> -> memref<128xi32, #tpu.memory_space<vmem>>
        %dma_wait3A_135 = arith.constant 0 : i32
        %dma_wait3A_136 = arith.constant 0 : i32
        %dma_wait3A_137 = tpu.memref_slice %arg5[%dma_wait3A_135, %dma_wait3A_136] : memref<10000x64xf32, #tpu.memory_space<hbm>> -> memref<10000x64xf32, #tpu.memory_space<hbm>>
        tpu.wait_indirect_dma semaphore(%arg13 : memref<!tpu.dma_semaphore, #tpu.memory_space<semaphore_mem>>) src(%dma_wait3A_137 : memref<10000x64xf32, #tpu.memory_space<hbm>>) dst(%dma_wait3A_131 : memref<128x64xf32, #tpu.memory_space<vmem>>)
        %dma_start3A_138 = arith.constant 0 : i32
        %dma_start3A_139 = arith.constant 0 : i32
        %dma_start3A_140 = tpu.memref_slice %arg10[%rem3A_127, %dma_start3A_138, %dma_start3A_139] : memref<4x128x64xf32, #tpu.memory_space<vmem>> -> memref<1x128x64xf32, #tpu.memory_space<vmem>>
        %dma_start3A_141 = tpu.memref_squeeze %dma_start3A_140 : memref<1x128x64xf32, #tpu.memory_space<vmem>> -> memref<128x64xf32, #tpu.memory_space<vmem>>
        %dma_start3A_142 = arith.constant 0 : i32
        %dma_start3A_143 = tpu.memref_slice %arg9[%while3A_125, %dma_start3A_142] : memref<130x128xi32, #tpu.memory_space<vmem>> -> memref<1x128xi32, #tpu.memory_space<vmem>>
        %dma_start3A_144 = tpu.memref_squeeze %dma_start3A_143 : memref<1x128xi32, #tpu.memory_space<vmem>> -> memref<128xi32, #tpu.memory_space<vmem>>
        %dma_start3A_145 = arith.constant 0 : i32
        %dma_start3A_146 = arith.constant 0 : i32
        %dma_start3A_147 = tpu.memref_slice %arg12[%dma_start3A_145, %dma_start3A_146] : memref<10240x64xf32, #tpu.memory_space<vmem_shared>> -> memref<10240x64xf32, #tpu.memory_space<vmem_shared>>
        tpu.enqueue_indirect_dma source(%dma_start3A_141 : memref<128x64xf32, #tpu.memory_space<vmem>>) target(%dma_start3A_147 : memref<10240x64xf32, #tpu.memory_space<vmem_shared>>) offsets(%dma_start3A_144 : memref<128xi32, #tpu.memory_space<vmem>>) semaphore(%arg14 : memref<!tpu.dma_semaphore, #tpu.memory_space<semaphore_mem>>) {add = true}
        %ge3A = arith.constant 1 : i32
        %ge3A_148 = arith.cmpi sge, %while3A_125, %ge3A : i32
        %convert_element_type3A_149 = arith.extui %ge3A_148 : i1 to i32
        %cond3A_150 = arith.constant 0 : i32
        %cond3A_151 = arith.cmpi ne, %convert_element_type3A_149, %cond3A_150 : i32
        scf.if %cond3A_151 {
          %add3A_157 = arith.constant 3 : i32
          %add3A_158 = arith.addi %while3A_125, %add3A_157 : i32
          %rem3A_159 = arith.constant 4 : i32
          %rem3A_160 = arith.remsi %add3A_158, %rem3A_159 : i32
          %sub3A_161 = arith.constant 1 : i32
          %sub3A_162 = arith.subi %while3A_125, %sub3A_161 : i32
          %dma_wait3A_163 = arith.constant 0 : i32
          %dma_wait3A_164 = arith.constant 0 : i32
          %dma_wait3A_165 = tpu.memref_slice %arg10[%rem3A_160, %dma_wait3A_163, %dma_wait3A_164] : memref<4x128x64xf32, #tpu.memory_space<vmem>> -> memref<1x128x64xf32, #tpu.memory_space<vmem>>
          %dma_wait3A_166 = tpu.memref_squeeze %dma_wait3A_165 : memref<1x128x64xf32, #tpu.memory_space<vmem>> -> memref<128x64xf32, #tpu.memory_space<vmem>>
          %dma_wait3A_167 = arith.constant 0 : i32
          %dma_wait3A_168 = tpu.memref_slice %arg9[%sub3A_162, %dma_wait3A_167] : memref<130x128xi32, #tpu.memory_space<vmem>> -> memref<1x128xi32, #tpu.memory_space<vmem>>
          %dma_wait3A_169 = tpu.memref_squeeze %dma_wait3A_168 : memref<1x128xi32, #tpu.memory_space<vmem>> -> memref<128xi32, #tpu.memory_space<vmem>>
          %dma_wait3A_170 = arith.constant 0 : i32
          %dma_wait3A_171 = arith.constant 0 : i32
          %dma_wait3A_172 = tpu.memref_slice %arg12[%dma_wait3A_170, %dma_wait3A_171] : memref<10240x64xf32, #tpu.memory_space<vmem_shared>> -> memref<10240x64xf32, #tpu.memory_space<vmem_shared>>
          tpu.wait_indirect_dma semaphore(%arg14 : memref<!tpu.dma_semaphore, #tpu.memory_space<semaphore_mem>>) src(%dma_wait3A_166 : memref<128x64xf32, #tpu.memory_space<vmem>>) dst(%dma_wait3A_172 : memref<10240x64xf32, #tpu.memory_space<vmem_shared>>)
        } else {
        }
        %add3A_152 = arith.constant 3 : i32
        %add3A_153 = arith.addi %while3A_125, %add3A_152 : i32
        %lt3A = arith.cmpi slt, %add3A_153, %add3A_6 : i32
        %convert_element_type3A_154 = arith.extui %lt3A : i1 to i32
        %cond3A_155 = arith.constant 0 : i32
        %cond3A_156 = arith.cmpi ne, %convert_element_type3A_154, %cond3A_155 : i32
        scf.if %cond3A_156 {
          %add3A_157 = arith.constant 3 : i32
          %add3A_158 = arith.addi %while3A_125, %add3A_157 : i32
          %add3A_159 = arith.constant 3 : i32
          %add3A_160 = arith.addi %while3A_125, %add3A_159 : i32
          %rem3A_161 = arith.constant 4 : i32
          %rem3A_162 = arith.remsi %add3A_160, %rem3A_161 : i32
          %dma_start3A_163 = arith.constant 0 : i32
          %dma_start3A_164 = arith.constant 0 : i32
          %dma_start3A_165 = tpu.memref_slice %arg10[%rem3A_162, %dma_start3A_163, %dma_start3A_164] : memref<4x128x64xf32, #tpu.memory_space<vmem>> -> memref<1x128x64xf32, #tpu.memory_space<vmem>>
          %dma_start3A_166 = tpu.memref_squeeze %dma_start3A_165 : memref<1x128x64xf32, #tpu.memory_space<vmem>> -> memref<128x64xf32, #tpu.memory_space<vmem>>
          %dma_start3A_167 = arith.constant 0 : i32
          %dma_start3A_168 = tpu.memref_slice %arg8[%add3A_158, %dma_start3A_167] : memref<130x128xi32, #tpu.memory_space<vmem>> -> memref<1x128xi32, #tpu.memory_space<vmem>>
          %dma_start3A_169 = tpu.memref_squeeze %dma_start3A_168 : memref<1x128xi32, #tpu.memory_space<vmem>> -> memref<128xi32, #tpu.memory_space<vmem>>
          %dma_start3A_170 = arith.constant 0 : i32
          %dma_start3A_171 = arith.constant 0 : i32
          %dma_start3A_172 = tpu.memref_slice %arg5[%dma_start3A_170, %dma_start3A_171] : memref<10000x64xf32, #tpu.memory_space<hbm>> -> memref<10000x64xf32, #tpu.memory_space<hbm>>
          tpu.enqueue_indirect_dma source(%dma_start3A_172 : memref<10000x64xf32, #tpu.memory_space<hbm>>) target(%dma_start3A_166 : memref<128x64xf32, #tpu.memory_space<vmem>>) offsets(%dma_start3A_169 : memref<128xi32, #tpu.memory_space<vmem>>) semaphore(%arg13 : memref<!tpu.dma_semaphore, #tpu.memory_space<semaphore_mem>>)
        } else {
        }
      }
      %while3A_111 = arith.constant 1 : i32
      scf.for %while3A_125 = %while3A_109 to %while3A_105 step %while3A_111  : i32 {
        %rem3A_126 = arith.constant 4 : i32
        %rem3A_127 = arith.remsi %while3A_125, %rem3A_126 : i32
        %dma_wait3A_128 = arith.constant 0 : i32
        %dma_wait3A_129 = arith.constant 0 : i32
        %dma_wait3A_130 = tpu.memref_slice %arg10[%rem3A_127, %dma_wait3A_128, %dma_wait3A_129] : memref<4x128x64xf32, #tpu.memory_space<vmem>> -> memref<1x128x64xf32, #tpu.memory_space<vmem>>
        %dma_wait3A_131 = tpu.memref_squeeze %dma_wait3A_130 : memref<1x128x64xf32, #tpu.memory_space<vmem>> -> memref<128x64xf32, #tpu.memory_space<vmem>>
        %dma_wait3A_132 = arith.constant 0 : i32
        %dma_wait3A_133 = tpu.memref_slice %arg8[%while3A_125, %dma_wait3A_132] : memref<130x128xi32, #tpu.memory_space<vmem>> -> memref<1x128xi32, #tpu.memory_space<vmem>>
        %dma_wait3A_134 = tpu.memref_squeeze %dma_wait3A_133 : memref<1x128xi32, #tpu.memory_space<vmem>> -> memref<128xi32, #tpu.memory_space<vmem>>
        %dma_wait3A_135 = arith.constant 0 : i32
        %dma_wait3A_136 = arith.constant 0 : i32
        %dma_wait3A_137 = tpu.memref_slice %arg5[%dma_wait3A_135, %dma_wait3A_136] : memref<10000x64xf32, #tpu.memory_space<hbm>> -> memref<10000x64xf32, #tpu.memory_space<hbm>>
        tpu.wait_indirect_dma semaphore(%arg13 : memref<!tpu.dma_semaphore, #tpu.memory_space<semaphore_mem>>) src(%dma_wait3A_137 : memref<10000x64xf32, #tpu.memory_space<hbm>>) dst(%dma_wait3A_131 : memref<128x64xf32, #tpu.memory_space<vmem>>)
        %dma_start3A_138 = arith.constant 0 : i32
        %dma_start3A_139 = arith.constant 0 : i32
        %dma_start3A_140 = tpu.memref_slice %arg10[%rem3A_127, %dma_start3A_138, %dma_start3A_139] : memref<4x128x64xf32, #tpu.memory_space<vmem>> -> memref<1x128x64xf32, #tpu.memory_space<vmem>>
        %dma_start3A_141 = tpu.memref_squeeze %dma_start3A_140 : memref<1x128x64xf32, #tpu.memory_space<vmem>> -> memref<128x64xf32, #tpu.memory_space<vmem>>
        %dma_start3A_142 = arith.constant 0 : i32
        %dma_start3A_143 = tpu.memref_slice %arg9[%while3A_125, %dma_start3A_142] : memref<130x128xi32, #tpu.memory_space<vmem>> -> memref<1x128xi32, #tpu.memory_space<vmem>>
        %dma_start3A_144 = tpu.memref_squeeze %dma_start3A_143 : memref<1x128xi32, #tpu.memory_space<vmem>> -> memref<128xi32, #tpu.memory_space<vmem>>
        %dma_start3A_145 = arith.constant 0 : i32
        %dma_start3A_146 = arith.constant 0 : i32
        %dma_start3A_147 = tpu.memref_slice %arg12[%dma_start3A_145, %dma_start3A_146] : memref<10240x64xf32, #tpu.memory_space<vmem_shared>> -> memref<10240x64xf32, #tpu.memory_space<vmem_shared>>
        tpu.enqueue_indirect_dma source(%dma_start3A_141 : memref<128x64xf32, #tpu.memory_space<vmem>>) target(%dma_start3A_147 : memref<10240x64xf32, #tpu.memory_space<vmem_shared>>) offsets(%dma_start3A_144 : memref<128xi32, #tpu.memory_space<vmem>>) semaphore(%arg14 : memref<!tpu.dma_semaphore, #tpu.memory_space<semaphore_mem>>) {add = true}
        %ge3A = arith.constant 1 : i32
        %ge3A_148 = arith.cmpi sge, %while3A_125, %ge3A : i32
        %convert_element_type3A_149 = arith.extui %ge3A_148 : i1 to i32
        %cond3A_150 = arith.constant 0 : i32
        %cond3A_151 = arith.cmpi ne, %convert_element_type3A_149, %cond3A_150 : i32
        scf.if %cond3A_151 {
          %add3A_157 = arith.constant 3 : i32
          %add3A_158 = arith.addi %while3A_125, %add3A_157 : i32
          %rem3A_159 = arith.constant 4 : i32
          %rem3A_160 = arith.remsi %add3A_158, %rem3A_159 : i32
          %sub3A_161 = arith.constant 1 : i32
          %sub3A_162 = arith.subi %while3A_125, %sub3A_161 : i32
          %dma_wait3A_163 = arith.constant 0 : i32
          %dma_wait3A_164 = arith.constant 0 : i32
          %dma_wait3A_165 = tpu.memref_slice %arg10[%rem3A_160, %dma_wait3A_163, %dma_wait3A_164] : memref<4x128x64xf32, #tpu.memory_space<vmem>> -> memref<1x128x64xf32, #tpu.memory_space<vmem>>
          %dma_wait3A_166 = tpu.memref_squeeze %dma_wait3A_165 : memref<1x128x64xf32, #tpu.memory_space<vmem>> -> memref<128x64xf32, #tpu.memory_space<vmem>>
          %dma_wait3A_167 = arith.constant 0 : i32
          %dma_wait3A_168 = tpu.memref_slice %arg9[%sub3A_162, %dma_wait3A_167] : memref<130x128xi32, #tpu.memory_space<vmem>> -> memref<1x128xi32, #tpu.memory_space<vmem>>
          %dma_wait3A_169 = tpu.memref_squeeze %dma_wait3A_168 : memref<1x128xi32, #tpu.memory_space<vmem>> -> memref<128xi32, #tpu.memory_space<vmem>>
          %dma_wait3A_170 = arith.constant 0 : i32
          %dma_wait3A_171 = arith.constant 0 : i32
          %dma_wait3A_172 = tpu.memref_slice %arg12[%dma_wait3A_170, %dma_wait3A_171] : memref<10240x64xf32, #tpu.memory_space<vmem_shared>> -> memref<10240x64xf32, #tpu.memory_space<vmem_shared>>
          tpu.wait_indirect_dma semaphore(%arg14 : memref<!tpu.dma_semaphore, #tpu.memory_space<semaphore_mem>>) src(%dma_wait3A_166 : memref<128x64xf32, #tpu.memory_space<vmem>>) dst(%dma_wait3A_172 : memref<10240x64xf32, #tpu.memory_space<vmem_shared>>)
        } else {
        }
        %add3A_152 = arith.constant 3 : i32
        %add3A_153 = arith.addi %while3A_125, %add3A_152 : i32
        %lt3A = arith.cmpi slt, %add3A_153, %add3A_6 : i32
        %convert_element_type3A_154 = arith.extui %lt3A : i1 to i32
        %cond3A_155 = arith.constant 0 : i32
        %cond3A_156 = arith.cmpi ne, %convert_element_type3A_154, %cond3A_155 : i32
        scf.if %cond3A_156 {
          %add3A_157 = arith.constant 3 : i32
          %add3A_158 = arith.addi %while3A_125, %add3A_157 : i32
          %add3A_159 = arith.constant 3 : i32
          %add3A_160 = arith.addi %while3A_125, %add3A_159 : i32
          %rem3A_161 = arith.constant 4 : i32
          %rem3A_162 = arith.remsi %add3A_160, %rem3A_161 : i32
          %dma_start3A_163 = arith.constant 0 : i32
          %dma_start3A_164 = arith.constant 0 : i32
          %dma_start3A_165 = tpu.memref_slice %arg10[%rem3A_162, %dma_start3A_163, %dma_start3A_164] : memref<4x128x64xf32, #tpu.memory_space<vmem>> -> memref<1x128x64xf32, #tpu.memory_space<vmem>>
          %dma_start3A_166 = tpu.memref_squeeze %dma_start3A_165 : memref<1x128x64xf32, #tpu.memory_space<vmem>> -> memref<128x64xf32, #tpu.memory_space<vmem>>
          %dma_start3A_167 = arith.constant 0 : i32
          %dma_start3A_168 = tpu.memref_slice %arg8[%add3A_158, %dma_start3A_167] : memref<130x128xi32, #tpu.memory_space<vmem>> -> memref<1x128xi32, #tpu.memory_space<vmem>>
          %dma_start3A_169 = tpu.memref_squeeze %dma_start3A_168 : memref<1x128xi32, #tpu.memory_space<vmem>> -> memref<128xi32, #tpu.memory_space<vmem>>
          %dma_start3A_170 = arith.constant 0 : i32
          %dma_start3A_171 = arith.constant 0 : i32
          %dma_start3A_172 = tpu.memref_slice %arg5[%dma_start3A_170, %dma_start3A_171] : memref<10000x64xf32, #tpu.memory_space<hbm>> -> memref<10000x64xf32, #tpu.memory_space<hbm>>
          tpu.enqueue_indirect_dma source(%dma_start3A_172 : memref<10000x64xf32, #tpu.memory_space<hbm>>) target(%dma_start3A_166 : memref<128x64xf32, #tpu.memory_space<vmem>>) offsets(%dma_start3A_169 : memref<128xi32, #tpu.memory_space<vmem>>) semaphore(%arg13 : memref<!tpu.dma_semaphore, #tpu.memory_space<semaphore_mem>>)
        } else {
        }
      }
      %sub3A = arith.constant 1 : i32
      %sub3A_112 = arith.subi %add3A_6, %sub3A : i32
      %rem3A = arith.constant 4 : i32
      %rem3A_113 = arith.remsi %sub3A_112, %rem3A : i32
      %sub3A_114 = arith.constant 1 : i32
      %sub3A_115 = arith.subi %add3A_6, %sub3A_114 : i32
      %dma_wait3A = arith.constant 0 : i32
      %dma_wait3A_116 = arith.constant 0 : i32
      %dma_wait3A_117 = tpu.memref_slice %arg10[%rem3A_113, %dma_wait3A, %dma_wait3A_116] : memref<4x128x64xf32, #tpu.memory_space<vmem>> -> memref<1x128x64xf32, #tpu.memory_space<vmem>>
      %dma_wait3A_118 = tpu.memref_squeeze %dma_wait3A_117 : memref<1x128x64xf32, #tpu.memory_space<vmem>> -> memref<128x64xf32, #tpu.memory_space<vmem>>
      %dma_wait3A_119 = arith.constant 0 : i32
      %dma_wait3A_120 = tpu.memref_slice %arg9[%sub3A_115, %dma_wait3A_119] : memref<130x128xi32, #tpu.memory_space<vmem>> -> memref<1x128xi32, #tpu.memory_space<vmem>>
      %dma_wait3A_121 = tpu.memref_squeeze %dma_wait3A_120 : memref<1x128xi32, #tpu.memory_space<vmem>> -> memref<128xi32, #tpu.memory_space<vmem>>
      %dma_wait3A_122 = arith.constant 0 : i32
      %dma_wait3A_123 = arith.constant 0 : i32
      %dma_wait3A_124 = tpu.memref_slice %arg12[%dma_wait3A_122, %dma_wait3A_123] : memref<10240x64xf32, #tpu.memory_space<vmem_shared>> -> memref<10240x64xf32, #tpu.memory_space<vmem_shared>>
      tpu.wait_indirect_dma semaphore(%arg14 : memref<!tpu.dma_semaphore, #tpu.memory_space<semaphore_mem>>) src(%dma_wait3A_118 : memref<128x64xf32, #tpu.memory_space<vmem>>) dst(%dma_wait3A_124 : memref<10240x64xf32, #tpu.memory_space<vmem_shared>>)
    } else {
    }
    %barrier3A_61 = arith.constant 0 : index
    tpu.barrier barrier_id(%barrier3A_61)
    %mul3A_62 = arith.constant 640 : i32
    %mul3A_63 = arith.muli %arg1, %mul3A_62 : i32
    %mul3A_64 = arith.constant 640 : i32
    %mul3A_65 = arith.muli %arg1, %mul3A_64 : i32
    %run_scoped3A_66 = arith.constant 1 : i32
    "tpu.region"() ({
      %run_scoped3A_68 = tpu.sem_alloc : memref<!tpu.dma_semaphore, #tpu.memory_space<semaphore_mem>>
      %dma_start3A = arith.constant 0 : i32
      %dma_start3A_69 = tpu.memref_slice %arg7[%arg0, %run_scoped3A_66, %mul3A_65, %dma_start3A] : memref<2x2x10240x64xf32, #tpu.memory_space<hbm>> -> memref<1x1x640x64xf32, #tpu.memory_space<hbm>>
      %dma_start3A_70 = tpu.memref_squeeze %dma_start3A_69 : memref<1x1x640x64xf32, #tpu.memory_space<hbm>> -> memref<640x64xf32, #tpu.memory_space<hbm>>
      %dma_start3A_71 = arith.constant 0 : i32
      %dma_start3A_72 = tpu.memref_slice %arg12[%mul3A_63, %dma_start3A_71] : memref<10240x64xf32, #tpu.memory_space<vmem_shared>> -> memref<640x64xf32, #tpu.memory_space<vmem_shared>>
      tpu.enqueue_dma source(%dma_start3A_72 : memref<640x64xf32, #tpu.memory_space<vmem_shared>>) target(%dma_start3A_70 : memref<640x64xf32, #tpu.memory_space<hbm>>) target_semaphore(%run_scoped3A_68 : memref<!tpu.dma_semaphore, #tpu.memory_space<semaphore_mem>>)
      %dma_wait3A = arith.constant 0 : i32
      %dma_wait3A_73 = tpu.memref_slice %arg7[%arg0, %run_scoped3A_66, %mul3A_65, %dma_wait3A] : memref<2x2x10240x64xf32, #tpu.memory_space<hbm>> -> memref<1x1x640x64xf32, #tpu.memory_space<hbm>>
      %dma_wait3A_74 = tpu.memref_squeeze %dma_wait3A_73 : memref<1x1x640x64xf32, #tpu.memory_space<hbm>> -> memref<640x64xf32, #tpu.memory_space<hbm>>
      %dma_wait3A_75 = arith.constant 0 : i32
      %dma_wait3A_76 = tpu.memref_slice %arg12[%mul3A_63, %dma_wait3A_75] : memref<10240x64xf32, #tpu.memory_space<vmem_shared>> -> memref<640x64xf32, #tpu.memory_space<vmem_shared>>
      tpu.wait_dma2 semaphore(%run_scoped3A_68 : memref<!tpu.dma_semaphore, #tpu.memory_space<semaphore_mem>>) src(%dma_wait3A_76 : memref<640x64xf32, #tpu.memory_space<vmem_shared>>) dst(%dma_wait3A_74 : memref<640x64xf32, #tpu.memory_space<hbm>>)
      tpu.yield
    }) : () -> ()
    %barrier3A_67 = arith.constant 0 : index
    tpu.barrier barrier_id(%barrier3A_67)
    return
  }
}

#map = affine_map<(d0, d1) -> (0, 0)>
#map1 = affine_map<(d0, d1) -> (0, 0, 0, 0)>
module attributes {stable_mosaic.version = 14 : i64} {
  func.func @_agg_kernel(%arg0: i32, %arg1: i32, %arg2: memref<2630x128xi32, #tpu.memory_space<hbm>>, %arg3: memref<2630x128xi32, #tpu.memory_space<hbm>>, %arg4: memref<10000x64xf32, #tpu.memory_space<hbm>>, %arg5: memref<10000x64xf32, #tpu.memory_space<hbm>>, %arg6: memref<128x64xf32, #tpu.memory_space<hbm>>, %arg7: memref<2x2x10240x64xf32, #tpu.memory_space<hbm>>, %arg8: memref<130x128xi32, #tpu.memory_space<vmem>>, %arg9: memref<130x128xi32, #tpu.memory_space<vmem>>, %arg10: memref<4x128x64xf32, #tpu.memory_space<vmem>>, %arg11: memref<128x64xf32, #tpu.memory_space<vmem>>, %arg12: memref<10240x64xf32, #tpu.memory_space<vmem_shared>>, %arg13: memref<!tpu.dma_semaphore, #tpu.memory_space<semaphore_mem>>, %arg14: memref<!tpu.dma_semaphore, #tpu.memory_space<semaphore_mem>>) attributes {dimension_semantics = [#tpu.dimension_semantics<core_parallel>, #tpu.dimension_semantics<subcore_parallel>], iteration_bounds = array<i64: 2, 16>, scalar_prefetch = 0 : i64, scratch_operands = 7 : i64, tpu.core_type = #tpu.core_type<sc_vector_subcore>, window_params = [{transform_indices = #map}, {transform_indices = #map}, {transform_indices = #map}, {transform_indices = #map}, {transform_indices = #map}, {transform_indices = #map1}]} {
    %mul3A = arith.constant 158 : i32
    %mul3A_0 = arith.muli %arg1, %mul3A : i32
    %mul3A_1 = arith.constant 130 : i32
    %mul3A_2 = arith.muli %arg0, %mul3A_1 : i32
    %add3A = arith.addi %mul3A_0, %mul3A_2 : i32
    %mul3A_3 = arith.constant -102 : i32
    %mul3A_4 = arith.muli %arg0, %mul3A_3 : i32
    %add3A_5 = arith.constant 130 : i32
    %add3A_6 = arith.addi %add3A_5, %mul3A_4 : i32
    "tpu.region"() ({
      %run_scoped3A_68 = tpu.sem_alloc : memref<!tpu.dma_semaphore, #tpu.memory_space<semaphore_mem>>
      %dma_start3A = arith.constant 0 : i32
      %dma_start3A_69 = tpu.memref_slice %arg2[%add3A, %dma_start3A] : memref<2630x128xi32, #tpu.memory_space<hbm>> -> memref<130x128xi32, #tpu.memory_space<hbm>>
      %dma_start3A_70 = arith.constant 0 : i32
      %dma_start3A_71 = tpu.memref_slice %arg2[%add3A, %dma_start3A_70] : memref<2630x128xi32, #tpu.memory_space<hbm>> -> memref<130x128xi32, #tpu.memory_space<hbm>>
      tpu.enqueue_dma source(%dma_start3A_71 : memref<130x128xi32, #tpu.memory_space<hbm>>) target(%arg8 : memref<130x128xi32, #tpu.memory_space<vmem>>) target_semaphore(%run_scoped3A_68 : memref<!tpu.dma_semaphore, #tpu.memory_space<semaphore_mem>>)
      %dma_wait3A = arith.constant 0 : i32
      %dma_wait3A_72 = tpu.memref_slice %arg2[%add3A, %dma_wait3A] : memref<2630x128xi32, #tpu.memory_space<hbm>> -> memref<130x128xi32, #tpu.memory_space<hbm>>
      %dma_wait3A_73 = arith.constant 0 : i32
      %dma_wait3A_74 = tpu.memref_slice %arg2[%add3A, %dma_wait3A_73] : memref<2630x128xi32, #tpu.memory_space<hbm>> -> memref<130x128xi32, #tpu.memory_space<hbm>>
      tpu.wait_dma2 semaphore(%run_scoped3A_68 : memref<!tpu.dma_semaphore, #tpu.memory_space<semaphore_mem>>) src(%dma_wait3A_74 : memref<130x128xi32, #tpu.memory_space<hbm>>) dst(%arg8 : memref<130x128xi32, #tpu.memory_space<vmem>>)
      tpu.yield
    }) : () -> ()
    "tpu.region"() ({
      %run_scoped3A_68 = tpu.sem_alloc : memref<!tpu.dma_semaphore, #tpu.memory_space<semaphore_mem>>
      %dma_start3A = arith.constant 0 : i32
      %dma_start3A_69 = tpu.memref_slice %arg3[%add3A, %dma_start3A] : memref<2630x128xi32, #tpu.memory_space<hbm>> -> memref<130x128xi32, #tpu.memory_space<hbm>>
      %dma_start3A_70 = arith.constant 0 : i32
      %dma_start3A_71 = tpu.memref_slice %arg3[%add3A, %dma_start3A_70] : memref<2630x128xi32, #tpu.memory_space<hbm>> -> memref<130x128xi32, #tpu.memory_space<hbm>>
      tpu.enqueue_dma source(%dma_start3A_71 : memref<130x128xi32, #tpu.memory_space<hbm>>) target(%arg9 : memref<130x128xi32, #tpu.memory_space<vmem>>) target_semaphore(%run_scoped3A_68 : memref<!tpu.dma_semaphore, #tpu.memory_space<semaphore_mem>>)
      %dma_wait3A = arith.constant 0 : i32
      %dma_wait3A_72 = tpu.memref_slice %arg3[%add3A, %dma_wait3A] : memref<2630x128xi32, #tpu.memory_space<hbm>> -> memref<130x128xi32, #tpu.memory_space<hbm>>
      %dma_wait3A_73 = arith.constant 0 : i32
      %dma_wait3A_74 = tpu.memref_slice %arg3[%add3A, %dma_wait3A_73] : memref<2630x128xi32, #tpu.memory_space<hbm>> -> memref<130x128xi32, #tpu.memory_space<hbm>>
      tpu.wait_dma2 semaphore(%run_scoped3A_68 : memref<!tpu.dma_semaphore, #tpu.memory_space<semaphore_mem>>) src(%dma_wait3A_74 : memref<130x128xi32, #tpu.memory_space<hbm>>) dst(%arg9 : memref<130x128xi32, #tpu.memory_space<vmem>>)
      tpu.yield
    }) : () -> ()
    "tpu.region"() ({
      %run_scoped3A_68 = tpu.sem_alloc : memref<!tpu.dma_semaphore, #tpu.memory_space<semaphore_mem>>
      tpu.enqueue_dma source(%arg6 : memref<128x64xf32, #tpu.memory_space<hbm>>) target(%arg11 : memref<128x64xf32, #tpu.memory_space<vmem>>) target_semaphore(%run_scoped3A_68 : memref<!tpu.dma_semaphore, #tpu.memory_space<semaphore_mem>>)
      tpu.wait_dma2 semaphore(%run_scoped3A_68 : memref<!tpu.dma_semaphore, #tpu.memory_space<semaphore_mem>>) src(%arg6 : memref<128x64xf32, #tpu.memory_space<hbm>>) dst(%arg11 : memref<128x64xf32, #tpu.memory_space<vmem>>)
      tpu.yield
    }) : () -> ()
    %mul3A_7 = arith.constant 640 : i32
    %mul3A_8 = arith.muli %arg1, %mul3A_7 : i32
    %add3A_9 = arith.constant 0 : i32
    %add3A_10 = arith.addi %mul3A_8, %add3A_9 : i32
    "tpu.region"() ({
      %run_scoped3A_68 = tpu.sem_alloc : memref<!tpu.dma_semaphore, #tpu.memory_space<semaphore_mem>>
      %dma_start3A = arith.constant 0 : i32
      %dma_start3A_69 = tpu.memref_slice %arg12[%add3A_10, %dma_start3A] : memref<10240x64xf32, #tpu.memory_space<vmem_shared>> -> memref<128x64xf32, #tpu.memory_space<vmem_shared>>
      %dma_start3A_70 = arith.constant 0 : i32
      %dma_start3A_71 = tpu.memref_slice %arg12[%add3A_10, %dma_start3A_70] : memref<10240x64xf32, #tpu.memory_space<vmem_shared>> -> memref<128x64xf32, #tpu.memory_space<vmem_shared>>
      tpu.enqueue_dma source(%arg11 : memref<128x64xf32, #tpu.memory_space<vmem>>) target(%dma_start3A_71 : memref<128x64xf32, #tpu.memory_space<vmem_shared>>) target_semaphore(%run_scoped3A_68 : memref<!tpu.dma_semaphore, #tpu.memory_space<semaphore_mem>>)
      %dma_wait3A = arith.constant 0 : i32
      %dma_wait3A_72 = tpu.memref_slice %arg12[%add3A_10, %dma_wait3A] : memref<10240x64xf32, #tpu.memory_space<vmem_shared>> -> memref<128x64xf32, #tpu.memory_space<vmem_shared>>
      %dma_wait3A_73 = arith.constant 0 : i32
      %dma_wait3A_74 = tpu.memref_slice %arg12[%add3A_10, %dma_wait3A_73] : memref<10240x64xf32, #tpu.memory_space<vmem_shared>> -> memref<128x64xf32, #tpu.memory_space<vmem_shared>>
      tpu.wait_dma2 semaphore(%run_scoped3A_68 : memref<!tpu.dma_semaphore, #tpu.memory_space<semaphore_mem>>) src(%arg11 : memref<128x64xf32, #tpu.memory_space<vmem>>) dst(%dma_wait3A_74 : memref<128x64xf32, #tpu.memory_space<vmem_shared>>)
      tpu.yield
    }) : () -> ()
    %mul3A_11 = arith.constant 640 : i32
    %mul3A_12 = arith.muli %arg1, %mul3A_11 : i32
    %add3A_13 = arith.constant 128 : i32
    %add3A_14 = arith.addi %mul3A_12, %add3A_13 : i32
    "tpu.region"() ({
      %run_scoped3A_68 = tpu.sem_alloc : memref<!tpu.dma_semaphore, #tpu.memory_space<semaphore_mem>>
      %dma_start3A = arith.constant 0 : i32
      %dma_start3A_69 = tpu.memref_slice %arg12[%add3A_14, %dma_start3A] : memref<10240x64xf32, #tpu.memory_space<vmem_shared>> -> memref<128x64xf32, #tpu.memory_space<vmem_shared>>
      %dma_start3A_70 = arith.constant 0 : i32
      %dma_start3A_71 = tpu.memref_slice %arg12[%add3A_14, %dma_start3A_70] : memref<10240x64xf32, #tpu.memory_space<vmem_shared>> -> memref<128x64xf32, #tpu.memory_space<vmem_shared>>
      tpu.enqueue_dma source(%arg11 : memref<128x64xf32, #tpu.memory_space<vmem>>) target(%dma_start3A_71 : memref<128x64xf32, #tpu.memory_space<vmem_shared>>) target_semaphore(%run_scoped3A_68 : memref<!tpu.dma_semaphore, #tpu.memory_space<semaphore_mem>>)
      %dma_wait3A = arith.constant 0 : i32
      %dma_wait3A_72 = tpu.memref_slice %arg12[%add3A_14, %dma_wait3A] : memref<10240x64xf32, #tpu.memory_space<vmem_shared>> -> memref<128x64xf32, #tpu.memory_space<vmem_shared>>
      %dma_wait3A_73 = arith.constant 0 : i32
      %dma_wait3A_74 = tpu.memref_slice %arg12[%add3A_14, %dma_wait3A_73] : memref<10240x64xf32, #tpu.memory_space<vmem_shared>> -> memref<128x64xf32, #tpu.memory_space<vmem_shared>>
      tpu.wait_dma2 semaphore(%run_scoped3A_68 : memref<!tpu.dma_semaphore, #tpu.memory_space<semaphore_mem>>) src(%arg11 : memref<128x64xf32, #tpu.memory_space<vmem>>) dst(%dma_wait3A_74 : memref<128x64xf32, #tpu.memory_space<vmem_shared>>)
      tpu.yield
    }) : () -> ()
    %mul3A_15 = arith.constant 640 : i32
    %mul3A_16 = arith.muli %arg1, %mul3A_15 : i32
    %add3A_17 = arith.constant 256 : i32
    %add3A_18 = arith.addi %mul3A_16, %add3A_17 : i32
    "tpu.region"() ({
      %run_scoped3A_68 = tpu.sem_alloc : memref<!tpu.dma_semaphore, #tpu.memory_space<semaphore_mem>>
      %dma_start3A = arith.constant 0 : i32
      %dma_start3A_69 = tpu.memref_slice %arg12[%add3A_18, %dma_start3A] : memref<10240x64xf32, #tpu.memory_space<vmem_shared>> -> memref<128x64xf32, #tpu.memory_space<vmem_shared>>
      %dma_start3A_70 = arith.constant 0 : i32
      %dma_start3A_71 = tpu.memref_slice %arg12[%add3A_18, %dma_start3A_70] : memref<10240x64xf32, #tpu.memory_space<vmem_shared>> -> memref<128x64xf32, #tpu.memory_space<vmem_shared>>
      tpu.enqueue_dma source(%arg11 : memref<128x64xf32, #tpu.memory_space<vmem>>) target(%dma_start3A_71 : memref<128x64xf32, #tpu.memory_space<vmem_shared>>) target_semaphore(%run_scoped3A_68 : memref<!tpu.dma_semaphore, #tpu.memory_space<semaphore_mem>>)
      %dma_wait3A = arith.constant 0 : i32
      %dma_wait3A_72 = tpu.memref_slice %arg12[%add3A_18, %dma_wait3A] : memref<10240x64xf32, #tpu.memory_space<vmem_shared>> -> memref<128x64xf32, #tpu.memory_space<vmem_shared>>
      %dma_wait3A_73 = arith.constant 0 : i32
      %dma_wait3A_74 = tpu.memref_slice %arg12[%add3A_18, %dma_wait3A_73] : memref<10240x64xf32, #tpu.memory_space<vmem_shared>> -> memref<128x64xf32, #tpu.memory_space<vmem_shared>>
      tpu.wait_dma2 semaphore(%run_scoped3A_68 : memref<!tpu.dma_semaphore, #tpu.memory_space<semaphore_mem>>) src(%arg11 : memref<128x64xf32, #tpu.memory_space<vmem>>) dst(%dma_wait3A_74 : memref<128x64xf32, #tpu.memory_space<vmem_shared>>)
      tpu.yield
    }) : () -> ()
    %mul3A_19 = arith.constant 640 : i32
    %mul3A_20 = arith.muli %arg1, %mul3A_19 : i32
    %add3A_21 = arith.constant 384 : i32
    %add3A_22 = arith.addi %mul3A_20, %add3A_21 : i32
    "tpu.region"() ({
      %run_scoped3A_68 = tpu.sem_alloc : memref<!tpu.dma_semaphore, #tpu.memory_space<semaphore_mem>>
      %dma_start3A = arith.constant 0 : i32
      %dma_start3A_69 = tpu.memref_slice %arg12[%add3A_22, %dma_start3A] : memref<10240x64xf32, #tpu.memory_space<vmem_shared>> -> memref<128x64xf32, #tpu.memory_space<vmem_shared>>
      %dma_start3A_70 = arith.constant 0 : i32
      %dma_start3A_71 = tpu.memref_slice %arg12[%add3A_22, %dma_start3A_70] : memref<10240x64xf32, #tpu.memory_space<vmem_shared>> -> memref<128x64xf32, #tpu.memory_space<vmem_shared>>
      tpu.enqueue_dma source(%arg11 : memref<128x64xf32, #tpu.memory_space<vmem>>) target(%dma_start3A_71 : memref<128x64xf32, #tpu.memory_space<vmem_shared>>) target_semaphore(%run_scoped3A_68 : memref<!tpu.dma_semaphore, #tpu.memory_space<semaphore_mem>>)
      %dma_wait3A = arith.constant 0 : i32
      %dma_wait3A_72 = tpu.memref_slice %arg12[%add3A_22, %dma_wait3A] : memref<10240x64xf32, #tpu.memory_space<vmem_shared>> -> memref<128x64xf32, #tpu.memory_space<vmem_shared>>
      %dma_wait3A_73 = arith.constant 0 : i32
      %dma_wait3A_74 = tpu.memref_slice %arg12[%add3A_22, %dma_wait3A_73] : memref<10240x64xf32, #tpu.memory_space<vmem_shared>> -> memref<128x64xf32, #tpu.memory_space<vmem_shared>>
      tpu.wait_dma2 semaphore(%run_scoped3A_68 : memref<!tpu.dma_semaphore, #tpu.memory_space<semaphore_mem>>) src(%arg11 : memref<128x64xf32, #tpu.memory_space<vmem>>) dst(%dma_wait3A_74 : memref<128x64xf32, #tpu.memory_space<vmem_shared>>)
      tpu.yield
    }) : () -> ()
    %mul3A_23 = arith.constant 640 : i32
    %mul3A_24 = arith.muli %arg1, %mul3A_23 : i32
    %add3A_25 = arith.constant 512 : i32
    %add3A_26 = arith.addi %mul3A_24, %add3A_25 : i32
    "tpu.region"() ({
      %run_scoped3A_68 = tpu.sem_alloc : memref<!tpu.dma_semaphore, #tpu.memory_space<semaphore_mem>>
      %dma_start3A = arith.constant 0 : i32
      %dma_start3A_69 = tpu.memref_slice %arg12[%add3A_26, %dma_start3A] : memref<10240x64xf32, #tpu.memory_space<vmem_shared>> -> memref<128x64xf32, #tpu.memory_space<vmem_shared>>
      %dma_start3A_70 = arith.constant 0 : i32
      %dma_start3A_71 = tpu.memref_slice %arg12[%add3A_26, %dma_start3A_70] : memref<10240x64xf32, #tpu.memory_space<vmem_shared>> -> memref<128x64xf32, #tpu.memory_space<vmem_shared>>
      tpu.enqueue_dma source(%arg11 : memref<128x64xf32, #tpu.memory_space<vmem>>) target(%dma_start3A_71 : memref<128x64xf32, #tpu.memory_space<vmem_shared>>) target_semaphore(%run_scoped3A_68 : memref<!tpu.dma_semaphore, #tpu.memory_space<semaphore_mem>>)
      %dma_wait3A = arith.constant 0 : i32
      %dma_wait3A_72 = tpu.memref_slice %arg12[%add3A_26, %dma_wait3A] : memref<10240x64xf32, #tpu.memory_space<vmem_shared>> -> memref<128x64xf32, #tpu.memory_space<vmem_shared>>
      %dma_wait3A_73 = arith.constant 0 : i32
      %dma_wait3A_74 = tpu.memref_slice %arg12[%add3A_26, %dma_wait3A_73] : memref<10240x64xf32, #tpu.memory_space<vmem_shared>> -> memref<128x64xf32, #tpu.memory_space<vmem_shared>>
      tpu.wait_dma2 semaphore(%run_scoped3A_68 : memref<!tpu.dma_semaphore, #tpu.memory_space<semaphore_mem>>) src(%arg11 : memref<128x64xf32, #tpu.memory_space<vmem>>) dst(%dma_wait3A_74 : memref<128x64xf32, #tpu.memory_space<vmem_shared>>)
      tpu.yield
    }) : () -> ()
    %barrier3A = arith.constant 0 : index
    tpu.barrier barrier_id(%barrier3A)
    %gt3A = arith.constant 0 : i32
    %gt3A_27 = arith.cmpi sgt, %add3A_6, %gt3A : i32
    %convert_element_type3A = arith.extui %gt3A_27 : i1 to i32
    %cond3A = arith.constant 0 : i32
    %cond3A_28 = arith.cmpi ne, %convert_element_type3A, %cond3A : i32
    scf.if %cond3A_28 {
      %dma_start3A = arith.constant 0 : i32
      %dma_start3A_68 = arith.constant 0 : i32
      %dma_start3A_69 = arith.constant 0 : i32
      %dma_start3A_70 = arith.constant 0 : i32
      %dma_start3A_71 = tpu.memref_slice %arg10[%dma_start3A_68, %dma_start3A_69, %dma_start3A_70] : memref<4x128x64xf32, #tpu.memory_space<vmem>> -> memref<1x128x64xf32, #tpu.memory_space<vmem>>
      %dma_start3A_72 = tpu.memref_squeeze %dma_start3A_71 : memref<1x128x64xf32, #tpu.memory_space<vmem>> -> memref<128x64xf32, #tpu.memory_space<vmem>>
      %dma_start3A_73 = arith.constant 0 : i32
      %dma_start3A_74 = tpu.memref_slice %arg8[%dma_start3A, %dma_start3A_73] : memref<130x128xi32, #tpu.memory_space<vmem>> -> memref<1x128xi32, #tpu.memory_space<vmem>>
      %dma_start3A_75 = tpu.memref_squeeze %dma_start3A_74 : memref<1x128xi32, #tpu.memory_space<vmem>> -> memref<128xi32, #tpu.memory_space<vmem>>
      %dma_start3A_76 = arith.constant 0 : i32
      %dma_start3A_77 = arith.constant 0 : i32
      %dma_start3A_78 = tpu.memref_slice %arg4[%dma_start3A_76, %dma_start3A_77] : memref<10000x64xf32, #tpu.memory_space<hbm>> -> memref<10000x64xf32, #tpu.memory_space<hbm>>
      tpu.enqueue_indirect_dma source(%dma_start3A_78 : memref<10000x64xf32, #tpu.memory_space<hbm>>) target(%dma_start3A_72 : memref<128x64xf32, #tpu.memory_space<vmem>>) offsets(%dma_start3A_75 : memref<128xi32, #tpu.memory_space<vmem>>) semaphore(%arg13 : memref<!tpu.dma_semaphore, #tpu.memory_space<semaphore_mem>>)
      %dma_start3A_79 = arith.constant 1 : i32
      %dma_start3A_80 = arith.constant 1 : i32
      %dma_start3A_81 = arith.constant 0 : i32
      %dma_start3A_82 = arith.constant 0 : i32
      %dma_start3A_83 = tpu.memref_slice %arg10[%dma_start3A_80, %dma_start3A_81, %dma_start3A_82] : memref<4x128x64xf32, #tpu.memory_space<vmem>> -> memref<1x128x64xf32, #tpu.memory_space<vmem>>
      %dma_start3A_84 = tpu.memref_squeeze %dma_start3A_83 : memref<1x128x64xf32, #tpu.memory_space<vmem>> -> memref<128x64xf32, #tpu.memory_space<vmem>>
      %dma_start3A_85 = arith.constant 0 : i32
      %dma_start3A_86 = tpu.memref_slice %arg8[%dma_start3A_79, %dma_start3A_85] : memref<130x128xi32, #tpu.memory_space<vmem>> -> memref<1x128xi32, #tpu.memory_space<vmem>>
      %dma_start3A_87 = tpu.memref_squeeze %dma_start3A_86 : memref<1x128xi32, #tpu.memory_space<vmem>> -> memref<128xi32, #tpu.memory_space<vmem>>
      %dma_start3A_88 = arith.constant 0 : i32
      %dma_start3A_89 = arith.constant 0 : i32
      %dma_start3A_90 = tpu.memref_slice %arg4[%dma_start3A_88, %dma_start3A_89] : memref<10000x64xf32, #tpu.memory_space<hbm>> -> memref<10000x64xf32, #tpu.memory_space<hbm>>
      tpu.enqueue_indirect_dma source(%dma_start3A_90 : memref<10000x64xf32, #tpu.memory_space<hbm>>) target(%dma_start3A_84 : memref<128x64xf32, #tpu.memory_space<vmem>>) offsets(%dma_start3A_87 : memref<128xi32, #tpu.memory_space<vmem>>) semaphore(%arg13 : memref<!tpu.dma_semaphore, #tpu.memory_space<semaphore_mem>>)
      %dma_start3A_91 = arith.constant 2 : i32
      %dma_start3A_92 = arith.constant 2 : i32
      %dma_start3A_93 = arith.constant 0 : i32
      %dma_start3A_94 = arith.constant 0 : i32
      %dma_start3A_95 = tpu.memref_slice %arg10[%dma_start3A_92, %dma_start3A_93, %dma_start3A_94] : memref<4x128x64xf32, #tpu.memory_space<vmem>> -> memref<1x128x64xf32, #tpu.memory_space<vmem>>
      %dma_start3A_96 = tpu.memref_squeeze %dma_start3A_95 : memref<1x128x64xf32, #tpu.memory_space<vmem>> -> memref<128x64xf32, #tpu.memory_space<vmem>>
      %dma_start3A_97 = arith.constant 0 : i32
      %dma_start3A_98 = tpu.memref_slice %arg8[%dma_start3A_91, %dma_start3A_97] : memref<130x128xi32, #tpu.memory_space<vmem>> -> memref<1x128xi32, #tpu.memory_space<vmem>>
      %dma_start3A_99 = tpu.memref_squeeze %dma_start3A_98 : memref<1x128xi32, #tpu.memory_space<vmem>> -> memref<128xi32, #tpu.memory_space<vmem>>
      %dma_start3A_100 = arith.constant 0 : i32
      %dma_start3A_101 = arith.constant 0 : i32
      %dma_start3A_102 = tpu.memref_slice %arg4[%dma_start3A_100, %dma_start3A_101] : memref<10000x64xf32, #tpu.memory_space<hbm>> -> memref<10000x64xf32, #tpu.memory_space<hbm>>
      tpu.enqueue_indirect_dma source(%dma_start3A_102 : memref<10000x64xf32, #tpu.memory_space<hbm>>) target(%dma_start3A_96 : memref<128x64xf32, #tpu.memory_space<vmem>>) offsets(%dma_start3A_99 : memref<128xi32, #tpu.memory_space<vmem>>) semaphore(%arg13 : memref<!tpu.dma_semaphore, #tpu.memory_space<semaphore_mem>>)
      %while3A = arith.constant 0 : i32
      %while3A_103 = arith.constant 0 : i32
      %while3A_104 = arith.subi %add3A_6, %while3A_103 : i32
      %while3A_105 = arith.addi %while3A_103, %while3A_104 : i32
      %while3A_106 = arith.constant 1 : i32
      %while3A_107 = arith.divsi %while3A_104, %while3A_106 : i32
      %while3A_108 = arith.muli %while3A_107, %while3A_106 : i32
      %while3A_109 = arith.addi %while3A_103, %while3A_108 : i32
      %while3A_110 = arith.constant 1 : i32
      scf.for %while3A_125 = %while3A_103 to %while3A_109 step %while3A_110  : i32 {
        %rem3A_126 = arith.constant 4 : i32
        %rem3A_127 = arith.remsi %while3A_125, %rem3A_126 : i32
        %dma_wait3A_128 = arith.constant 0 : i32
        %dma_wait3A_129 = arith.constant 0 : i32
        %dma_wait3A_130 = tpu.memref_slice %arg10[%rem3A_127, %dma_wait3A_128, %dma_wait3A_129] : memref<4x128x64xf32, #tpu.memory_space<vmem>> -> memref<1x128x64xf32, #tpu.memory_space<vmem>>
        %dma_wait3A_131 = tpu.memref_squeeze %dma_wait3A_130 : memref<1x128x64xf32, #tpu.memory_space<vmem>> -> memref<128x64xf32, #tpu.memory_space<vmem>>
        %dma_wait3A_132 = arith.constant 0 : i32
        %dma_wait3A_133 = tpu.memref_slice %arg8[%while3A_125, %dma_wait3A_132] : memref<130x128xi32, #tpu.memory_space<vmem>> -> memref<1x128xi32, #tpu.memory_space<vmem>>
        %dma_wait3A_134 = tpu.memref_squeeze %dma_wait3A_133 : memref<1x128xi32, #tpu.memory_space<vmem>> -> memref<128xi32, #tpu.memory_space<vmem>>
        %dma_wait3A_135 = arith.constant 0 : i32
        %dma_wait3A_136 = arith.constant 0 : i32
        %dma_wait3A_137 = tpu.memref_slice %arg4[%dma_wait3A_135, %dma_wait3A_136] : memref<10000x64xf32, #tpu.memory_space<hbm>> -> memref<10000x64xf32, #tpu.memory_space<hbm>>
        tpu.wait_indirect_dma semaphore(%arg13 : memref<!tpu.dma_semaphore, #tpu.memory_space<semaphore_mem>>) src(%dma_wait3A_137 : memref<10000x64xf32, #tpu.memory_space<hbm>>) dst(%dma_wait3A_131 : memref<128x64xf32, #tpu.memory_space<vmem>>)
        %dma_start3A_138 = arith.constant 0 : i32
        %dma_start3A_139 = arith.constant 0 : i32
        %dma_start3A_140 = tpu.memref_slice %arg10[%rem3A_127, %dma_start3A_138, %dma_start3A_139] : memref<4x128x64xf32, #tpu.memory_space<vmem>> -> memref<1x128x64xf32, #tpu.memory_space<vmem>>
        %dma_start3A_141 = tpu.memref_squeeze %dma_start3A_140 : memref<1x128x64xf32, #tpu.memory_space<vmem>> -> memref<128x64xf32, #tpu.memory_space<vmem>>
        %dma_start3A_142 = arith.constant 0 : i32
        %dma_start3A_143 = tpu.memref_slice %arg9[%while3A_125, %dma_start3A_142] : memref<130x128xi32, #tpu.memory_space<vmem>> -> memref<1x128xi32, #tpu.memory_space<vmem>>
        %dma_start3A_144 = tpu.memref_squeeze %dma_start3A_143 : memref<1x128xi32, #tpu.memory_space<vmem>> -> memref<128xi32, #tpu.memory_space<vmem>>
        %dma_start3A_145 = arith.constant 0 : i32
        %dma_start3A_146 = arith.constant 0 : i32
        %dma_start3A_147 = tpu.memref_slice %arg12[%dma_start3A_145, %dma_start3A_146] : memref<10240x64xf32, #tpu.memory_space<vmem_shared>> -> memref<10240x64xf32, #tpu.memory_space<vmem_shared>>
        tpu.enqueue_indirect_dma source(%dma_start3A_141 : memref<128x64xf32, #tpu.memory_space<vmem>>) target(%dma_start3A_147 : memref<10240x64xf32, #tpu.memory_space<vmem_shared>>) offsets(%dma_start3A_144 : memref<128xi32, #tpu.memory_space<vmem>>) semaphore(%arg14 : memref<!tpu.dma_semaphore, #tpu.memory_space<semaphore_mem>>) {add = true}
        %ge3A = arith.constant 1 : i32
        %ge3A_148 = arith.cmpi sge, %while3A_125, %ge3A : i32
        %convert_element_type3A_149 = arith.extui %ge3A_148 : i1 to i32
        %cond3A_150 = arith.constant 0 : i32
        %cond3A_151 = arith.cmpi ne, %convert_element_type3A_149, %cond3A_150 : i32
        scf.if %cond3A_151 {
          %add3A_157 = arith.constant 3 : i32
          %add3A_158 = arith.addi %while3A_125, %add3A_157 : i32
          %rem3A_159 = arith.constant 4 : i32
          %rem3A_160 = arith.remsi %add3A_158, %rem3A_159 : i32
          %sub3A_161 = arith.constant 1 : i32
          %sub3A_162 = arith.subi %while3A_125, %sub3A_161 : i32
          %dma_wait3A_163 = arith.constant 0 : i32
          %dma_wait3A_164 = arith.constant 0 : i32
          %dma_wait3A_165 = tpu.memref_slice %arg10[%rem3A_160, %dma_wait3A_163, %dma_wait3A_164] : memref<4x128x64xf32, #tpu.memory_space<vmem>> -> memref<1x128x64xf32, #tpu.memory_space<vmem>>
          %dma_wait3A_166 = tpu.memref_squeeze %dma_wait3A_165 : memref<1x128x64xf32, #tpu.memory_space<vmem>> -> memref<128x64xf32, #tpu.memory_space<vmem>>
          %dma_wait3A_167 = arith.constant 0 : i32
          %dma_wait3A_168 = tpu.memref_slice %arg9[%sub3A_162, %dma_wait3A_167] : memref<130x128xi32, #tpu.memory_space<vmem>> -> memref<1x128xi32, #tpu.memory_space<vmem>>
          %dma_wait3A_169 = tpu.memref_squeeze %dma_wait3A_168 : memref<1x128xi32, #tpu.memory_space<vmem>> -> memref<128xi32, #tpu.memory_space<vmem>>
          %dma_wait3A_170 = arith.constant 0 : i32
          %dma_wait3A_171 = arith.constant 0 : i32
          %dma_wait3A_172 = tpu.memref_slice %arg12[%dma_wait3A_170, %dma_wait3A_171] : memref<10240x64xf32, #tpu.memory_space<vmem_shared>> -> memref<10240x64xf32, #tpu.memory_space<vmem_shared>>
          tpu.wait_indirect_dma semaphore(%arg14 : memref<!tpu.dma_semaphore, #tpu.memory_space<semaphore_mem>>) src(%dma_wait3A_166 : memref<128x64xf32, #tpu.memory_space<vmem>>) dst(%dma_wait3A_172 : memref<10240x64xf32, #tpu.memory_space<vmem_shared>>)
        } else {
        }
        %add3A_152 = arith.constant 3 : i32
        %add3A_153 = arith.addi %while3A_125, %add3A_152 : i32
        %lt3A = arith.cmpi slt, %add3A_153, %add3A_6 : i32
        %convert_element_type3A_154 = arith.extui %lt3A : i1 to i32
        %cond3A_155 = arith.constant 0 : i32
        %cond3A_156 = arith.cmpi ne, %convert_element_type3A_154, %cond3A_155 : i32
        scf.if %cond3A_156 {
          %add3A_157 = arith.constant 3 : i32
          %add3A_158 = arith.addi %while3A_125, %add3A_157 : i32
          %add3A_159 = arith.constant 3 : i32
          %add3A_160 = arith.addi %while3A_125, %add3A_159 : i32
          %rem3A_161 = arith.constant 4 : i32
          %rem3A_162 = arith.remsi %add3A_160, %rem3A_161 : i32
          %dma_start3A_163 = arith.constant 0 : i32
          %dma_start3A_164 = arith.constant 0 : i32
          %dma_start3A_165 = tpu.memref_slice %arg10[%rem3A_162, %dma_start3A_163, %dma_start3A_164] : memref<4x128x64xf32, #tpu.memory_space<vmem>> -> memref<1x128x64xf32, #tpu.memory_space<vmem>>
          %dma_start3A_166 = tpu.memref_squeeze %dma_start3A_165 : memref<1x128x64xf32, #tpu.memory_space<vmem>> -> memref<128x64xf32, #tpu.memory_space<vmem>>
          %dma_start3A_167 = arith.constant 0 : i32
          %dma_start3A_168 = tpu.memref_slice %arg8[%add3A_158, %dma_start3A_167] : memref<130x128xi32, #tpu.memory_space<vmem>> -> memref<1x128xi32, #tpu.memory_space<vmem>>
          %dma_start3A_169 = tpu.memref_squeeze %dma_start3A_168 : memref<1x128xi32, #tpu.memory_space<vmem>> -> memref<128xi32, #tpu.memory_space<vmem>>
          %dma_start3A_170 = arith.constant 0 : i32
          %dma_start3A_171 = arith.constant 0 : i32
          %dma_start3A_172 = tpu.memref_slice %arg4[%dma_start3A_170, %dma_start3A_171] : memref<10000x64xf32, #tpu.memory_space<hbm>> -> memref<10000x64xf32, #tpu.memory_space<hbm>>
          tpu.enqueue_indirect_dma source(%dma_start3A_172 : memref<10000x64xf32, #tpu.memory_space<hbm>>) target(%dma_start3A_166 : memref<128x64xf32, #tpu.memory_space<vmem>>) offsets(%dma_start3A_169 : memref<128xi32, #tpu.memory_space<vmem>>) semaphore(%arg13 : memref<!tpu.dma_semaphore, #tpu.memory_space<semaphore_mem>>)
        } else {
        }
      }
      %while3A_111 = arith.constant 1 : i32
      scf.for %while3A_125 = %while3A_109 to %while3A_105 step %while3A_111  : i32 {
        %rem3A_126 = arith.constant 4 : i32
        %rem3A_127 = arith.remsi %while3A_125, %rem3A_126 : i32
        %dma_wait3A_128 = arith.constant 0 : i32
        %dma_wait3A_129 = arith.constant 0 : i32
        %dma_wait3A_130 = tpu.memref_slice %arg10[%rem3A_127, %dma_wait3A_128, %dma_wait3A_129] : memref<4x128x64xf32, #tpu.memory_space<vmem>> -> memref<1x128x64xf32, #tpu.memory_space<vmem>>
        %dma_wait3A_131 = tpu.memref_squeeze %dma_wait3A_130 : memref<1x128x64xf32, #tpu.memory_space<vmem>> -> memref<128x64xf32, #tpu.memory_space<vmem>>
        %dma_wait3A_132 = arith.constant 0 : i32
        %dma_wait3A_133 = tpu.memref_slice %arg8[%while3A_125, %dma_wait3A_132] : memref<130x128xi32, #tpu.memory_space<vmem>> -> memref<1x128xi32, #tpu.memory_space<vmem>>
        %dma_wait3A_134 = tpu.memref_squeeze %dma_wait3A_133 : memref<1x128xi32, #tpu.memory_space<vmem>> -> memref<128xi32, #tpu.memory_space<vmem>>
        %dma_wait3A_135 = arith.constant 0 : i32
        %dma_wait3A_136 = arith.constant 0 : i32
        %dma_wait3A_137 = tpu.memref_slice %arg4[%dma_wait3A_135, %dma_wait3A_136] : memref<10000x64xf32, #tpu.memory_space<hbm>> -> memref<10000x64xf32, #tpu.memory_space<hbm>>
        tpu.wait_indirect_dma semaphore(%arg13 : memref<!tpu.dma_semaphore, #tpu.memory_space<semaphore_mem>>) src(%dma_wait3A_137 : memref<10000x64xf32, #tpu.memory_space<hbm>>) dst(%dma_wait3A_131 : memref<128x64xf32, #tpu.memory_space<vmem>>)
        %dma_start3A_138 = arith.constant 0 : i32
        %dma_start3A_139 = arith.constant 0 : i32
        %dma_start3A_140 = tpu.memref_slice %arg10[%rem3A_127, %dma_start3A_138, %dma_start3A_139] : memref<4x128x64xf32, #tpu.memory_space<vmem>> -> memref<1x128x64xf32, #tpu.memory_space<vmem>>
        %dma_start3A_141 = tpu.memref_squeeze %dma_start3A_140 : memref<1x128x64xf32, #tpu.memory_space<vmem>> -> memref<128x64xf32, #tpu.memory_space<vmem>>
        %dma_start3A_142 = arith.constant 0 : i32
        %dma_start3A_143 = tpu.memref_slice %arg9[%while3A_125, %dma_start3A_142] : memref<130x128xi32, #tpu.memory_space<vmem>> -> memref<1x128xi32, #tpu.memory_space<vmem>>
        %dma_start3A_144 = tpu.memref_squeeze %dma_start3A_143 : memref<1x128xi32, #tpu.memory_space<vmem>> -> memref<128xi32, #tpu.memory_space<vmem>>
        %dma_start3A_145 = arith.constant 0 : i32
        %dma_start3A_146 = arith.constant 0 : i32
        %dma_start3A_147 = tpu.memref_slice %arg12[%dma_start3A_145, %dma_start3A_146] : memref<10240x64xf32, #tpu.memory_space<vmem_shared>> -> memref<10240x64xf32, #tpu.memory_space<vmem_shared>>
        tpu.enqueue_indirect_dma source(%dma_start3A_141 : memref<128x64xf32, #tpu.memory_space<vmem>>) target(%dma_start3A_147 : memref<10240x64xf32, #tpu.memory_space<vmem_shared>>) offsets(%dma_start3A_144 : memref<128xi32, #tpu.memory_space<vmem>>) semaphore(%arg14 : memref<!tpu.dma_semaphore, #tpu.memory_space<semaphore_mem>>) {add = true}
        %ge3A = arith.constant 1 : i32
        %ge3A_148 = arith.cmpi sge, %while3A_125, %ge3A : i32
        %convert_element_type3A_149 = arith.extui %ge3A_148 : i1 to i32
        %cond3A_150 = arith.constant 0 : i32
        %cond3A_151 = arith.cmpi ne, %convert_element_type3A_149, %cond3A_150 : i32
        scf.if %cond3A_151 {
          %add3A_157 = arith.constant 3 : i32
          %add3A_158 = arith.addi %while3A_125, %add3A_157 : i32
          %rem3A_159 = arith.constant 4 : i32
          %rem3A_160 = arith.remsi %add3A_158, %rem3A_159 : i32
          %sub3A_161 = arith.constant 1 : i32
          %sub3A_162 = arith.subi %while3A_125, %sub3A_161 : i32
          %dma_wait3A_163 = arith.constant 0 : i32
          %dma_wait3A_164 = arith.constant 0 : i32
          %dma_wait3A_165 = tpu.memref_slice %arg10[%rem3A_160, %dma_wait3A_163, %dma_wait3A_164] : memref<4x128x64xf32, #tpu.memory_space<vmem>> -> memref<1x128x64xf32, #tpu.memory_space<vmem>>
          %dma_wait3A_166 = tpu.memref_squeeze %dma_wait3A_165 : memref<1x128x64xf32, #tpu.memory_space<vmem>> -> memref<128x64xf32, #tpu.memory_space<vmem>>
          %dma_wait3A_167 = arith.constant 0 : i32
          %dma_wait3A_168 = tpu.memref_slice %arg9[%sub3A_162, %dma_wait3A_167] : memref<130x128xi32, #tpu.memory_space<vmem>> -> memref<1x128xi32, #tpu.memory_space<vmem>>
          %dma_wait3A_169 = tpu.memref_squeeze %dma_wait3A_168 : memref<1x128xi32, #tpu.memory_space<vmem>> -> memref<128xi32, #tpu.memory_space<vmem>>
          %dma_wait3A_170 = arith.constant 0 : i32
          %dma_wait3A_171 = arith.constant 0 : i32
          %dma_wait3A_172 = tpu.memref_slice %arg12[%dma_wait3A_170, %dma_wait3A_171] : memref<10240x64xf32, #tpu.memory_space<vmem_shared>> -> memref<10240x64xf32, #tpu.memory_space<vmem_shared>>
          tpu.wait_indirect_dma semaphore(%arg14 : memref<!tpu.dma_semaphore, #tpu.memory_space<semaphore_mem>>) src(%dma_wait3A_166 : memref<128x64xf32, #tpu.memory_space<vmem>>) dst(%dma_wait3A_172 : memref<10240x64xf32, #tpu.memory_space<vmem_shared>>)
        } else {
        }
        %add3A_152 = arith.constant 3 : i32
        %add3A_153 = arith.addi %while3A_125, %add3A_152 : i32
        %lt3A = arith.cmpi slt, %add3A_153, %add3A_6 : i32
        %convert_element_type3A_154 = arith.extui %lt3A : i1 to i32
        %cond3A_155 = arith.constant 0 : i32
        %cond3A_156 = arith.cmpi ne, %convert_element_type3A_154, %cond3A_155 : i32
        scf.if %cond3A_156 {
          %add3A_157 = arith.constant 3 : i32
          %add3A_158 = arith.addi %while3A_125, %add3A_157 : i32
          %add3A_159 = arith.constant 3 : i32
          %add3A_160 = arith.addi %while3A_125, %add3A_159 : i32
          %rem3A_161 = arith.constant 4 : i32
          %rem3A_162 = arith.remsi %add3A_160, %rem3A_161 : i32
          %dma_start3A_163 = arith.constant 0 : i32
          %dma_start3A_164 = arith.constant 0 : i32
          %dma_start3A_165 = tpu.memref_slice %arg10[%rem3A_162, %dma_start3A_163, %dma_start3A_164] : memref<4x128x64xf32, #tpu.memory_space<vmem>> -> memref<1x128x64xf32, #tpu.memory_space<vmem>>
          %dma_start3A_166 = tpu.memref_squeeze %dma_start3A_165 : memref<1x128x64xf32, #tpu.memory_space<vmem>> -> memref<128x64xf32, #tpu.memory_space<vmem>>
          %dma_start3A_167 = arith.constant 0 : i32
          %dma_start3A_168 = tpu.memref_slice %arg8[%add3A_158, %dma_start3A_167] : memref<130x128xi32, #tpu.memory_space<vmem>> -> memref<1x128xi32, #tpu.memory_space<vmem>>
          %dma_start3A_169 = tpu.memref_squeeze %dma_start3A_168 : memref<1x128xi32, #tpu.memory_space<vmem>> -> memref<128xi32, #tpu.memory_space<vmem>>
          %dma_start3A_170 = arith.constant 0 : i32
          %dma_start3A_171 = arith.constant 0 : i32
          %dma_start3A_172 = tpu.memref_slice %arg4[%dma_start3A_170, %dma_start3A_171] : memref<10000x64xf32, #tpu.memory_space<hbm>> -> memref<10000x64xf32, #tpu.memory_space<hbm>>
          tpu.enqueue_indirect_dma source(%dma_start3A_172 : memref<10000x64xf32, #tpu.memory_space<hbm>>) target(%dma_start3A_166 : memref<128x64xf32, #tpu.memory_space<vmem>>) offsets(%dma_start3A_169 : memref<128xi32, #tpu.memory_space<vmem>>) semaphore(%arg13 : memref<!tpu.dma_semaphore, #tpu.memory_space<semaphore_mem>>)
        } else {
        }
      }
      %sub3A = arith.constant 1 : i32
      %sub3A_112 = arith.subi %add3A_6, %sub3A : i32
      %rem3A = arith.constant 4 : i32
      %rem3A_113 = arith.remsi %sub3A_112, %rem3A : i32
      %sub3A_114 = arith.constant 1 : i32
      %sub3A_115 = arith.subi %add3A_6, %sub3A_114 : i32
      %dma_wait3A = arith.constant 0 : i32
      %dma_wait3A_116 = arith.constant 0 : i32
      %dma_wait3A_117 = tpu.memref_slice %arg10[%rem3A_113, %dma_wait3A, %dma_wait3A_116] : memref<4x128x64xf32, #tpu.memory_space<vmem>> -> memref<1x128x64xf32, #tpu.memory_space<vmem>>
      %dma_wait3A_118 = tpu.memref_squeeze %dma_wait3A_117 : memref<1x128x64xf32, #tpu.memory_space<vmem>> -> memref<128x64xf32, #tpu.memory_space<vmem>>
      %dma_wait3A_119 = arith.constant 0 : i32
      %dma_wait3A_120 = tpu.memref_slice %arg9[%sub3A_115, %dma_wait3A_119] : memref<130x128xi32, #tpu.memory_space<vmem>> -> memref<1x128xi32, #tpu.memory_space<vmem>>
      %dma_wait3A_121 = tpu.memref_squeeze %dma_wait3A_120 : memref<1x128xi32, #tpu.memory_space<vmem>> -> memref<128xi32, #tpu.memory_space<vmem>>
      %dma_wait3A_122 = arith.constant 0 : i32
      %dma_wait3A_123 = arith.constant 0 : i32
      %dma_wait3A_124 = tpu.memref_slice %arg12[%dma_wait3A_122, %dma_wait3A_123] : memref<10240x64xf32, #tpu.memory_space<vmem_shared>> -> memref<10240x64xf32, #tpu.memory_space<vmem_shared>>
      tpu.wait_indirect_dma semaphore(%arg14 : memref<!tpu.dma_semaphore, #tpu.memory_space<semaphore_mem>>) src(%dma_wait3A_118 : memref<128x64xf32, #tpu.memory_space<vmem>>) dst(%dma_wait3A_124 : memref<10240x64xf32, #tpu.memory_space<vmem_shared>>)
    } else {
    }
    %barrier3A_29 = arith.constant 0 : index
    tpu.barrier barrier_id(%barrier3A_29)
    %mul3A_30 = arith.constant 640 : i32
    %mul3A_31 = arith.muli %arg1, %mul3A_30 : i32
    %mul3A_32 = arith.constant 640 : i32
    %mul3A_33 = arith.muli %arg1, %mul3A_32 : i32
    %run_scoped3A = arith.constant 0 : i32
    "tpu.region"() ({
      %run_scoped3A_68 = tpu.sem_alloc : memref<!tpu.dma_semaphore, #tpu.memory_space<semaphore_mem>>
      %dma_start3A = arith.constant 0 : i32
      %dma_start3A_69 = tpu.memref_slice %arg7[%arg0, %run_scoped3A, %mul3A_33, %dma_start3A] : memref<2x2x10240x64xf32, #tpu.memory_space<hbm>> -> memref<1x1x640x64xf32, #tpu.memory_space<hbm>>
      %dma_start3A_70 = tpu.memref_squeeze %dma_start3A_69 : memref<1x1x640x64xf32, #tpu.memory_space<hbm>> -> memref<640x64xf32, #tpu.memory_space<hbm>>
      %dma_start3A_71 = arith.constant 0 : i32
      %dma_start3A_72 = tpu.memref_slice %arg12[%mul3A_31, %dma_start3A_71] : memref<10240x64xf32, #tpu.memory_space<vmem_shared>> -> memref<640x64xf32, #tpu.memory_space<vmem_shared>>
      tpu.enqueue_dma source(%dma_start3A_72 : memref<640x64xf32, #tpu.memory_space<vmem_shared>>) target(%dma_start3A_70 : memref<640x64xf32, #tpu.memory_space<hbm>>) target_semaphore(%run_scoped3A_68 : memref<!tpu.dma_semaphore, #tpu.memory_space<semaphore_mem>>)
      %dma_wait3A = arith.constant 0 : i32
      %dma_wait3A_73 = tpu.memref_slice %arg7[%arg0, %run_scoped3A, %mul3A_33, %dma_wait3A] : memref<2x2x10240x64xf32, #tpu.memory_space<hbm>> -> memref<1x1x640x64xf32, #tpu.memory_space<hbm>>
      %dma_wait3A_74 = tpu.memref_squeeze %dma_wait3A_73 : memref<1x1x640x64xf32, #tpu.memory_space<hbm>> -> memref<640x64xf32, #tpu.memory_space<hbm>>
      %dma_wait3A_75 = arith.constant 0 : i32
      %dma_wait3A_76 = tpu.memref_slice %arg12[%mul3A_31, %dma_wait3A_75] : memref<10240x64xf32, #tpu.memory_space<vmem_shared>> -> memref<640x64xf32, #tpu.memory_space<vmem_shared>>
      tpu.wait_dma2 semaphore(%run_scoped3A_68 : memref<!tpu.dma_semaphore, #tpu.memory_space<semaphore_mem>>) src(%dma_wait3A_76 : memref<640x64xf32, #tpu.memory_space<vmem_shared>>) dst(%dma_wait3A_74 : memref<640x64xf32, #tpu.memory_space<hbm>>)
      tpu.yield
    }) : () -> ()
    %barrier3A_34 = arith.constant 0 : index
    tpu.barrier barrier_id(%barrier3A_34)
    %mul3A_35 = arith.constant 640 : i32
    %mul3A_36 = arith.muli %arg1, %mul3A_35 : i32
    %add3A_37 = arith.constant 0 : i32
    %add3A_38 = arith.addi %mul3A_36, %add3A_37 : i32
    "tpu.region"() ({
      %run_scoped3A_68 = tpu.sem_alloc : memref<!tpu.dma_semaphore, #tpu.memory_space<semaphore_mem>>
      %dma_start3A = arith.constant 0 : i32
      %dma_start3A_69 = tpu.memref_slice %arg12[%add3A_38, %dma_start3A] : memref<10240x64xf32, #tpu.memory_space<vmem_shared>> -> memref<128x64xf32, #tpu.memory_space<vmem_shared>>
      %dma_start3A_70 = arith.constant 0 : i32
      %dma_start3A_71 = tpu.memref_slice %arg12[%add3A_38, %dma_start3A_70] : memref<10240x64xf32, #tpu.memory_space<vmem_shared>> -> memref<128x64xf32, #tpu.memory_space<vmem_shared>>
      tpu.enqueue_dma source(%arg11 : memref<128x64xf32, #tpu.memory_space<vmem>>) target(%dma_start3A_71 : memref<128x64xf32, #tpu.memory_space<vmem_shared>>) target_semaphore(%run_scoped3A_68 : memref<!tpu.dma_semaphore, #tpu.memory_space<semaphore_mem>>)
      %dma_wait3A = arith.constant 0 : i32
      %dma_wait3A_72 = tpu.memref_slice %arg12[%add3A_38, %dma_wait3A] : memref<10240x64xf32, #tpu.memory_space<vmem_shared>> -> memref<128x64xf32, #tpu.memory_space<vmem_shared>>
      %dma_wait3A_73 = arith.constant 0 : i32
      %dma_wait3A_74 = tpu.memref_slice %arg12[%add3A_38, %dma_wait3A_73] : memref<10240x64xf32, #tpu.memory_space<vmem_shared>> -> memref<128x64xf32, #tpu.memory_space<vmem_shared>>
      tpu.wait_dma2 semaphore(%run_scoped3A_68 : memref<!tpu.dma_semaphore, #tpu.memory_space<semaphore_mem>>) src(%arg11 : memref<128x64xf32, #tpu.memory_space<vmem>>) dst(%dma_wait3A_74 : memref<128x64xf32, #tpu.memory_space<vmem_shared>>)
      tpu.yield
    }) : () -> ()
    %mul3A_39 = arith.constant 640 : i32
    %mul3A_40 = arith.muli %arg1, %mul3A_39 : i32
    %add3A_41 = arith.constant 128 : i32
    %add3A_42 = arith.addi %mul3A_40, %add3A_41 : i32
    "tpu.region"() ({
      %run_scoped3A_68 = tpu.sem_alloc : memref<!tpu.dma_semaphore, #tpu.memory_space<semaphore_mem>>
      %dma_start3A = arith.constant 0 : i32
      %dma_start3A_69 = tpu.memref_slice %arg12[%add3A_42, %dma_start3A] : memref<10240x64xf32, #tpu.memory_space<vmem_shared>> -> memref<128x64xf32, #tpu.memory_space<vmem_shared>>
      %dma_start3A_70 = arith.constant 0 : i32
      %dma_start3A_71 = tpu.memref_slice %arg12[%add3A_42, %dma_start3A_70] : memref<10240x64xf32, #tpu.memory_space<vmem_shared>> -> memref<128x64xf32, #tpu.memory_space<vmem_shared>>
      tpu.enqueue_dma source(%arg11 : memref<128x64xf32, #tpu.memory_space<vmem>>) target(%dma_start3A_71 : memref<128x64xf32, #tpu.memory_space<vmem_shared>>) target_semaphore(%run_scoped3A_68 : memref<!tpu.dma_semaphore, #tpu.memory_space<semaphore_mem>>)
      %dma_wait3A = arith.constant 0 : i32
      %dma_wait3A_72 = tpu.memref_slice %arg12[%add3A_42, %dma_wait3A] : memref<10240x64xf32, #tpu.memory_space<vmem_shared>> -> memref<128x64xf32, #tpu.memory_space<vmem_shared>>
      %dma_wait3A_73 = arith.constant 0 : i32
      %dma_wait3A_74 = tpu.memref_slice %arg12[%add3A_42, %dma_wait3A_73] : memref<10240x64xf32, #tpu.memory_space<vmem_shared>> -> memref<128x64xf32, #tpu.memory_space<vmem_shared>>
      tpu.wait_dma2 semaphore(%run_scoped3A_68 : memref<!tpu.dma_semaphore, #tpu.memory_space<semaphore_mem>>) src(%arg11 : memref<128x64xf32, #tpu.memory_space<vmem>>) dst(%dma_wait3A_74 : memref<128x64xf32, #tpu.memory_space<vmem_shared>>)
      tpu.yield
    }) : () -> ()
    %mul3A_43 = arith.constant 640 : i32
    %mul3A_44 = arith.muli %arg1, %mul3A_43 : i32
    %add3A_45 = arith.constant 256 : i32
    %add3A_46 = arith.addi %mul3A_44, %add3A_45 : i32
    "tpu.region"() ({
      %run_scoped3A_68 = tpu.sem_alloc : memref<!tpu.dma_semaphore, #tpu.memory_space<semaphore_mem>>
      %dma_start3A = arith.constant 0 : i32
      %dma_start3A_69 = tpu.memref_slice %arg12[%add3A_46, %dma_start3A] : memref<10240x64xf32, #tpu.memory_space<vmem_shared>> -> memref<128x64xf32, #tpu.memory_space<vmem_shared>>
      %dma_start3A_70 = arith.constant 0 : i32
      %dma_start3A_71 = tpu.memref_slice %arg12[%add3A_46, %dma_start3A_70] : memref<10240x64xf32, #tpu.memory_space<vmem_shared>> -> memref<128x64xf32, #tpu.memory_space<vmem_shared>>
      tpu.enqueue_dma source(%arg11 : memref<128x64xf32, #tpu.memory_space<vmem>>) target(%dma_start3A_71 : memref<128x64xf32, #tpu.memory_space<vmem_shared>>) target_semaphore(%run_scoped3A_68 : memref<!tpu.dma_semaphore, #tpu.memory_space<semaphore_mem>>)
      %dma_wait3A = arith.constant 0 : i32
      %dma_wait3A_72 = tpu.memref_slice %arg12[%add3A_46, %dma_wait3A] : memref<10240x64xf32, #tpu.memory_space<vmem_shared>> -> memref<128x64xf32, #tpu.memory_space<vmem_shared>>
      %dma_wait3A_73 = arith.constant 0 : i32
      %dma_wait3A_74 = tpu.memref_slice %arg12[%add3A_46, %dma_wait3A_73] : memref<10240x64xf32, #tpu.memory_space<vmem_shared>> -> memref<128x64xf32, #tpu.memory_space<vmem_shared>>
      tpu.wait_dma2 semaphore(%run_scoped3A_68 : memref<!tpu.dma_semaphore, #tpu.memory_space<semaphore_mem>>) src(%arg11 : memref<128x64xf32, #tpu.memory_space<vmem>>) dst(%dma_wait3A_74 : memref<128x64xf32, #tpu.memory_space<vmem_shared>>)
      tpu.yield
    }) : () -> ()
    %mul3A_47 = arith.constant 640 : i32
    %mul3A_48 = arith.muli %arg1, %mul3A_47 : i32
    %add3A_49 = arith.constant 384 : i32
    %add3A_50 = arith.addi %mul3A_48, %add3A_49 : i32
    "tpu.region"() ({
      %run_scoped3A_68 = tpu.sem_alloc : memref<!tpu.dma_semaphore, #tpu.memory_space<semaphore_mem>>
      %dma_start3A = arith.constant 0 : i32
      %dma_start3A_69 = tpu.memref_slice %arg12[%add3A_50, %dma_start3A] : memref<10240x64xf32, #tpu.memory_space<vmem_shared>> -> memref<128x64xf32, #tpu.memory_space<vmem_shared>>
      %dma_start3A_70 = arith.constant 0 : i32
      %dma_start3A_71 = tpu.memref_slice %arg12[%add3A_50, %dma_start3A_70] : memref<10240x64xf32, #tpu.memory_space<vmem_shared>> -> memref<128x64xf32, #tpu.memory_space<vmem_shared>>
      tpu.enqueue_dma source(%arg11 : memref<128x64xf32, #tpu.memory_space<vmem>>) target(%dma_start3A_71 : memref<128x64xf32, #tpu.memory_space<vmem_shared>>) target_semaphore(%run_scoped3A_68 : memref<!tpu.dma_semaphore, #tpu.memory_space<semaphore_mem>>)
      %dma_wait3A = arith.constant 0 : i32
      %dma_wait3A_72 = tpu.memref_slice %arg12[%add3A_50, %dma_wait3A] : memref<10240x64xf32, #tpu.memory_space<vmem_shared>> -> memref<128x64xf32, #tpu.memory_space<vmem_shared>>
      %dma_wait3A_73 = arith.constant 0 : i32
      %dma_wait3A_74 = tpu.memref_slice %arg12[%add3A_50, %dma_wait3A_73] : memref<10240x64xf32, #tpu.memory_space<vmem_shared>> -> memref<128x64xf32, #tpu.memory_space<vmem_shared>>
      tpu.wait_dma2 semaphore(%run_scoped3A_68 : memref<!tpu.dma_semaphore, #tpu.memory_space<semaphore_mem>>) src(%arg11 : memref<128x64xf32, #tpu.memory_space<vmem>>) dst(%dma_wait3A_74 : memref<128x64xf32, #tpu.memory_space<vmem_shared>>)
      tpu.yield
    }) : () -> ()
    %mul3A_51 = arith.constant 640 : i32
    %mul3A_52 = arith.muli %arg1, %mul3A_51 : i32
    %add3A_53 = arith.constant 512 : i32
    %add3A_54 = arith.addi %mul3A_52, %add3A_53 : i32
    "tpu.region"() ({
      %run_scoped3A_68 = tpu.sem_alloc : memref<!tpu.dma_semaphore, #tpu.memory_space<semaphore_mem>>
      %dma_start3A = arith.constant 0 : i32
      %dma_start3A_69 = tpu.memref_slice %arg12[%add3A_54, %dma_start3A] : memref<10240x64xf32, #tpu.memory_space<vmem_shared>> -> memref<128x64xf32, #tpu.memory_space<vmem_shared>>
      %dma_start3A_70 = arith.constant 0 : i32
      %dma_start3A_71 = tpu.memref_slice %arg12[%add3A_54, %dma_start3A_70] : memref<10240x64xf32, #tpu.memory_space<vmem_shared>> -> memref<128x64xf32, #tpu.memory_space<vmem_shared>>
      tpu.enqueue_dma source(%arg11 : memref<128x64xf32, #tpu.memory_space<vmem>>) target(%dma_start3A_71 : memref<128x64xf32, #tpu.memory_space<vmem_shared>>) target_semaphore(%run_scoped3A_68 : memref<!tpu.dma_semaphore, #tpu.memory_space<semaphore_mem>>)
      %dma_wait3A = arith.constant 0 : i32
      %dma_wait3A_72 = tpu.memref_slice %arg12[%add3A_54, %dma_wait3A] : memref<10240x64xf32, #tpu.memory_space<vmem_shared>> -> memref<128x64xf32, #tpu.memory_space<vmem_shared>>
      %dma_wait3A_73 = arith.constant 0 : i32
      %dma_wait3A_74 = tpu.memref_slice %arg12[%add3A_54, %dma_wait3A_73] : memref<10240x64xf32, #tpu.memory_space<vmem_shared>> -> memref<128x64xf32, #tpu.memory_space<vmem_shared>>
      tpu.wait_dma2 semaphore(%run_scoped3A_68 : memref<!tpu.dma_semaphore, #tpu.memory_space<semaphore_mem>>) src(%arg11 : memref<128x64xf32, #tpu.memory_space<vmem>>) dst(%dma_wait3A_74 : memref<128x64xf32, #tpu.memory_space<vmem_shared>>)
      tpu.yield
    }) : () -> ()
    %barrier3A_55 = arith.constant 0 : index
    tpu.barrier barrier_id(%barrier3A_55)
    %gt3A_56 = arith.constant 0 : i32
    %gt3A_57 = arith.cmpi sgt, %add3A_6, %gt3A_56 : i32
    %convert_element_type3A_58 = arith.extui %gt3A_57 : i1 to i32
    %cond3A_59 = arith.constant 0 : i32
    %cond3A_60 = arith.cmpi ne, %convert_element_type3A_58, %cond3A_59 : i32
    scf.if %cond3A_60 {
      %dma_start3A = arith.constant 0 : i32
      %dma_start3A_68 = arith.constant 0 : i32
      %dma_start3A_69 = arith.constant 0 : i32
      %dma_start3A_70 = arith.constant 0 : i32
      %dma_start3A_71 = tpu.memref_slice %arg10[%dma_start3A_68, %dma_start3A_69, %dma_start3A_70] : memref<4x128x64xf32, #tpu.memory_space<vmem>> -> memref<1x128x64xf32, #tpu.memory_space<vmem>>
      %dma_start3A_72 = tpu.memref_squeeze %dma_start3A_71 : memref<1x128x64xf32, #tpu.memory_space<vmem>> -> memref<128x64xf32, #tpu.memory_space<vmem>>
      %dma_start3A_73 = arith.constant 0 : i32
      %dma_start3A_74 = tpu.memref_slice %arg8[%dma_start3A, %dma_start3A_73] : memref<130x128xi32, #tpu.memory_space<vmem>> -> memref<1x128xi32, #tpu.memory_space<vmem>>
      %dma_start3A_75 = tpu.memref_squeeze %dma_start3A_74 : memref<1x128xi32, #tpu.memory_space<vmem>> -> memref<128xi32, #tpu.memory_space<vmem>>
      %dma_start3A_76 = arith.constant 0 : i32
      %dma_start3A_77 = arith.constant 0 : i32
      %dma_start3A_78 = tpu.memref_slice %arg5[%dma_start3A_76, %dma_start3A_77] : memref<10000x64xf32, #tpu.memory_space<hbm>> -> memref<10000x64xf32, #tpu.memory_space<hbm>>
      tpu.enqueue_indirect_dma source(%dma_start3A_78 : memref<10000x64xf32, #tpu.memory_space<hbm>>) target(%dma_start3A_72 : memref<128x64xf32, #tpu.memory_space<vmem>>) offsets(%dma_start3A_75 : memref<128xi32, #tpu.memory_space<vmem>>) semaphore(%arg13 : memref<!tpu.dma_semaphore, #tpu.memory_space<semaphore_mem>>)
      %dma_start3A_79 = arith.constant 1 : i32
      %dma_start3A_80 = arith.constant 1 : i32
      %dma_start3A_81 = arith.constant 0 : i32
      %dma_start3A_82 = arith.constant 0 : i32
      %dma_start3A_83 = tpu.memref_slice %arg10[%dma_start3A_80, %dma_start3A_81, %dma_start3A_82] : memref<4x128x64xf32, #tpu.memory_space<vmem>> -> memref<1x128x64xf32, #tpu.memory_space<vmem>>
      %dma_start3A_84 = tpu.memref_squeeze %dma_start3A_83 : memref<1x128x64xf32, #tpu.memory_space<vmem>> -> memref<128x64xf32, #tpu.memory_space<vmem>>
      %dma_start3A_85 = arith.constant 0 : i32
      %dma_start3A_86 = tpu.memref_slice %arg8[%dma_start3A_79, %dma_start3A_85] : memref<130x128xi32, #tpu.memory_space<vmem>> -> memref<1x128xi32, #tpu.memory_space<vmem>>
      %dma_start3A_87 = tpu.memref_squeeze %dma_start3A_86 : memref<1x128xi32, #tpu.memory_space<vmem>> -> memref<128xi32, #tpu.memory_space<vmem>>
      %dma_start3A_88 = arith.constant 0 : i32
      %dma_start3A_89 = arith.constant 0 : i32
      %dma_start3A_90 = tpu.memref_slice %arg5[%dma_start3A_88, %dma_start3A_89] : memref<10000x64xf32, #tpu.memory_space<hbm>> -> memref<10000x64xf32, #tpu.memory_space<hbm>>
      tpu.enqueue_indirect_dma source(%dma_start3A_90 : memref<10000x64xf32, #tpu.memory_space<hbm>>) target(%dma_start3A_84 : memref<128x64xf32, #tpu.memory_space<vmem>>) offsets(%dma_start3A_87 : memref<128xi32, #tpu.memory_space<vmem>>) semaphore(%arg13 : memref<!tpu.dma_semaphore, #tpu.memory_space<semaphore_mem>>)
      %dma_start3A_91 = arith.constant 2 : i32
      %dma_start3A_92 = arith.constant 2 : i32
      %dma_start3A_93 = arith.constant 0 : i32
      %dma_start3A_94 = arith.constant 0 : i32
      %dma_start3A_95 = tpu.memref_slice %arg10[%dma_start3A_92, %dma_start3A_93, %dma_start3A_94] : memref<4x128x64xf32, #tpu.memory_space<vmem>> -> memref<1x128x64xf32, #tpu.memory_space<vmem>>
      %dma_start3A_96 = tpu.memref_squeeze %dma_start3A_95 : memref<1x128x64xf32, #tpu.memory_space<vmem>> -> memref<128x64xf32, #tpu.memory_space<vmem>>
      %dma_start3A_97 = arith.constant 0 : i32
      %dma_start3A_98 = tpu.memref_slice %arg8[%dma_start3A_91, %dma_start3A_97] : memref<130x128xi32, #tpu.memory_space<vmem>> -> memref<1x128xi32, #tpu.memory_space<vmem>>
      %dma_start3A_99 = tpu.memref_squeeze %dma_start3A_98 : memref<1x128xi32, #tpu.memory_space<vmem>> -> memref<128xi32, #tpu.memory_space<vmem>>
      %dma_start3A_100 = arith.constant 0 : i32
      %dma_start3A_101 = arith.constant 0 : i32
      %dma_start3A_102 = tpu.memref_slice %arg5[%dma_start3A_100, %dma_start3A_101] : memref<10000x64xf32, #tpu.memory_space<hbm>> -> memref<10000x64xf32, #tpu.memory_space<hbm>>
      tpu.enqueue_indirect_dma source(%dma_start3A_102 : memref<10000x64xf32, #tpu.memory_space<hbm>>) target(%dma_start3A_96 : memref<128x64xf32, #tpu.memory_space<vmem>>) offsets(%dma_start3A_99 : memref<128xi32, #tpu.memory_space<vmem>>) semaphore(%arg13 : memref<!tpu.dma_semaphore, #tpu.memory_space<semaphore_mem>>)
      %while3A = arith.constant 0 : i32
      %while3A_103 = arith.constant 0 : i32
      %while3A_104 = arith.subi %add3A_6, %while3A_103 : i32
      %while3A_105 = arith.addi %while3A_103, %while3A_104 : i32
      %while3A_106 = arith.constant 1 : i32
      %while3A_107 = arith.divsi %while3A_104, %while3A_106 : i32
      %while3A_108 = arith.muli %while3A_107, %while3A_106 : i32
      %while3A_109 = arith.addi %while3A_103, %while3A_108 : i32
      %while3A_110 = arith.constant 1 : i32
      scf.for %while3A_125 = %while3A_103 to %while3A_109 step %while3A_110  : i32 {
        %rem3A_126 = arith.constant 4 : i32
        %rem3A_127 = arith.remsi %while3A_125, %rem3A_126 : i32
        %dma_wait3A_128 = arith.constant 0 : i32
        %dma_wait3A_129 = arith.constant 0 : i32
        %dma_wait3A_130 = tpu.memref_slice %arg10[%rem3A_127, %dma_wait3A_128, %dma_wait3A_129] : memref<4x128x64xf32, #tpu.memory_space<vmem>> -> memref<1x128x64xf32, #tpu.memory_space<vmem>>
        %dma_wait3A_131 = tpu.memref_squeeze %dma_wait3A_130 : memref<1x128x64xf32, #tpu.memory_space<vmem>> -> memref<128x64xf32, #tpu.memory_space<vmem>>
        %dma_wait3A_132 = arith.constant 0 : i32
        %dma_wait3A_133 = tpu.memref_slice %arg8[%while3A_125, %dma_wait3A_132] : memref<130x128xi32, #tpu.memory_space<vmem>> -> memref<1x128xi32, #tpu.memory_space<vmem>>
        %dma_wait3A_134 = tpu.memref_squeeze %dma_wait3A_133 : memref<1x128xi32, #tpu.memory_space<vmem>> -> memref<128xi32, #tpu.memory_space<vmem>>
        %dma_wait3A_135 = arith.constant 0 : i32
        %dma_wait3A_136 = arith.constant 0 : i32
        %dma_wait3A_137 = tpu.memref_slice %arg5[%dma_wait3A_135, %dma_wait3A_136] : memref<10000x64xf32, #tpu.memory_space<hbm>> -> memref<10000x64xf32, #tpu.memory_space<hbm>>
        tpu.wait_indirect_dma semaphore(%arg13 : memref<!tpu.dma_semaphore, #tpu.memory_space<semaphore_mem>>) src(%dma_wait3A_137 : memref<10000x64xf32, #tpu.memory_space<hbm>>) dst(%dma_wait3A_131 : memref<128x64xf32, #tpu.memory_space<vmem>>)
        %dma_start3A_138 = arith.constant 0 : i32
        %dma_start3A_139 = arith.constant 0 : i32
        %dma_start3A_140 = tpu.memref_slice %arg10[%rem3A_127, %dma_start3A_138, %dma_start3A_139] : memref<4x128x64xf32, #tpu.memory_space<vmem>> -> memref<1x128x64xf32, #tpu.memory_space<vmem>>
        %dma_start3A_141 = tpu.memref_squeeze %dma_start3A_140 : memref<1x128x64xf32, #tpu.memory_space<vmem>> -> memref<128x64xf32, #tpu.memory_space<vmem>>
        %dma_start3A_142 = arith.constant 0 : i32
        %dma_start3A_143 = tpu.memref_slice %arg9[%while3A_125, %dma_start3A_142] : memref<130x128xi32, #tpu.memory_space<vmem>> -> memref<1x128xi32, #tpu.memory_space<vmem>>
        %dma_start3A_144 = tpu.memref_squeeze %dma_start3A_143 : memref<1x128xi32, #tpu.memory_space<vmem>> -> memref<128xi32, #tpu.memory_space<vmem>>
        %dma_start3A_145 = arith.constant 0 : i32
        %dma_start3A_146 = arith.constant 0 : i32
        %dma_start3A_147 = tpu.memref_slice %arg12[%dma_start3A_145, %dma_start3A_146] : memref<10240x64xf32, #tpu.memory_space<vmem_shared>> -> memref<10240x64xf32, #tpu.memory_space<vmem_shared>>
        tpu.enqueue_indirect_dma source(%dma_start3A_141 : memref<128x64xf32, #tpu.memory_space<vmem>>) target(%dma_start3A_147 : memref<10240x64xf32, #tpu.memory_space<vmem_shared>>) offsets(%dma_start3A_144 : memref<128xi32, #tpu.memory_space<vmem>>) semaphore(%arg14 : memref<!tpu.dma_semaphore, #tpu.memory_space<semaphore_mem>>) {add = true}
        %ge3A = arith.constant 1 : i32
        %ge3A_148 = arith.cmpi sge, %while3A_125, %ge3A : i32
        %convert_element_type3A_149 = arith.extui %ge3A_148 : i1 to i32
        %cond3A_150 = arith.constant 0 : i32
        %cond3A_151 = arith.cmpi ne, %convert_element_type3A_149, %cond3A_150 : i32
        scf.if %cond3A_151 {
          %add3A_157 = arith.constant 3 : i32
          %add3A_158 = arith.addi %while3A_125, %add3A_157 : i32
          %rem3A_159 = arith.constant 4 : i32
          %rem3A_160 = arith.remsi %add3A_158, %rem3A_159 : i32
          %sub3A_161 = arith.constant 1 : i32
          %sub3A_162 = arith.subi %while3A_125, %sub3A_161 : i32
          %dma_wait3A_163 = arith.constant 0 : i32
          %dma_wait3A_164 = arith.constant 0 : i32
          %dma_wait3A_165 = tpu.memref_slice %arg10[%rem3A_160, %dma_wait3A_163, %dma_wait3A_164] : memref<4x128x64xf32, #tpu.memory_space<vmem>> -> memref<1x128x64xf32, #tpu.memory_space<vmem>>
          %dma_wait3A_166 = tpu.memref_squeeze %dma_wait3A_165 : memref<1x128x64xf32, #tpu.memory_space<vmem>> -> memref<128x64xf32, #tpu.memory_space<vmem>>
          %dma_wait3A_167 = arith.constant 0 : i32
          %dma_wait3A_168 = tpu.memref_slice %arg9[%sub3A_162, %dma_wait3A_167] : memref<130x128xi32, #tpu.memory_space<vmem>> -> memref<1x128xi32, #tpu.memory_space<vmem>>
          %dma_wait3A_169 = tpu.memref_squeeze %dma_wait3A_168 : memref<1x128xi32, #tpu.memory_space<vmem>> -> memref<128xi32, #tpu.memory_space<vmem>>
          %dma_wait3A_170 = arith.constant 0 : i32
          %dma_wait3A_171 = arith.constant 0 : i32
          %dma_wait3A_172 = tpu.memref_slice %arg12[%dma_wait3A_170, %dma_wait3A_171] : memref<10240x64xf32, #tpu.memory_space<vmem_shared>> -> memref<10240x64xf32, #tpu.memory_space<vmem_shared>>
          tpu.wait_indirect_dma semaphore(%arg14 : memref<!tpu.dma_semaphore, #tpu.memory_space<semaphore_mem>>) src(%dma_wait3A_166 : memref<128x64xf32, #tpu.memory_space<vmem>>) dst(%dma_wait3A_172 : memref<10240x64xf32, #tpu.memory_space<vmem_shared>>)
        } else {
        }
        %add3A_152 = arith.constant 3 : i32
        %add3A_153 = arith.addi %while3A_125, %add3A_152 : i32
        %lt3A = arith.cmpi slt, %add3A_153, %add3A_6 : i32
        %convert_element_type3A_154 = arith.extui %lt3A : i1 to i32
        %cond3A_155 = arith.constant 0 : i32
        %cond3A_156 = arith.cmpi ne, %convert_element_type3A_154, %cond3A_155 : i32
        scf.if %cond3A_156 {
          %add3A_157 = arith.constant 3 : i32
          %add3A_158 = arith.addi %while3A_125, %add3A_157 : i32
          %add3A_159 = arith.constant 3 : i32
          %add3A_160 = arith.addi %while3A_125, %add3A_159 : i32
          %rem3A_161 = arith.constant 4 : i32
          %rem3A_162 = arith.remsi %add3A_160, %rem3A_161 : i32
          %dma_start3A_163 = arith.constant 0 : i32
          %dma_start3A_164 = arith.constant 0 : i32
          %dma_start3A_165 = tpu.memref_slice %arg10[%rem3A_162, %dma_start3A_163, %dma_start3A_164] : memref<4x128x64xf32, #tpu.memory_space<vmem>> -> memref<1x128x64xf32, #tpu.memory_space<vmem>>
          %dma_start3A_166 = tpu.memref_squeeze %dma_start3A_165 : memref<1x128x64xf32, #tpu.memory_space<vmem>> -> memref<128x64xf32, #tpu.memory_space<vmem>>
          %dma_start3A_167 = arith.constant 0 : i32
          %dma_start3A_168 = tpu.memref_slice %arg8[%add3A_158, %dma_start3A_167] : memref<130x128xi32, #tpu.memory_space<vmem>> -> memref<1x128xi32, #tpu.memory_space<vmem>>
          %dma_start3A_169 = tpu.memref_squeeze %dma_start3A_168 : memref<1x128xi32, #tpu.memory_space<vmem>> -> memref<128xi32, #tpu.memory_space<vmem>>
          %dma_start3A_170 = arith.constant 0 : i32
          %dma_start3A_171 = arith.constant 0 : i32
          %dma_start3A_172 = tpu.memref_slice %arg5[%dma_start3A_170, %dma_start3A_171] : memref<10000x64xf32, #tpu.memory_space<hbm>> -> memref<10000x64xf32, #tpu.memory_space<hbm>>
          tpu.enqueue_indirect_dma source(%dma_start3A_172 : memref<10000x64xf32, #tpu.memory_space<hbm>>) target(%dma_start3A_166 : memref<128x64xf32, #tpu.memory_space<vmem>>) offsets(%dma_start3A_169 : memref<128xi32, #tpu.memory_space<vmem>>) semaphore(%arg13 : memref<!tpu.dma_semaphore, #tpu.memory_space<semaphore_mem>>)
        } else {
        }
      }
      %while3A_111 = arith.constant 1 : i32
      scf.for %while3A_125 = %while3A_109 to %while3A_105 step %while3A_111  : i32 {
        %rem3A_126 = arith.constant 4 : i32
        %rem3A_127 = arith.remsi %while3A_125, %rem3A_126 : i32
        %dma_wait3A_128 = arith.constant 0 : i32
        %dma_wait3A_129 = arith.constant 0 : i32
        %dma_wait3A_130 = tpu.memref_slice %arg10[%rem3A_127, %dma_wait3A_128, %dma_wait3A_129] : memref<4x128x64xf32, #tpu.memory_space<vmem>> -> memref<1x128x64xf32, #tpu.memory_space<vmem>>
        %dma_wait3A_131 = tpu.memref_squeeze %dma_wait3A_130 : memref<1x128x64xf32, #tpu.memory_space<vmem>> -> memref<128x64xf32, #tpu.memory_space<vmem>>
        %dma_wait3A_132 = arith.constant 0 : i32
        %dma_wait3A_133 = tpu.memref_slice %arg8[%while3A_125, %dma_wait3A_132] : memref<130x128xi32, #tpu.memory_space<vmem>> -> memref<1x128xi32, #tpu.memory_space<vmem>>
        %dma_wait3A_134 = tpu.memref_squeeze %dma_wait3A_133 : memref<1x128xi32, #tpu.memory_space<vmem>> -> memref<128xi32, #tpu.memory_space<vmem>>
        %dma_wait3A_135 = arith.constant 0 : i32
        %dma_wait3A_136 = arith.constant 0 : i32
        %dma_wait3A_137 = tpu.memref_slice %arg5[%dma_wait3A_135, %dma_wait3A_136] : memref<10000x64xf32, #tpu.memory_space<hbm>> -> memref<10000x64xf32, #tpu.memory_space<hbm>>
        tpu.wait_indirect_dma semaphore(%arg13 : memref<!tpu.dma_semaphore, #tpu.memory_space<semaphore_mem>>) src(%dma_wait3A_137 : memref<10000x64xf32, #tpu.memory_space<hbm>>) dst(%dma_wait3A_131 : memref<128x64xf32, #tpu.memory_space<vmem>>)
        %dma_start3A_138 = arith.constant 0 : i32
        %dma_start3A_139 = arith.constant 0 : i32
        %dma_start3A_140 = tpu.memref_slice %arg10[%rem3A_127, %dma_start3A_138, %dma_start3A_139] : memref<4x128x64xf32, #tpu.memory_space<vmem>> -> memref<1x128x64xf32, #tpu.memory_space<vmem>>
        %dma_start3A_141 = tpu.memref_squeeze %dma_start3A_140 : memref<1x128x64xf32, #tpu.memory_space<vmem>> -> memref<128x64xf32, #tpu.memory_space<vmem>>
        %dma_start3A_142 = arith.constant 0 : i32
        %dma_start3A_143 = tpu.memref_slice %arg9[%while3A_125, %dma_start3A_142] : memref<130x128xi32, #tpu.memory_space<vmem>> -> memref<1x128xi32, #tpu.memory_space<vmem>>
        %dma_start3A_144 = tpu.memref_squeeze %dma_start3A_143 : memref<1x128xi32, #tpu.memory_space<vmem>> -> memref<128xi32, #tpu.memory_space<vmem>>
        %dma_start3A_145 = arith.constant 0 : i32
        %dma_start3A_146 = arith.constant 0 : i32
        %dma_start3A_147 = tpu.memref_slice %arg12[%dma_start3A_145, %dma_start3A_146] : memref<10240x64xf32, #tpu.memory_space<vmem_shared>> -> memref<10240x64xf32, #tpu.memory_space<vmem_shared>>
        tpu.enqueue_indirect_dma source(%dma_start3A_141 : memref<128x64xf32, #tpu.memory_space<vmem>>) target(%dma_start3A_147 : memref<10240x64xf32, #tpu.memory_space<vmem_shared>>) offsets(%dma_start3A_144 : memref<128xi32, #tpu.memory_space<vmem>>) semaphore(%arg14 : memref<!tpu.dma_semaphore, #tpu.memory_space<semaphore_mem>>) {add = true}
        %ge3A = arith.constant 1 : i32
        %ge3A_148 = arith.cmpi sge, %while3A_125, %ge3A : i32
        %convert_element_type3A_149 = arith.extui %ge3A_148 : i1 to i32
        %cond3A_150 = arith.constant 0 : i32
        %cond3A_151 = arith.cmpi ne, %convert_element_type3A_149, %cond3A_150 : i32
        scf.if %cond3A_151 {
          %add3A_157 = arith.constant 3 : i32
          %add3A_158 = arith.addi %while3A_125, %add3A_157 : i32
          %rem3A_159 = arith.constant 4 : i32
          %rem3A_160 = arith.remsi %add3A_158, %rem3A_159 : i32
          %sub3A_161 = arith.constant 1 : i32
          %sub3A_162 = arith.subi %while3A_125, %sub3A_161 : i32
          %dma_wait3A_163 = arith.constant 0 : i32
          %dma_wait3A_164 = arith.constant 0 : i32
          %dma_wait3A_165 = tpu.memref_slice %arg10[%rem3A_160, %dma_wait3A_163, %dma_wait3A_164] : memref<4x128x64xf32, #tpu.memory_space<vmem>> -> memref<1x128x64xf32, #tpu.memory_space<vmem>>
          %dma_wait3A_166 = tpu.memref_squeeze %dma_wait3A_165 : memref<1x128x64xf32, #tpu.memory_space<vmem>> -> memref<128x64xf32, #tpu.memory_space<vmem>>
          %dma_wait3A_167 = arith.constant 0 : i32
          %dma_wait3A_168 = tpu.memref_slice %arg9[%sub3A_162, %dma_wait3A_167] : memref<130x128xi32, #tpu.memory_space<vmem>> -> memref<1x128xi32, #tpu.memory_space<vmem>>
          %dma_wait3A_169 = tpu.memref_squeeze %dma_wait3A_168 : memref<1x128xi32, #tpu.memory_space<vmem>> -> memref<128xi32, #tpu.memory_space<vmem>>
          %dma_wait3A_170 = arith.constant 0 : i32
          %dma_wait3A_171 = arith.constant 0 : i32
          %dma_wait3A_172 = tpu.memref_slice %arg12[%dma_wait3A_170, %dma_wait3A_171] : memref<10240x64xf32, #tpu.memory_space<vmem_shared>> -> memref<10240x64xf32, #tpu.memory_space<vmem_shared>>
          tpu.wait_indirect_dma semaphore(%arg14 : memref<!tpu.dma_semaphore, #tpu.memory_space<semaphore_mem>>) src(%dma_wait3A_166 : memref<128x64xf32, #tpu.memory_space<vmem>>) dst(%dma_wait3A_172 : memref<10240x64xf32, #tpu.memory_space<vmem_shared>>)
        } else {
        }
        %add3A_152 = arith.constant 3 : i32
        %add3A_153 = arith.addi %while3A_125, %add3A_152 : i32
        %lt3A = arith.cmpi slt, %add3A_153, %add3A_6 : i32
        %convert_element_type3A_154 = arith.extui %lt3A : i1 to i32
        %cond3A_155 = arith.constant 0 : i32
        %cond3A_156 = arith.cmpi ne, %convert_element_type3A_154, %cond3A_155 : i32
        scf.if %cond3A_156 {
          %add3A_157 = arith.constant 3 : i32
          %add3A_158 = arith.addi %while3A_125, %add3A_157 : i32
          %add3A_159 = arith.constant 3 : i32
          %add3A_160 = arith.addi %while3A_125, %add3A_159 : i32
          %rem3A_161 = arith.constant 4 : i32
          %rem3A_162 = arith.remsi %add3A_160, %rem3A_161 : i32
          %dma_start3A_163 = arith.constant 0 : i32
          %dma_start3A_164 = arith.constant 0 : i32
          %dma_start3A_165 = tpu.memref_slice %arg10[%rem3A_162, %dma_start3A_163, %dma_start3A_164] : memref<4x128x64xf32, #tpu.memory_space<vmem>> -> memref<1x128x64xf32, #tpu.memory_space<vmem>>
          %dma_start3A_166 = tpu.memref_squeeze %dma_start3A_165 : memref<1x128x64xf32, #tpu.memory_space<vmem>> -> memref<128x64xf32, #tpu.memory_space<vmem>>
          %dma_start3A_167 = arith.constant 0 : i32
          %dma_start3A_168 = tpu.memref_slice %arg8[%add3A_158, %dma_start3A_167] : memref<130x128xi32, #tpu.memory_space<vmem>> -> memref<1x128xi32, #tpu.memory_space<vmem>>
          %dma_start3A_169 = tpu.memref_squeeze %dma_start3A_168 : memref<1x128xi32, #tpu.memory_space<vmem>> -> memref<128xi32, #tpu.memory_space<vmem>>
          %dma_start3A_170 = arith.constant 0 : i32
          %dma_start3A_171 = arith.constant 0 : i32
          %dma_start3A_172 = tpu.memref_slice %arg5[%dma_start3A_170, %dma_start3A_171] : memref<10000x64xf32, #tpu.memory_space<hbm>> -> memref<10000x64xf32, #tpu.memory_space<hbm>>
          tpu.enqueue_indirect_dma source(%dma_start3A_172 : memref<10000x64xf32, #tpu.memory_space<hbm>>) target(%dma_start3A_166 : memref<128x64xf32, #tpu.memory_space<vmem>>) offsets(%dma_start3A_169 : memref<128xi32, #tpu.memory_space<vmem>>) semaphore(%arg13 : memref<!tpu.dma_semaphore, #tpu.memory_space<semaphore_mem>>)
        } else {
        }
      }
      %sub3A = arith.constant 1 : i32
      %sub3A_112 = arith.subi %add3A_6, %sub3A : i32
      %rem3A = arith.constant 4 : i32
      %rem3A_113 = arith.remsi %sub3A_112, %rem3A : i32
      %sub3A_114 = arith.constant 1 : i32
      %sub3A_115 = arith.subi %add3A_6, %sub3A_114 : i32
      %dma_wait3A = arith.constant 0 : i32
      %dma_wait3A_116 = arith.constant 0 : i32
      %dma_wait3A_117 = tpu.memref_slice %arg10[%rem3A_113, %dma_wait3A, %dma_wait3A_116] : memref<4x128x64xf32, #tpu.memory_space<vmem>> -> memref<1x128x64xf32, #tpu.memory_space<vmem>>
      %dma_wait3A_118 = tpu.memref_squeeze %dma_wait3A_117 : memref<1x128x64xf32, #tpu.memory_space<vmem>> -> memref<128x64xf32, #tpu.memory_space<vmem>>
      %dma_wait3A_119 = arith.constant 0 : i32
      %dma_wait3A_120 = tpu.memref_slice %arg9[%sub3A_115, %dma_wait3A_119] : memref<130x128xi32, #tpu.memory_space<vmem>> -> memref<1x128xi32, #tpu.memory_space<vmem>>
      %dma_wait3A_121 = tpu.memref_squeeze %dma_wait3A_120 : memref<1x128xi32, #tpu.memory_space<vmem>> -> memref<128xi32, #tpu.memory_space<vmem>>
      %dma_wait3A_122 = arith.constant 0 : i32
      %dma_wait3A_123 = arith.constant 0 : i32
      %dma_wait3A_124 = tpu.memref_slice %arg12[%dma_wait3A_122, %dma_wait3A_123] : memref<10240x64xf32, #tpu.memory_space<vmem_shared>> -> memref<10240x64xf32, #tpu.memory_space<vmem_shared>>
      tpu.wait_indirect_dma semaphore(%arg14 : memref<!tpu.dma_semaphore, #tpu.memory_space<semaphore_mem>>) src(%dma_wait3A_118 : memref<128x64xf32, #tpu.memory_space<vmem>>) dst(%dma_wait3A_124 : memref<10240x64xf32, #tpu.memory_space<vmem_shared>>)
    } else {
    }
    %barrier3A_61 = arith.constant 0 : index
    tpu.barrier barrier_id(%barrier3A_61)
    %mul3A_62 = arith.constant 640 : i32
    %mul3A_63 = arith.muli %arg1, %mul3A_62 : i32
    %mul3A_64 = arith.constant 640 : i32
    %mul3A_65 = arith.muli %arg1, %mul3A_64 : i32
    %run_scoped3A_66 = arith.constant 1 : i32
    "tpu.region"() ({
      %run_scoped3A_68 = tpu.sem_alloc : memref<!tpu.dma_semaphore, #tpu.memory_space<semaphore_mem>>
      %dma_start3A = arith.constant 0 : i32
      %dma_start3A_69 = tpu.memref_slice %arg7[%arg0, %run_scoped3A_66, %mul3A_65, %dma_start3A] : memref<2x2x10240x64xf32, #tpu.memory_space<hbm>> -> memref<1x1x640x64xf32, #tpu.memory_space<hbm>>
      %dma_start3A_70 = tpu.memref_squeeze %dma_start3A_69 : memref<1x1x640x64xf32, #tpu.memory_space<hbm>> -> memref<640x64xf32, #tpu.memory_space<hbm>>
      %dma_start3A_71 = arith.constant 0 : i32
      %dma_start3A_72 = tpu.memref_slice %arg12[%mul3A_63, %dma_start3A_71] : memref<10240x64xf32, #tpu.memory_space<vmem_shared>> -> memref<640x64xf32, #tpu.memory_space<vmem_shared>>
      tpu.enqueue_dma source(%dma_start3A_72 : memref<640x64xf32, #tpu.memory_space<vmem_shared>>) target(%dma_start3A_70 : memref<640x64xf32, #tpu.memory_space<hbm>>) target_semaphore(%run_scoped3A_68 : memref<!tpu.dma_semaphore, #tpu.memory_space<semaphore_mem>>)
      %dma_wait3A = arith.constant 0 : i32
      %dma_wait3A_73 = tpu.memref_slice %arg7[%arg0, %run_scoped3A_66, %mul3A_65, %dma_wait3A] : memref<2x2x10240x64xf32, #tpu.memory_space<hbm>> -> memref<1x1x640x64xf32, #tpu.memory_space<hbm>>
      %dma_wait3A_74 = tpu.memref_squeeze %dma_wait3A_73 : memref<1x1x640x64xf32, #tpu.memory_space<hbm>> -> memref<640x64xf32, #tpu.memory_space<hbm>>
      %dma_wait3A_75 = arith.constant 0 : i32
      %dma_wait3A_76 = tpu.memref_slice %arg12[%mul3A_63, %dma_wait3A_75] : memref<10240x64xf32, #tpu.memory_space<vmem_shared>> -> memref<640x64xf32, #tpu.memory_space<vmem_shared>>
      tpu.wait_dma2 semaphore(%run_scoped3A_68 : memref<!tpu.dma_semaphore, #tpu.memory_space<semaphore_mem>>) src(%dma_wait3A_76 : memref<640x64xf32, #tpu.memory_space<vmem_shared>>) dst(%dma_wait3A_74 : memref<640x64xf32, #tpu.memory_space<hbm>>)
      tpu.yield
    }) : () -> ()
    %barrier3A_67 = arith.constant 0 : index
    tpu.barrier barrier_id(%barrier3A_67)
    return
  }
}

#map = affine_map<(d0, d1) -> (0, 0)>
#map1 = affine_map<(d0, d1) -> (0, 0, 0)>
module attributes {stable_mosaic.version = 14 : i64} {
  func.func @_deg_kernel(%arg0: i32, %arg1: i32, %arg2: memref<2630x128xi32, #tpu.memory_space<hbm>>, %arg3: memref<128x16xf32, #tpu.memory_space<hbm>>, %arg4: memref<128x16xf32, #tpu.memory_space<hbm>>, %arg5: memref<2x10240x16xf32, #tpu.memory_space<hbm>>, %arg6: memref<79x128xi32, #tpu.memory_space<vmem>>, %arg7: memref<128x16xf32, #tpu.memory_space<vmem>>, %arg8: memref<128x16xf32, #tpu.memory_space<vmem>>, %arg9: memref<10240x16xf32, #tpu.memory_space<vmem_shared>>) attributes {dimension_semantics = [#tpu.dimension_semantics<core_parallel>, #tpu.dimension_semantics<subcore_parallel>], iteration_bounds = array<i64: 2, 16>, scalar_prefetch = 0 : i64, scratch_operands = 4 : i64, tpu.core_type = #tpu.core_type<sc_vector_subcore>, window_params = [{transform_indices = #map}, {transform_indices = #map}, {transform_indices = #map}, {transform_indices = #map1}]} {
    %mul3A = arith.constant 2 : i32
    %mul3A_0 = arith.muli %arg1, %mul3A : i32
    %add3A = arith.addi %mul3A_0, %arg0 : i32
    %mul3A_1 = arith.constant 79 : i32
    %mul3A_2 = arith.muli %add3A, %mul3A_1 : i32
    "tpu.region"() ({
      %run_scoped3A = tpu.sem_alloc : memref<!tpu.dma_semaphore, #tpu.memory_space<semaphore_mem>>
      %dma_start3A = arith.constant 0 : i32
      %dma_start3A_33 = tpu.memref_slice %arg2[%mul3A_2, %dma_start3A] : memref<2630x128xi32, #tpu.memory_space<hbm>> -> memref<79x128xi32, #tpu.memory_space<hbm>>
      %dma_start3A_34 = arith.constant 0 : i32
      %dma_start3A_35 = tpu.memref_slice %arg2[%mul3A_2, %dma_start3A_34] : memref<2630x128xi32, #tpu.memory_space<hbm>> -> memref<79x128xi32, #tpu.memory_space<hbm>>
      tpu.enqueue_dma source(%dma_start3A_35 : memref<79x128xi32, #tpu.memory_space<hbm>>) target(%arg6 : memref<79x128xi32, #tpu.memory_space<vmem>>) target_semaphore(%run_scoped3A : memref<!tpu.dma_semaphore, #tpu.memory_space<semaphore_mem>>)
      %dma_wait3A = arith.constant 0 : i32
      %dma_wait3A_36 = tpu.memref_slice %arg2[%mul3A_2, %dma_wait3A] : memref<2630x128xi32, #tpu.memory_space<hbm>> -> memref<79x128xi32, #tpu.memory_space<hbm>>
      %dma_wait3A_37 = arith.constant 0 : i32
      %dma_wait3A_38 = tpu.memref_slice %arg2[%mul3A_2, %dma_wait3A_37] : memref<2630x128xi32, #tpu.memory_space<hbm>> -> memref<79x128xi32, #tpu.memory_space<hbm>>
      tpu.wait_dma2 semaphore(%run_scoped3A : memref<!tpu.dma_semaphore, #tpu.memory_space<semaphore_mem>>) src(%dma_wait3A_38 : memref<79x128xi32, #tpu.memory_space<hbm>>) dst(%arg6 : memref<79x128xi32, #tpu.memory_space<vmem>>)
      tpu.yield
    }) : () -> ()
    "tpu.region"() ({
      %run_scoped3A = tpu.sem_alloc : memref<!tpu.dma_semaphore, #tpu.memory_space<semaphore_mem>>
      tpu.enqueue_dma source(%arg3 : memref<128x16xf32, #tpu.memory_space<hbm>>) target(%arg7 : memref<128x16xf32, #tpu.memory_space<vmem>>) target_semaphore(%run_scoped3A : memref<!tpu.dma_semaphore, #tpu.memory_space<semaphore_mem>>)
      tpu.wait_dma2 semaphore(%run_scoped3A : memref<!tpu.dma_semaphore, #tpu.memory_space<semaphore_mem>>) src(%arg3 : memref<128x16xf32, #tpu.memory_space<hbm>>) dst(%arg7 : memref<128x16xf32, #tpu.memory_space<vmem>>)
      tpu.yield
    }) : () -> ()
    "tpu.region"() ({
      %run_scoped3A = tpu.sem_alloc : memref<!tpu.dma_semaphore, #tpu.memory_space<semaphore_mem>>
      tpu.enqueue_dma source(%arg4 : memref<128x16xf32, #tpu.memory_space<hbm>>) target(%arg8 : memref<128x16xf32, #tpu.memory_space<vmem>>) target_semaphore(%run_scoped3A : memref<!tpu.dma_semaphore, #tpu.memory_space<semaphore_mem>>)
      tpu.wait_dma2 semaphore(%run_scoped3A : memref<!tpu.dma_semaphore, #tpu.memory_space<semaphore_mem>>) src(%arg4 : memref<128x16xf32, #tpu.memory_space<hbm>>) dst(%arg8 : memref<128x16xf32, #tpu.memory_space<vmem>>)
      tpu.yield
    }) : () -> ()
    %mul3A_3 = arith.constant 640 : i32
    %mul3A_4 = arith.muli %arg1, %mul3A_3 : i32
    %add3A_5 = arith.constant 0 : i32
    %add3A_6 = arith.addi %mul3A_4, %add3A_5 : i32
    "tpu.region"() ({
      %run_scoped3A = tpu.sem_alloc : memref<!tpu.dma_semaphore, #tpu.memory_space<semaphore_mem>>
      %dma_start3A = arith.constant 0 : i32
      %dma_start3A_33 = tpu.memref_slice %arg9[%add3A_6, %dma_start3A] : memref<10240x16xf32, #tpu.memory_space<vmem_shared>> -> memref<128x16xf32, #tpu.memory_space<vmem_shared>>
      %dma_start3A_34 = arith.constant 0 : i32
      %dma_start3A_35 = tpu.memref_slice %arg9[%add3A_6, %dma_start3A_34] : memref<10240x16xf32, #tpu.memory_space<vmem_shared>> -> memref<128x16xf32, #tpu.memory_space<vmem_shared>>
      tpu.enqueue_dma source(%arg8 : memref<128x16xf32, #tpu.memory_space<vmem>>) target(%dma_start3A_35 : memref<128x16xf32, #tpu.memory_space<vmem_shared>>) target_semaphore(%run_scoped3A : memref<!tpu.dma_semaphore, #tpu.memory_space<semaphore_mem>>)
      %dma_wait3A = arith.constant 0 : i32
      %dma_wait3A_36 = tpu.memref_slice %arg9[%add3A_6, %dma_wait3A] : memref<10240x16xf32, #tpu.memory_space<vmem_shared>> -> memref<128x16xf32, #tpu.memory_space<vmem_shared>>
      %dma_wait3A_37 = arith.constant 0 : i32
      %dma_wait3A_38 = tpu.memref_slice %arg9[%add3A_6, %dma_wait3A_37] : memref<10240x16xf32, #tpu.memory_space<vmem_shared>> -> memref<128x16xf32, #tpu.memory_space<vmem_shared>>
      tpu.wait_dma2 semaphore(%run_scoped3A : memref<!tpu.dma_semaphore, #tpu.memory_space<semaphore_mem>>) src(%arg8 : memref<128x16xf32, #tpu.memory_space<vmem>>) dst(%dma_wait3A_38 : memref<128x16xf32, #tpu.memory_space<vmem_shared>>)
      tpu.yield
    }) : () -> ()
    %mul3A_7 = arith.constant 640 : i32
    %mul3A_8 = arith.muli %arg1, %mul3A_7 : i32
    %add3A_9 = arith.constant 128 : i32
    %add3A_10 = arith.addi %mul3A_8, %add3A_9 : i32
    "tpu.region"() ({
      %run_scoped3A = tpu.sem_alloc : memref<!tpu.dma_semaphore, #tpu.memory_space<semaphore_mem>>
      %dma_start3A = arith.constant 0 : i32
      %dma_start3A_33 = tpu.memref_slice %arg9[%add3A_10, %dma_start3A] : memref<10240x16xf32, #tpu.memory_space<vmem_shared>> -> memref<128x16xf32, #tpu.memory_space<vmem_shared>>
      %dma_start3A_34 = arith.constant 0 : i32
      %dma_start3A_35 = tpu.memref_slice %arg9[%add3A_10, %dma_start3A_34] : memref<10240x16xf32, #tpu.memory_space<vmem_shared>> -> memref<128x16xf32, #tpu.memory_space<vmem_shared>>
      tpu.enqueue_dma source(%arg8 : memref<128x16xf32, #tpu.memory_space<vmem>>) target(%dma_start3A_35 : memref<128x16xf32, #tpu.memory_space<vmem_shared>>) target_semaphore(%run_scoped3A : memref<!tpu.dma_semaphore, #tpu.memory_space<semaphore_mem>>)
      %dma_wait3A = arith.constant 0 : i32
      %dma_wait3A_36 = tpu.memref_slice %arg9[%add3A_10, %dma_wait3A] : memref<10240x16xf32, #tpu.memory_space<vmem_shared>> -> memref<128x16xf32, #tpu.memory_space<vmem_shared>>
      %dma_wait3A_37 = arith.constant 0 : i32
      %dma_wait3A_38 = tpu.memref_slice %arg9[%add3A_10, %dma_wait3A_37] : memref<10240x16xf32, #tpu.memory_space<vmem_shared>> -> memref<128x16xf32, #tpu.memory_space<vmem_shared>>
      tpu.wait_dma2 semaphore(%run_scoped3A : memref<!tpu.dma_semaphore, #tpu.memory_space<semaphore_mem>>) src(%arg8 : memref<128x16xf32, #tpu.memory_space<vmem>>) dst(%dma_wait3A_38 : memref<128x16xf32, #tpu.memory_space<vmem_shared>>)
      tpu.yield
    }) : () -> ()
    %mul3A_11 = arith.constant 640 : i32
    %mul3A_12 = arith.muli %arg1, %mul3A_11 : i32
    %add3A_13 = arith.constant 256 : i32
    %add3A_14 = arith.addi %mul3A_12, %add3A_13 : i32
    "tpu.region"() ({
      %run_scoped3A = tpu.sem_alloc : memref<!tpu.dma_semaphore, #tpu.memory_space<semaphore_mem>>
      %dma_start3A = arith.constant 0 : i32
      %dma_start3A_33 = tpu.memref_slice %arg9[%add3A_14, %dma_start3A] : memref<10240x16xf32, #tpu.memory_space<vmem_shared>> -> memref<128x16xf32, #tpu.memory_space<vmem_shared>>
      %dma_start3A_34 = arith.constant 0 : i32
      %dma_start3A_35 = tpu.memref_slice %arg9[%add3A_14, %dma_start3A_34] : memref<10240x16xf32, #tpu.memory_space<vmem_shared>> -> memref<128x16xf32, #tpu.memory_space<vmem_shared>>
      tpu.enqueue_dma source(%arg8 : memref<128x16xf32, #tpu.memory_space<vmem>>) target(%dma_start3A_35 : memref<128x16xf32, #tpu.memory_space<vmem_shared>>) target_semaphore(%run_scoped3A : memref<!tpu.dma_semaphore, #tpu.memory_space<semaphore_mem>>)
      %dma_wait3A = arith.constant 0 : i32
      %dma_wait3A_36 = tpu.memref_slice %arg9[%add3A_14, %dma_wait3A] : memref<10240x16xf32, #tpu.memory_space<vmem_shared>> -> memref<128x16xf32, #tpu.memory_space<vmem_shared>>
      %dma_wait3A_37 = arith.constant 0 : i32
      %dma_wait3A_38 = tpu.memref_slice %arg9[%add3A_14, %dma_wait3A_37] : memref<10240x16xf32, #tpu.memory_space<vmem_shared>> -> memref<128x16xf32, #tpu.memory_space<vmem_shared>>
      tpu.wait_dma2 semaphore(%run_scoped3A : memref<!tpu.dma_semaphore, #tpu.memory_space<semaphore_mem>>) src(%arg8 : memref<128x16xf32, #tpu.memory_space<vmem>>) dst(%dma_wait3A_38 : memref<128x16xf32, #tpu.memory_space<vmem_shared>>)
      tpu.yield
    }) : () -> ()
    %mul3A_15 = arith.constant 640 : i32
    %mul3A_16 = arith.muli %arg1, %mul3A_15 : i32
    %add3A_17 = arith.constant 384 : i32
    %add3A_18 = arith.addi %mul3A_16, %add3A_17 : i32
    "tpu.region"() ({
      %run_scoped3A = tpu.sem_alloc : memref<!tpu.dma_semaphore, #tpu.memory_space<semaphore_mem>>
      %dma_start3A = arith.constant 0 : i32
      %dma_start3A_33 = tpu.memref_slice %arg9[%add3A_18, %dma_start3A] : memref<10240x16xf32, #tpu.memory_space<vmem_shared>> -> memref<128x16xf32, #tpu.memory_space<vmem_shared>>
      %dma_start3A_34 = arith.constant 0 : i32
      %dma_start3A_35 = tpu.memref_slice %arg9[%add3A_18, %dma_start3A_34] : memref<10240x16xf32, #tpu.memory_space<vmem_shared>> -> memref<128x16xf32, #tpu.memory_space<vmem_shared>>
      tpu.enqueue_dma source(%arg8 : memref<128x16xf32, #tpu.memory_space<vmem>>) target(%dma_start3A_35 : memref<128x16xf32, #tpu.memory_space<vmem_shared>>) target_semaphore(%run_scoped3A : memref<!tpu.dma_semaphore, #tpu.memory_space<semaphore_mem>>)
      %dma_wait3A = arith.constant 0 : i32
      %dma_wait3A_36 = tpu.memref_slice %arg9[%add3A_18, %dma_wait3A] : memref<10240x16xf32, #tpu.memory_space<vmem_shared>> -> memref<128x16xf32, #tpu.memory_space<vmem_shared>>
      %dma_wait3A_37 = arith.constant 0 : i32
      %dma_wait3A_38 = tpu.memref_slice %arg9[%add3A_18, %dma_wait3A_37] : memref<10240x16xf32, #tpu.memory_space<vmem_shared>> -> memref<128x16xf32, #tpu.memory_space<vmem_shared>>
      tpu.wait_dma2 semaphore(%run_scoped3A : memref<!tpu.dma_semaphore, #tpu.memory_space<semaphore_mem>>) src(%arg8 : memref<128x16xf32, #tpu.memory_space<vmem>>) dst(%dma_wait3A_38 : memref<128x16xf32, #tpu.memory_space<vmem_shared>>)
      tpu.yield
    }) : () -> ()
    %mul3A_19 = arith.constant 640 : i32
    %mul3A_20 = arith.muli %arg1, %mul3A_19 : i32
    %add3A_21 = arith.constant 512 : i32
    %add3A_22 = arith.addi %mul3A_20, %add3A_21 : i32
    "tpu.region"() ({
      %run_scoped3A = tpu.sem_alloc : memref<!tpu.dma_semaphore, #tpu.memory_space<semaphore_mem>>
      %dma_start3A = arith.constant 0 : i32
      %dma_start3A_33 = tpu.memref_slice %arg9[%add3A_22, %dma_start3A] : memref<10240x16xf32, #tpu.memory_space<vmem_shared>> -> memref<128x16xf32, #tpu.memory_space<vmem_shared>>
      %dma_start3A_34 = arith.constant 0 : i32
      %dma_start3A_35 = tpu.memref_slice %arg9[%add3A_22, %dma_start3A_34] : memref<10240x16xf32, #tpu.memory_space<vmem_shared>> -> memref<128x16xf32, #tpu.memory_space<vmem_shared>>
      tpu.enqueue_dma source(%arg8 : memref<128x16xf32, #tpu.memory_space<vmem>>) target(%dma_start3A_35 : memref<128x16xf32, #tpu.memory_space<vmem_shared>>) target_semaphore(%run_scoped3A : memref<!tpu.dma_semaphore, #tpu.memory_space<semaphore_mem>>)
      %dma_wait3A = arith.constant 0 : i32
      %dma_wait3A_36 = tpu.memref_slice %arg9[%add3A_22, %dma_wait3A] : memref<10240x16xf32, #tpu.memory_space<vmem_shared>> -> memref<128x16xf32, #tpu.memory_space<vmem_shared>>
      %dma_wait3A_37 = arith.constant 0 : i32
      %dma_wait3A_38 = tpu.memref_slice %arg9[%add3A_22, %dma_wait3A_37] : memref<10240x16xf32, #tpu.memory_space<vmem_shared>> -> memref<128x16xf32, #tpu.memory_space<vmem_shared>>
      tpu.wait_dma2 semaphore(%run_scoped3A : memref<!tpu.dma_semaphore, #tpu.memory_space<semaphore_mem>>) src(%arg8 : memref<128x16xf32, #tpu.memory_space<vmem>>) dst(%dma_wait3A_38 : memref<128x16xf32, #tpu.memory_space<vmem_shared>>)
      tpu.yield
    }) : () -> ()
    %barrier3A = arith.constant 0 : index
    tpu.barrier barrier_id(%barrier3A)
    %scan3A = arith.constant 0 : i32
    %scan3A_23 = arith.constant 0 : i32
    %scan3A_24 = arith.constant 79 : i32
    %scan3A_25 = arith.addi %scan3A_23, %scan3A_24 : i32
    %scan3A_26 = arith.constant 1 : i32
    scf.for %scan3A_33 = %scan3A_23 to %scan3A_25 step %scan3A_26  : i32 {
      "tpu.region"() ({
        %run_scoped3A = tpu.sem_alloc : memref<!tpu.dma_semaphore, #tpu.memory_space<semaphore_mem>>
        %dma_start3A = arith.constant 0 : i32
        %dma_start3A_34 = tpu.memref_slice %arg6[%scan3A_33, %dma_start3A] : memref<79x128xi32, #tpu.memory_space<vmem>> -> memref<1x128xi32, #tpu.memory_space<vmem>>
        %dma_start3A_35 = tpu.memref_squeeze %dma_start3A_34 : memref<1x128xi32, #tpu.memory_space<vmem>> -> memref<128xi32, #tpu.memory_space<vmem>>
        %dma_start3A_36 = arith.constant 0 : i32
        %dma_start3A_37 = arith.constant 0 : i32
        %dma_start3A_38 = tpu.memref_slice %arg9[%dma_start3A_36, %dma_start3A_37] : memref<10240x16xf32, #tpu.memory_space<vmem_shared>> -> memref<10240x16xf32, #tpu.memory_space<vmem_shared>>
        tpu.enqueue_indirect_dma source(%arg7 : memref<128x16xf32, #tpu.memory_space<vmem>>) target(%dma_start3A_38 : memref<10240x16xf32, #tpu.memory_space<vmem_shared>>) offsets(%dma_start3A_35 : memref<128xi32, #tpu.memory_space<vmem>>) semaphore(%run_scoped3A : memref<!tpu.dma_semaphore, #tpu.memory_space<semaphore_mem>>) {add = true}
        %dma_wait3A = arith.constant 0 : i32
        %dma_wait3A_39 = tpu.memref_slice %arg6[%scan3A_33, %dma_wait3A] : memref<79x128xi32, #tpu.memory_space<vmem>> -> memref<1x128xi32, #tpu.memory_space<vmem>>
        %dma_wait3A_40 = tpu.memref_squeeze %dma_wait3A_39 : memref<1x128xi32, #tpu.memory_space<vmem>> -> memref<128xi32, #tpu.memory_space<vmem>>
        %dma_wait3A_41 = arith.constant 0 : i32
        %dma_wait3A_42 = arith.constant 0 : i32
        %dma_wait3A_43 = tpu.memref_slice %arg9[%dma_wait3A_41, %dma_wait3A_42] : memref<10240x16xf32, #tpu.memory_space<vmem_shared>> -> memref<10240x16xf32, #tpu.memory_space<vmem_shared>>
        tpu.wait_indirect_dma semaphore(%run_scoped3A : memref<!tpu.dma_semaphore, #tpu.memory_space<semaphore_mem>>) src(%arg7 : memref<128x16xf32, #tpu.memory_space<vmem>>) dst(%dma_wait3A_43 : memref<10240x16xf32, #tpu.memory_space<vmem_shared>>)
        tpu.yield
      }) : () -> ()
    }
    %scan3A_27 = arith.constant 79 : i32
    %barrier3A_28 = arith.constant 0 : index
    tpu.barrier barrier_id(%barrier3A_28)
    %mul3A_29 = arith.constant 640 : i32
    %mul3A_30 = arith.muli %arg1, %mul3A_29 : i32
    %mul3A_31 = arith.constant 640 : i32
    %mul3A_32 = arith.muli %arg1, %mul3A_31 : i32
    "tpu.region"() ({
      %run_scoped3A = tpu.sem_alloc : memref<!tpu.dma_semaphore, #tpu.memory_space<semaphore_mem>>
      %dma_start3A = arith.constant 0 : i32
      %dma_start3A_33 = tpu.memref_slice %arg5[%arg0, %mul3A_32, %dma_start3A] : memref<2x10240x16xf32, #tpu.memory_space<hbm>> -> memref<1x640x16xf32, #tpu.memory_space<hbm>>
      %dma_start3A_34 = tpu.memref_squeeze %dma_start3A_33 : memref<1x640x16xf32, #tpu.memory_space<hbm>> -> memref<640x16xf32, #tpu.memory_space<hbm>>
      %dma_start3A_35 = arith.constant 0 : i32
      %dma_start3A_36 = tpu.memref_slice %arg9[%mul3A_30, %dma_start3A_35] : memref<10240x16xf32, #tpu.memory_space<vmem_shared>> -> memref<640x16xf32, #tpu.memory_space<vmem_shared>>
      tpu.enqueue_dma source(%dma_start3A_36 : memref<640x16xf32, #tpu.memory_space<vmem_shared>>) target(%dma_start3A_34 : memref<640x16xf32, #tpu.memory_space<hbm>>) target_semaphore(%run_scoped3A : memref<!tpu.dma_semaphore, #tpu.memory_space<semaphore_mem>>)
      %dma_wait3A = arith.constant 0 : i32
      %dma_wait3A_37 = tpu.memref_slice %arg5[%arg0, %mul3A_32, %dma_wait3A] : memref<2x10240x16xf32, #tpu.memory_space<hbm>> -> memref<1x640x16xf32, #tpu.memory_space<hbm>>
      %dma_wait3A_38 = tpu.memref_squeeze %dma_wait3A_37 : memref<1x640x16xf32, #tpu.memory_space<hbm>> -> memref<640x16xf32, #tpu.memory_space<hbm>>
      %dma_wait3A_39 = arith.constant 0 : i32
      %dma_wait3A_40 = tpu.memref_slice %arg9[%mul3A_30, %dma_wait3A_39] : memref<10240x16xf32, #tpu.memory_space<vmem_shared>> -> memref<640x16xf32, #tpu.memory_space<vmem_shared>>
      tpu.wait_dma2 semaphore(%run_scoped3A : memref<!tpu.dma_semaphore, #tpu.memory_space<semaphore_mem>>) src(%dma_wait3A_40 : memref<640x16xf32, #tpu.memory_space<vmem_shared>>) dst(%dma_wait3A_38 : memref<640x16xf32, #tpu.memory_space<hbm>>)
      tpu.yield
    }) : () -> ()
    return
  }
}

module attributes {stable_mosaic.version = 14 : i64} {
  func.func @_scale_kernel(%arg0: i32, %arg1: memref<2x1000x16xf32, #tpu.memory_space<vmem>>, %arg2: memref<1000x128xf32, #tpu.memory_space<vmem>>, %arg3: memref<1000x64xf32, #tpu.memory_space<vmem>>, %arg4: memref<1000x64xf32, #tpu.memory_space<vmem>>, %arg5: memref<1000x128xf32, #tpu.memory_space<vmem>>) attributes {dimension_semantics = [#tpu.dimension_semantics<arbitrary>], iteration_bounds = array<i64: 10>, scalar_prefetch = 0 : i64, scratch_operands = 0 : i64, tpu.core_type = #tpu.core_type<tc>, window_params = [{transform_indices = @transform_0, window_bounds = array<i64: 2, 1000, 16>}, {transform_indices = @transform_1, window_bounds = array<i64: 1000, 128>}, {transform_indices = @transform_2, window_bounds = array<i64: 1000, 64>}, {transform_indices = @transform_3, window_bounds = array<i64: 1000, 64>}, {transform_indices = @transform_4, window_bounds = array<i64: 1000, 128>}]} {
    %get3A = arith.constant 0 : index
    %get3A_0 = arith.constant 0 : index
    %get3A_1 = arith.constant 0 : index
    %get3A_2 = vector.load %arg1[%get3A, %get3A_0, %get3A_1] : memref<2x1000x16xf32, #tpu.memory_space<vmem>>, vector<1x1000x16xf32>
    %get3A_3 = vector.shape_cast %get3A_2 : vector<1x1000x16xf32> to vector<1000x16xf32>
    %get3A_4 = arith.constant 1 : index
    %get3A_5 = arith.constant 0 : index
    %get3A_6 = arith.constant 0 : index
    %get3A_7 = vector.load %arg1[%get3A_4, %get3A_5, %get3A_6] : memref<2x1000x16xf32, #tpu.memory_space<vmem>>, vector<1x1000x16xf32>
    %get3A_8 = vector.shape_cast %get3A_7 : vector<1x1000x16xf32> to vector<1000x16xf32>
    %add3A = arith.addf %get3A_3, %get3A_8 : vector<1000x16xf32>
    %add3A_9 = arith.constant 1.000000e+00 : f32
    %add3A_10 = vector.broadcast %add3A_9 : f32 to vector<1000x16xf32>
    %add3A_11 = arith.addf %add3A, %add3A_10 : vector<1000x16xf32>
    %rsqrt3A = math.rsqrt %add3A_11 : vector<1000x16xf32>
    %slice3A = vector.extract_strided_slice %rsqrt3A {offsets = [0, 0], sizes = [1000, 1], strides = [1, 1]} : vector<1000x16xf32> to vector<1000x1xf32>
    %broadcast_in_dim3A = vector.shape_cast %slice3A : vector<1000x1xf32> to vector<1000x1xf32>
    %broadcast_in_dim3A_12 = vector.broadcast %broadcast_in_dim3A : vector<1000x1xf32> to vector<1000x128xf32>
    %swap3A = arith.constant 0 : index
    %swap3A_13 = arith.constant 0 : index
    %swap3A_14 = vector.load %arg5[%swap3A, %swap3A_13] : memref<1000x128xf32, #tpu.memory_space<vmem>>, vector<1000x128xf32>
    tpu.vector_store %arg5[%swap3A, %swap3A_13], %broadcast_in_dim3A_12 {strides = array<i32>} : memref<1000x128xf32, #tpu.memory_space<vmem>>, vector<1000x128xf32>,
    %get3A_15 = arith.constant 0 : index
    %get3A_16 = arith.constant 0 : index
    %get3A_17 = vector.load %arg2[%get3A_15, %get3A_16] : memref<1000x128xf32, #tpu.memory_space<vmem>>, vector<1000x128xf32>
    %mul3A = arith.mulf %broadcast_in_dim3A_12, %get3A_17 : vector<1000x128xf32>
    %slice3A_18 = vector.extract_strided_slice %mul3A {offsets = [0, 0], sizes = [1000, 64], strides = [1, 1]} : vector<1000x128xf32> to vector<1000x64xf32>
    %swap3A_19 = arith.constant 0 : index
    %swap3A_20 = arith.constant 0 : index
    %swap3A_21 = vector.load %arg3[%swap3A_19, %swap3A_20] : memref<1000x64xf32, #tpu.memory_space<vmem>>, vector<1000x64xf32>
    tpu.vector_store %arg3[%swap3A_19, %swap3A_20], %slice3A_18 {strides = array<i32>} : memref<1000x64xf32, #tpu.memory_space<vmem>>, vector<1000x64xf32>,
    %slice3A_22 = vector.extract_strided_slice %mul3A {offsets = [0, 64], sizes = [1000, 64], strides = [1, 1]} : vector<1000x128xf32> to vector<1000x64xf32>
    %swap3A_23 = arith.constant 0 : index
    %swap3A_24 = arith.constant 0 : index
    %swap3A_25 = vector.load %arg4[%swap3A_23, %swap3A_24] : memref<1000x64xf32, #tpu.memory_space<vmem>>, vector<1000x64xf32>
    tpu.vector_store %arg4[%swap3A_23, %swap3A_24], %slice3A_22 {strides = array<i32>} : memref<1000x64xf32, #tpu.memory_space<vmem>>, vector<1000x64xf32>,
    return
  }
  func.func @transform_0(%arg0: i32) -> (i32, i32, i32) {
    %c0_i32 = arith.constant 0 : i32
    %c0_i32_0 = arith.constant 0 : i32
    %c0_i32_1 = arith.constant 0 : i32
    return %c0_i32, %arg0, %c0_i32_0 : i32, i32, i32
  }
  func.func @transform_1(%arg0: i32) -> (i32, i32) {
    %c0_i32 = arith.constant 0 : i32
    %c0_i32_0 = arith.constant 0 : i32
    return %arg0, %c0_i32 : i32, i32
  }
  func.func @transform_2(%arg0: i32) -> (i32, i32) {
    %c0_i32 = arith.constant 0 : i32
    %c0_i32_0 = arith.constant 0 : i32
    return %arg0, %c0_i32 : i32, i32
  }
  func.func @transform_3(%arg0: i32) -> (i32, i32) {
    %c0_i32 = arith.constant 0 : i32
    %c0_i32_0 = arith.constant 0 : i32
    return %arg0, %c0_i32 : i32, i32
  }
  func.func @transform_4(%arg0: i32) -> (i32, i32) {
    %c0_i32 = arith.constant 0 : i32
    %c0_i32_0 = arith.constant 0 : i32
    return %arg0, %c0_i32 : i32, i32
  }
}

module attributes {stable_mosaic.version = 14 : i64} {
  func.func @_mid_kernel(%arg0: i32, %arg1: memref<2x2x1000x64xf32, #tpu.memory_space<vmem>>, %arg2: memref<1000x64xf32, #tpu.memory_space<vmem>>, %arg3: memref<1000x64xf32, #tpu.memory_space<vmem>>, %arg4: memref<1000x128xf32, #tpu.memory_space<vmem>>, %arg5: memref<128x256xf32, #tpu.memory_space<vmem>>, %arg6: memref<1x256xf32, #tpu.memory_space<vmem>>, %arg7: memref<256x128xf32, #tpu.memory_space<vmem>>, %arg8: memref<1000x64xf32, #tpu.memory_space<vmem>>, %arg9: memref<1000x64xf32, #tpu.memory_space<vmem>>) attributes {dimension_semantics = [#tpu.dimension_semantics<arbitrary>], iteration_bounds = array<i64: 10>, scalar_prefetch = 0 : i64, scratch_operands = 0 : i64, tpu.core_type = #tpu.core_type<tc>, window_params = [{transform_indices = @transform_0, window_bounds = array<i64: 2, 2, 1000, 64>}, {transform_indices = @transform_1, window_bounds = array<i64: 1000, 64>}, {transform_indices = @transform_2, window_bounds = array<i64: 1000, 64>}, {transform_indices = @transform_3, window_bounds = array<i64: 1000, 128>}, {pipeline_mode = #tpu.pipeline_mode<synchronous>, transform_indices = @transform_4, window_bounds = array<i64: 128, 256>}, {pipeline_mode = #tpu.pipeline_mode<synchronous>, transform_indices = @transform_5, window_bounds = array<i64: 1, 256>}, {pipeline_mode = #tpu.pipeline_mode<synchronous>, transform_indices = @transform_6, window_bounds = array<i64: 256, 128>}, {transform_indices = @transform_7, window_bounds = array<i64: 1000, 64>}, {transform_indices = @transform_8, window_bounds = array<i64: 1000, 64>}]} {
    %get3A = arith.constant 0 : index
    %get3A_0 = arith.constant 0 : index
    %get3A_1 = vector.load %arg2[%get3A, %get3A_0] : memref<1000x64xf32, #tpu.memory_space<vmem>>, vector<1000x64xf32>
    %get3A_2 = arith.constant 0 : index
    %get3A_3 = arith.constant 0 : index
    %get3A_4 = vector.load %arg3[%get3A_2, %get3A_3] : memref<1000x64xf32, #tpu.memory_space<vmem>>, vector<1000x64xf32>
    %concatenate3A = tpu.concatenate %get3A_1, %get3A_4 in 1 : vector<1000x64xf32>, vector<1000x64xf32> -> vector<1000x128xf32>
    %get3A_5 = arith.constant 0 : index
    %get3A_6 = arith.constant 0 : index
    %get3A_7 = arith.constant 0 : index
    %get3A_8 = arith.constant 0 : index
    %get3A_9 = vector.load %arg1[%get3A_5, %get3A_6, %get3A_7, %get3A_8] : memref<2x2x1000x64xf32, #tpu.memory_space<vmem>>, vector<1x1x1000x64xf32>
    %get3A_10 = vector.shape_cast %get3A_9 : vector<1x1x1000x64xf32> to vector<1000x64xf32>
    %get3A_11 = arith.constant 1 : index
    %get3A_12 = arith.constant 0 : index
    %get3A_13 = arith.constant 0 : index
    %get3A_14 = arith.constant 0 : index
    %get3A_15 = vector.load %arg1[%get3A_11, %get3A_12, %get3A_13, %get3A_14] : memref<2x2x1000x64xf32, #tpu.memory_space<vmem>>, vector<1x1x1000x64xf32>
    %get3A_16 = vector.shape_cast %get3A_15 : vector<1x1x1000x64xf32> to vector<1000x64xf32>
    %add3A = arith.addf %get3A_10, %get3A_16 : vector<1000x64xf32>
    %get3A_17 = arith.constant 0 : index
    %get3A_18 = arith.constant 1 : index
    %get3A_19 = arith.constant 0 : index
    %get3A_20 = arith.constant 0 : index
    %get3A_21 = vector.load %arg1[%get3A_17, %get3A_18, %get3A_19, %get3A_20] : memref<2x2x1000x64xf32, #tpu.memory_space<vmem>>, vector<1x1x1000x64xf32>
    %get3A_22 = vector.shape_cast %get3A_21 : vector<1x1x1000x64xf32> to vector<1000x64xf32>
    %get3A_23 = arith.constant 1 : index
    %get3A_24 = arith.constant 1 : index
    %get3A_25 = arith.constant 0 : index
    %get3A_26 = arith.constant 0 : index
    %get3A_27 = vector.load %arg1[%get3A_23, %get3A_24, %get3A_25, %get3A_26] : memref<2x2x1000x64xf32, #tpu.memory_space<vmem>>, vector<1x1x1000x64xf32>
    %get3A_28 = vector.shape_cast %get3A_27 : vector<1x1x1000x64xf32> to vector<1000x64xf32>
    %add3A_29 = arith.addf %get3A_22, %get3A_28 : vector<1000x64xf32>
    %concatenate3A_30 = tpu.concatenate %add3A, %add3A_29 in 1 : vector<1000x64xf32>, vector<1000x64xf32> -> vector<1000x128xf32>
    %add3A_31 = arith.addf %concatenate3A_30, %concatenate3A : vector<1000x128xf32>
    %get3A_32 = arith.constant 0 : index
    %get3A_33 = arith.constant 0 : index
    %get3A_34 = vector.load %arg4[%get3A_32, %get3A_33] : memref<1000x128xf32, #tpu.memory_space<vmem>>, vector<1000x128xf32>
    %mul3A = arith.mulf %add3A_31, %get3A_34 : vector<1000x128xf32>
    %get3A_35 = arith.constant 0 : index
    %get3A_36 = arith.constant 0 : index
    %get3A_37 = vector.load %arg5[%get3A_35, %get3A_36] : memref<128x256xf32, #tpu.memory_space<vmem>>, vector<128x256xf32>
    %dot_general3A = arith.constant dense<0.000000e+00> : vector<1000x256xf32>
    %dot_general3A_38 = tpu.matmul %mul3A, %get3A_37, %dot_general3A {dimension_numbers = #tpu.dot_dimension_numbers<[1], [0], [0], [1], [0, 0, 1, 1], [], []>, transpose_lhs_hint = false} : vector<1000x128xf32>, vector<128x256xf32>, vector<1000x256xf32> -> vector<1000x256xf32>
    %get3A_39 = arith.constant 0 : index
    %get3A_40 = arith.constant 0 : index
    %get3A_41 = vector.load %arg6[%get3A_39, %get3A_40] : memref<1x256xf32, #tpu.memory_space<vmem>>, vector<1x256xf32>
    %add3A_42 = vector.broadcast %get3A_41 : vector<1x256xf32> to vector<1000x256xf32>
    %add3A_43 = arith.addf %dot_general3A_38, %add3A_42 : vector<1000x256xf32>
    %max3A = arith.constant 0.000000e+00 : f32
    %max3A_44 = vector.broadcast %max3A : f32 to vector<1000x256xf32>
    %max3A_45 = arith.maximumf %add3A_43, %max3A_44 : vector<1000x256xf32>
    %get3A_46 = arith.constant 0 : index
    %get3A_47 = arith.constant 0 : index
    %get3A_48 = vector.load %arg7[%get3A_46, %get3A_47] : memref<256x128xf32, #tpu.memory_space<vmem>>, vector<256x128xf32>
    %dot_general3A_49 = arith.constant dense<0.000000e+00> : vector<1000x128xf32>
    %dot_general3A_50 = tpu.matmul %max3A_45, %get3A_48, %dot_general3A_49 {dimension_numbers = #tpu.dot_dimension_numbers<[1], [0], [0], [1], [0, 0, 1, 1], [], []>, transpose_lhs_hint = false} : vector<1000x256xf32>, vector<256x128xf32>, vector<1000x128xf32> -> vector<1000x128xf32>
    %get3A_51 = arith.constant 0 : index
    %get3A_52 = arith.constant 0 : index
    %get3A_53 = vector.load %arg4[%get3A_51, %get3A_52] : memref<1000x128xf32, #tpu.memory_space<vmem>>, vector<1000x128xf32>
    %mul3A_54 = arith.mulf %dot_general3A_50, %get3A_53 : vector<1000x128xf32>
    %slice3A = vector.extract_strided_slice %mul3A_54 {offsets = [0, 0], sizes = [1000, 64], strides = [1, 1]} : vector<1000x128xf32> to vector<1000x64xf32>
    %swap3A = arith.constant 0 : index
    %swap3A_55 = arith.constant 0 : index
    %swap3A_56 = vector.load %arg8[%swap3A, %swap3A_55] : memref<1000x64xf32, #tpu.memory_space<vmem>>, vector<1000x64xf32>
    tpu.vector_store %arg8[%swap3A, %swap3A_55], %slice3A {strides = array<i32>} : memref<1000x64xf32, #tpu.memory_space<vmem>>, vector<1000x64xf32>,
    %slice3A_57 = vector.extract_strided_slice %mul3A_54 {offsets = [0, 64], sizes = [1000, 64], strides = [1, 1]} : vector<1000x128xf32> to vector<1000x64xf32>
    %swap3A_58 = arith.constant 0 : index
    %swap3A_59 = arith.constant 0 : index
    %swap3A_60 = vector.load %arg9[%swap3A_58, %swap3A_59] : memref<1000x64xf32, #tpu.memory_space<vmem>>, vector<1000x64xf32>
    tpu.vector_store %arg9[%swap3A_58, %swap3A_59], %slice3A_57 {strides = array<i32>} : memref<1000x64xf32, #tpu.memory_space<vmem>>, vector<1000x64xf32>,
    return
  }
  func.func @transform_0(%arg0: i32) -> (i32, i32, i32, i32) {
    %c0_i32 = arith.constant 0 : i32
    %c0_i32_0 = arith.constant 0 : i32
    %c0_i32_1 = arith.constant 0 : i32
    %c0_i32_2 = arith.constant 0 : i32
    return %c0_i32, %c0_i32_0, %arg0, %c0_i32_1 : i32, i32, i32, i32
  }
  func.func @transform_1(%arg0: i32) -> (i32, i32) {
    %c0_i32 = arith.constant 0 : i32
    %c0_i32_0 = arith.constant 0 : i32
    return %arg0, %c0_i32 : i32, i32
  }
  func.func @transform_2(%arg0: i32) -> (i32, i32) {
    %c0_i32 = arith.constant 0 : i32
    %c0_i32_0 = arith.constant 0 : i32
    return %arg0, %c0_i32 : i32, i32
  }
  func.func @transform_3(%arg0: i32) -> (i32, i32) {
    %c0_i32 = arith.constant 0 : i32
    %c0_i32_0 = arith.constant 0 : i32
    return %arg0, %c0_i32 : i32, i32
  }
  func.func @transform_4(%arg0: i32) -> (i32, i32) {
    %c0_i32 = arith.constant 0 : i32
    %c0_i32_0 = arith.constant 0 : i32
    %c0_i32_1 = arith.constant 0 : i32
    return %c0_i32, %c0_i32_0 : i32, i32
  }
  func.func @transform_5(%arg0: i32) -> (i32, i32) {
    %c0_i32 = arith.constant 0 : i32
    %c0_i32_0 = arith.constant 0 : i32
    %c0_i32_1 = arith.constant 0 : i32
    return %c0_i32, %c0_i32_0 : i32, i32
  }
  func.func @transform_6(%arg0: i32) -> (i32, i32) {
    %c0_i32 = arith.constant 0 : i32
    %c0_i32_0 = arith.constant 0 : i32
    %c0_i32_1 = arith.constant 0 : i32
    return %c0_i32, %c0_i32_0 : i32, i32
  }
  func.func @transform_7(%arg0: i32) -> (i32, i32) {
    %c0_i32 = arith.constant 0 : i32
    %c0_i32_0 = arith.constant 0 : i32
    return %arg0, %c0_i32 : i32, i32
  }
  func.func @transform_8(%arg0: i32) -> (i32, i32) {
    %c0_i32 = arith.constant 0 : i32
    %c0_i32_0 = arith.constant 0 : i32
    return %arg0, %c0_i32 : i32, i32
  }
}

module attributes {stable_mosaic.version = 14 : i64} {
  func.func @_final_kernel(%arg0: i32, %arg1: memref<2x2x1000x64xf32, #tpu.memory_space<vmem>>, %arg2: memref<1000x64xf32, #tpu.memory_space<vmem>>, %arg3: memref<1000x64xf32, #tpu.memory_space<vmem>>, %arg4: memref<1000x128xf32, #tpu.memory_space<vmem>>, %arg5: memref<1x128xf32, #tpu.memory_space<vmem>>, %arg6: memref<1000x128xf32, #tpu.memory_space<vmem>>) attributes {dimension_semantics = [#tpu.dimension_semantics<arbitrary>], iteration_bounds = array<i64: 10>, scalar_prefetch = 0 : i64, scratch_operands = 0 : i64, tpu.core_type = #tpu.core_type<tc>, window_params = [{transform_indices = @transform_0, window_bounds = array<i64: 2, 2, 1000, 64>}, {transform_indices = @transform_1, window_bounds = array<i64: 1000, 64>}, {transform_indices = @transform_2, window_bounds = array<i64: 1000, 64>}, {transform_indices = @transform_3, window_bounds = array<i64: 1000, 128>}, {pipeline_mode = #tpu.pipeline_mode<synchronous>, transform_indices = @transform_4, window_bounds = array<i64: 1, 128>}, {transform_indices = @transform_5, window_bounds = array<i64: 1000, 128>}]} {
    %get3A = arith.constant 0 : index
    %get3A_0 = arith.constant 0 : index
    %get3A_1 = vector.load %arg2[%get3A, %get3A_0] : memref<1000x64xf32, #tpu.memory_space<vmem>>, vector<1000x64xf32>
    %get3A_2 = arith.constant 0 : index
    %get3A_3 = arith.constant 0 : index
    %get3A_4 = vector.load %arg3[%get3A_2, %get3A_3] : memref<1000x64xf32, #tpu.memory_space<vmem>>, vector<1000x64xf32>
    %concatenate3A = tpu.concatenate %get3A_1, %get3A_4 in 1 : vector<1000x64xf32>, vector<1000x64xf32> -> vector<1000x128xf32>
    %get3A_5 = arith.constant 0 : index
    %get3A_6 = arith.constant 0 : index
    %get3A_7 = arith.constant 0 : index
    %get3A_8 = arith.constant 0 : index
    %get3A_9 = vector.load %arg1[%get3A_5, %get3A_6, %get3A_7, %get3A_8] : memref<2x2x1000x64xf32, #tpu.memory_space<vmem>>, vector<1x1x1000x64xf32>
    %get3A_10 = vector.shape_cast %get3A_9 : vector<1x1x1000x64xf32> to vector<1000x64xf32>
    %get3A_11 = arith.constant 1 : index
    %get3A_12 = arith.constant 0 : index
    %get3A_13 = arith.constant 0 : index
    %get3A_14 = arith.constant 0 : index
    %get3A_15 = vector.load %arg1[%get3A_11, %get3A_12, %get3A_13, %get3A_14] : memref<2x2x1000x64xf32, #tpu.memory_space<vmem>>, vector<1x1x1000x64xf32>
    %get3A_16 = vector.shape_cast %get3A_15 : vector<1x1x1000x64xf32> to vector<1000x64xf32>
    %add3A = arith.addf %get3A_10, %get3A_16 : vector<1000x64xf32>
    %get3A_17 = arith.constant 0 : index
    %get3A_18 = arith.constant 1 : index
    %get3A_19 = arith.constant 0 : index
    %get3A_20 = arith.constant 0 : index
    %get3A_21 = vector.load %arg1[%get3A_17, %get3A_18, %get3A_19, %get3A_20] : memref<2x2x1000x64xf32, #tpu.memory_space<vmem>>, vector<1x1x1000x64xf32>
    %get3A_22 = vector.shape_cast %get3A_21 : vector<1x1x1000x64xf32> to vector<1000x64xf32>
    %get3A_23 = arith.constant 1 : index
    %get3A_24 = arith.constant 1 : index
    %get3A_25 = arith.constant 0 : index
    %get3A_26 = arith.constant 0 : index
    %get3A_27 = vector.load %arg1[%get3A_23, %get3A_24, %get3A_25, %get3A_26] : memref<2x2x1000x64xf32, #tpu.memory_space<vmem>>, vector<1x1x1000x64xf32>
    %get3A_28 = vector.shape_cast %get3A_27 : vector<1x1x1000x64xf32> to vector<1000x64xf32>
    %add3A_29 = arith.addf %get3A_22, %get3A_28 : vector<1000x64xf32>
    %concatenate3A_30 = tpu.concatenate %add3A, %add3A_29 in 1 : vector<1000x64xf32>, vector<1000x64xf32> -> vector<1000x128xf32>
    %add3A_31 = arith.addf %concatenate3A_30, %concatenate3A : vector<1000x128xf32>
    %get3A_32 = arith.constant 0 : index
    %get3A_33 = arith.constant 0 : index
    %get3A_34 = vector.load %arg4[%get3A_32, %get3A_33] : memref<1000x128xf32, #tpu.memory_space<vmem>>, vector<1000x128xf32>
    %mul3A = arith.mulf %add3A_31, %get3A_34 : vector<1000x128xf32>
    %get3A_35 = arith.constant 0 : index
    %get3A_36 = arith.constant 0 : index
    %get3A_37 = vector.load %arg5[%get3A_35, %get3A_36] : memref<1x128xf32, #tpu.memory_space<vmem>>, vector<1x128xf32>
    %add3A_38 = vector.broadcast %get3A_37 : vector<1x128xf32> to vector<1000x128xf32>
    %add3A_39 = arith.addf %mul3A, %add3A_38 : vector<1000x128xf32>
    %swap3A = arith.constant 0 : index
    %swap3A_40 = arith.constant 0 : index
    %swap3A_41 = vector.load %arg6[%swap3A, %swap3A_40] : memref<1000x128xf32, #tpu.memory_space<vmem>>, vector<1000x128xf32>
    tpu.vector_store %arg6[%swap3A, %swap3A_40], %add3A_39 {strides = array<i32>} : memref<1000x128xf32, #tpu.memory_space<vmem>>, vector<1000x128xf32>,
    return
  }
  func.func @transform_0(%arg0: i32) -> (i32, i32, i32, i32) {
    %c0_i32 = arith.constant 0 : i32
    %c0_i32_0 = arith.constant 0 : i32
    %c0_i32_1 = arith.constant 0 : i32
    %c0_i32_2 = arith.constant 0 : i32
    return %c0_i32, %c0_i32_0, %arg0, %c0_i32_1 : i32, i32, i32, i32
  }
  func.func @transform_1(%arg0: i32) -> (i32, i32) {
    %c0_i32 = arith.constant 0 : i32
    %c0_i32_0 = arith.constant 0 : i32
    return %arg0, %c0_i32 : i32, i32
  }
  func.func @transform_2(%arg0: i32) -> (i32, i32) {
    %c0_i32 = arith.constant 0 : i32
    %c0_i32_0 = arith.constant 0 : i32
    return %arg0, %c0_i32 : i32, i32
  }
  func.func @transform_3(%arg0: i32) -> (i32, i32) {
    %c0_i32 = arith.constant 0 : i32
    %c0_i32_0 = arith.constant 0 : i32
    return %arg0, %c0_i32 : i32, i32
  }
  func.func @transform_4(%arg0: i32) -> (i32, i32) {
    %c0_i32 = arith.constant 0 : i32
    %c0_i32_0 = arith.constant 0 : i32
    %c0_i32_1 = arith.constant 0 : i32
    return %c0_i32, %c0_i32_0 : i32, i32
  }
  func.func @transform_5(%arg0: i32) -> (i32, i32) {
    %c0_i32 = arith.constant 0 : i32
    %c0_i32_0 = arith.constant 0 : i32
    return %arg0, %c0_i32 : i32, i32
  }
}

</mosaic_0001>

<sc_bundles>
// kernel: kernel.11.cloned.1.call-start
scs
__scs_entry_jumppad:
0x0: {  	(pc) =	sbr.rel $0x88, $3  }
0x1: {  	(tag) =	ssettag $0x0;
	lr =	simm.s32 $0x1  }
0x2: {  	[smem:$0x3F9B] =	sst lr;
	_ =	strace $0xD0000000  }
0x3: {  	_ = 	snop  }
0x4: {  	_ = 	snop  }
0x5: {  	_ = 	snop  }
0x6: {  	_ = 	snop  }
0x7: {  	_ = 	snop  }
__scs_overlays_trampoline_lowered:
0x8: {  	[smem:$0x3FAA] =	sst s0  }
0x9: {  	[smem:$0x3FAB] =	sst s1  }
0xa: {  	[smem:$0x3FAC] =	sst s2  }
0xb: {  	[smem:$0x3FAD] =	sst s3  }
0xc: {  	[smem:$0x3FAE] =	sst s4  }
0xd: {  	[smem:$0x3FAF] =	sst s5  }
0xe: {  	[smem:$0x3FB0] =	sst s6  }
0xf: {  	[smem:$0x3FB1] =	sst s7  }
0x10: {  	[smem:$0x3FB2] =	sst s8  }
0x11: {  	[smem:$0x3FB3] =	sst s9;
	s0 =	simm.s32 @!p0 $0x0  }
0x12: {  	s1 =	sld [smem:$0x3F99];
	s0 =	simm.s32 @p0 $0x1  }
0x13: {  	[smem:$0x3FB4] =	sst s0;
	s0 =	simm.s32 @!p1 $0x0  }
0x14: {  	s2 =	sld [smem:$0x3F98];
	s0 =	simm.s32 @p1 $0x1  }
0x15: {  	[smem:$0x3FB5] =	sst s0;
	s0 =	simm.s32 @!p2 $0x0  }
0x16: {  	s3 =	sld [smem:$0x3FDB];
	s0 =	simm.s32 @p2 $0x1  }
0x17: {  	s4 =	simm.s32 $0x1BF5;
	[smem:$0x3FB7] =	sst s0  }
0x18: {  	s0 =	sld [smem:$0x3F9A];
	_ =	swait.ge [sflag:s4], $0x0  }
0x19: {  	s7 =	sld [smem:$0x3F9B]  }
0x1a: {  	s8 =	sadd.s32 $0xFFFFE003, lr  }
0x1b: {  	s9 =	sadd.s32 $0xFFFFFEF7, lr;
	s5 =	simm.s32 $0xFFFFFFFF;
	p2 =	slt.u32 s8, $0xFFFFF086  }
0x1c: {  	p1 =	slt.u32 s9, $0xF7A;
	s5 =	simm.s32 @!p2 $0x0  }
0x1d: {  	s5 =	simm.s32 @p1 $0x1;
	p0 =	seq.s32 s7, s2  }
0x1e: {  	s7 =	smul.u32 @!p0 $0xF7A, s2;
	p2 =	seq.s32 @!p0 s5, $0x0  }
0x1f: {  	s9 =	smul.u32 $0xF7A, s1;
	s8 =	simm.s32 @!p0 $0x1BF5;
	p2 =	por !p2, p0  }
0x20: {  	[sflag:s8] =	ssyncset.s32 @!p0 $0xFFFFF086;
	s6 =	sadd.s32 @!p0 s3, s7;
	s7 =	simm.s32 @!p0 $0x108  }
0x21: {  	s3 =	sadd.s32 s3, s9;
	s6 =	sadd.s32 @!p0 $0x88, s6;
	s7 =	simm.s32 @p2 $0x1082  }
0x22: {  	[simem:s7], [sflag:s8] =	dma.local @!p0 [hbm:s6], $0xF7A  }
0x23: {  	s9 =	sor.u32 $0xD0000000, s2;
	s6 =	simm.s32 $0x108;
	_ =	swait.ge @!p0 [sflag:s8], $0x0  }
0x24: {  	s3 =	sadd.s32 $0x88, s3;
	s6 =	simm.s32 @!p1 $0x1082;
	[sflag:s4] =	ssyncset.s32 $0xFFFFF086  }
0x25: {  	[simem:s6], [sflag:s4] =	dma.local [hbm:s3], $0xF7A  }
0x26: {  	[smem:$0x3F9B] =	sst s1;
	(tag) =	ssettag s2;
	_ =	strace s9  }
0x27: {  	s1 =	sld [smem:$0x3FAB]  }
0x28: {  	s2 =	sld [smem:$0x3FAC]  }
0x29: {  	s4 =	sld [smem:$0x3FAE]  }
0x2a: {  	p0 =	seq.s32 s5, $0x0;
	s5 =	sld [smem:$0x3FAF]  }
0x2b: {  	s6 =	sld [smem:$0x3FB0]  }
0x2c: {  	s7 =	sld [smem:$0x3FB1]  }
0x2d: {  	s3 =	simm.s32 $0x108;
	s8 =	sld [smem:$0x3FB2]  }
0x2e: {  	s3 =	simm.s32 @!p0 $0x1082;
	s9 =	sld [smem:$0x3FB3]  }
0x2f: {  	lr =	sadd.s32 s0, s3;
	s0 =	sld [smem:$0x3FAA]  }
0x30: {  	s3 =	sld [smem:$0x3FAD]  }
0x31: {  	[smem:$0x3FB6] =	sst s10  }
0x32: {  	s10 =	sld [smem:$0x3FB4];
	_ =	sdelay $0x3  }
0x33: {  	p0 =	seq.s32 s10, $0x1;
	s10 =	sld [smem:$0x3FB6];
	_ =	sdelay $0x3  }
0x34: {  	[smem:$0x3FB6] =	sst s10  }
0x35: {  	s10 =	sld [smem:$0x3FB5];
	_ =	sdelay $0x3  }
0x36: {  	p1 =	seq.s32 s10, $0x1;
	s10 =	sld [smem:$0x3FB6];
	_ =	sdelay $0x3  }
0x37: {  	[smem:$0x3FB6] =	sst s10  }
0x38: {  	s10 =	sld [smem:$0x3FB7]  }
0x39: {  	_ = 	snop;
	(pc) =	sbr.ind lr, $3  }
0x3a: {  	_ = 	snop  }
0x3b: {  	_ = 	snop  }
0x3c: {  	p2 =	seq.s32 s10, $0x1;
	s10 =	sld [smem:$0x3FB6]  }
0x3d: {  	_ =	shalt  }
0x3e: {  	_ =	shalt  }
0x3f: {  	_ =	shalt  }
0x40: {  	_ =	shalt  }
0x41: {  	_ =	shalt  }
0x42: {  	_ =	shalt  }
0x43: {  	_ =	shalt  }
0x44: {  	_ =	shalt  }
0x45: {  	_ =	shalt  }
0x46: {  	_ =	shalt  }
0x47: {  	_ =	shalt  }
0x48: {  	_ =	shalt  }
0x49: {  	_ =	shalt  }
0x4a: {  	_ =	shalt  }
0x4b: {  	_ =	shalt  }
0x4c: {  	_ =	shalt  }
0x4d: {  	_ =	shalt  }
0x4e: {  	_ =	shalt  }
0x4f: {  	_ =	shalt  }
0x50: {  	_ =	shalt  }
0x51: {  	_ =	shalt  }
0x52: {  	_ =	shalt  }
0x53: {  	_ =	shalt  }
0x54: {  	_ =	shalt  }
0x55: {  	_ =	shalt  }
0x56: {  	_ =	shalt  }
0x57: {  	_ =	shalt  }
0x58: {  	_ =	shalt  }
0x59: {  	_ =	shalt  }
0x5a: {  	_ =	shalt  }
0x5b: {  	_ =	shalt  }
0x5c: {  	_ =	shalt  }
0x5d: {  	_ =	shalt  }
0x5e: {  	_ =	shalt  }
0x5f: {  	_ =	shalt  }
0x60: {  	_ =	shalt  }
0x61: {  	_ =	shalt  }
0x62: {  	_ =	shalt  }
0x63: {  	_ =	shalt  }
0x64: {  	_ =	shalt  }
0x65: {  	_ =	shalt  }
0x66: {  	_ =	shalt  }
0x67: {  	_ =	shalt  }
0x68: {  	_ =	shalt  }
0x69: {  	_ =	shalt  }
0x6a: {  	_ =	shalt  }
0x6b: {  	_ =	shalt  }
0x6c: {  	_ =	shalt  }
0x6d: {  	_ =	shalt  }
0x6e: {  	_ =	shalt  }
0x6f: {  	_ =	shalt  }
0x70: {  	_ =	shalt  }
0x71: {  	_ =	shalt  }
0x72: {  	_ =	shalt  }
0x73: {  	_ =	shalt  }
0x74: {  	_ =	shalt  }
0x75: {  	_ =	shalt  }
0x76: {  	_ =	shalt  }
0x77: {  	_ =	shalt  }
0x78: {  	_ =	shalt  }
0x79: {  	_ =	shalt  }
0x7a: {  	_ =	shalt  }
0x7b: {  	_ =	shalt  }
0x7c: {  	_ =	shalt  }
0x7d: {  	_ =	shalt  }
0x7e: {  	_ =	shalt  }
0x7f: {  	_ =	shalt  }
0x80: {  	_ =	shalt  }
0x81: {  	_ =	shalt  }
0x82: {  	_ =	shalt  }
0x83: {  	_ =	shalt  }
0x84: {  	_ =	shalt  }
0x85: {  	_ =	shalt  }
0x86: {  	_ =	shalt  }
0x87: {  	_ =	shalt  }
.Lfunc_end0:
.L_simem_size_0:
called_computation.1_lowered:
.L_overlay_start_0:
0x88: {  	s2 =	sld [smem:$0x3FD9]  }
0x89: {  	s3 =	sld [smem:$0x3FFE];
	_ =	sdelay $0x1  }
0x8a: {  	s1 =	srdreg.scid  }
0x8b: {  	s0 =	sand.u32 $0x1, s1  }
0x8c: {  	s16 =	sshll.u32 s0, $0xA;
	s2 =	sadd.s32 s3, s2  }
0x8d: {  	s2 =	sadd.s32 s2, s16  }
0x8e: {  	[smem:$0x3FC2] =	sst s2  }
0x8f: {  	_ = 	snop  }
0x90: {  	(tm) =	ssettm $0x1  }
0x91: {  	s17 =	sld [smem:$0x3FFB];
	_ =	sdelay $0x3  }
0x92: {  	_ =	strace s17  }
0x93: {  	s2 =	sld [smem:$0x3FFC];
	_ =	sdelay $0x3  }
0x94: {  	_ =	strace s2  }
0x95: {  	s2 =	sld [smem:$0x3FFD];
	_ =	sdelay $0x3  }
0x96: {  	_ =	strace s2  }
0x97: {  	_ =	strace $0x8FFFFFFF  }
0x98: {  	s18 =	sld [smem:$0x3FDB];
	_ =	sdelay $0x1  }
0x99: {  	s19 =	simm.s32 $_scs_section_size  }
0x9a: {  	s4 =	simm.s32 $_size__tile_overlayer_lowered;
	s5 =	simm.s32 $_tile_overlayer_lowered  }
0x9b: {  	s22 =	simm.s32 $0x1BFF;
	s21 =	sshll.u32 s5, $0x1;
	s2 =	sadd.s32 s19, s18  }
0x9c: {  	s6 =	simm.s32 $0x0;
	s20 =	sshll.u32 s4, $0x1;
	s4 =	sadd.s32 s21, s2  }
0x9d: {  	[timem:s6], [sflag:s22] =	dma.local [hbm:s4], s20  }
0x9e: {  	_ =	swait.ge [sflag:s22], s20  }
0x9f: {  	s3 =	ssub.s32 $0x0, s20;
	[sflag:s22] =	ssyncset.done $0x0  }
0xa0: {  	[sflag:s22] =	ssyncadd.s32 s3;
	_ =	sdelay $0x1  }
0xa1: {  	s23 =	simm.s32 $0x1B8B  }
0xa2: {  	_ =	swait.ge [sflag:s23], $0x1  }
0xa3: {  	[sflag:s23] =	ssyncset.done $0x0  }
0xa4: {  	s25 =	simm.s32 $0x1B8E;
	s24 =	sld [smem:$0x3FFE];
	[sflag:s23] =	ssyncadd.s32 $0xFFFFFFFF  }
0xa5: {  	s26 =	simm.s32 $execute0_lowered;
	[smem:$0x3FD2] =	sst s25  }
0xa6: {  	s4 =	sshll.u32 s26, $0x1;
	_ =	strace $0x80000049;
	[dreg:$0x1] =	wrdreg $0xFFFFFFFF  }
0xa7: {  	s28 =	simm.s32 $_size_execute0_lowered;
	s2 =	sadd.s32 s2, s4;
	[dreg:$0x0] =	wrdreg $0x0  }
0xa8: {  	s4 =	sshll.u32 s28, $0x1;
	[dreg:$0x2] =	wrdreg s2  }
0xa9: {  	[dreg:$0x3] =	wrdreg s4  }
0xaa: {  	[dreg:$0x4] =	wrdreg $0xC0  }
0xab: {  	_ =	task [dreg:s6], $0x5FFFF  }
0xac: {  	[dreg:$0x1] =	wrdreg $0xFFFFFFFF  }
0xad: {  	[dreg:$0x0] =	wrdreg $0x60  }
0xae: {  	[dreg:$0x2] =	wrdreg s24  }
0xaf: {  	[dreg:$0x3] =	wrdreg $0x122000  }
0xb0: {  	[dreg:$0x4] =	wrdreg $0x9  }
0xb1: {  	_ =	task.clear_ibuf [dreg:s6], $0x5FFFF;
	_ =	strace $0x90000049  }
0xb2: {  	s29 =	simm.s32 $0x9;
	_ =	strace $0x8000004B  }
0xb3: {  	_ =	swait.ge [sflag:s29], $0x1  }
0xb4: {  	[sflag:s29] =	ssyncadd.s32 $0xFFFFFFFF  }
0xb5: {  	_ =	strace $0x9000004B  }
0xb6: {  	_ =	sfence  }
0xb7: {  	s30 =	sld [smem:$0x0];
	_ =	sdelay $0x2  }
0xb8: {  	s31 =	sshll.u32 s1, $0xD;
	s1 =	sshrl.u32 s1, $0x2  }
0xb9: {  	s3 =	sand.u32 $0x4000, s31;
	s1 =	sadd.s32 s1, s30  }
0xba: {  	s0 =	sor.u32 s3, s0;
	s1 =	sshll.u32 s1, $0x11  }
0xbb: {  	s0 =	sor.u32 s1, s0  }
0xbc: {  	s0 =	sadd.s32 $0x8F2B, s0  }
0xbd: {  	[sflag:s0] =	ssyncadd.remote.s32 $0x1  }
0xbe: {  	_ =	sfence.sel $0xFFFF  }
0xbf: {  	[dreg:$0x0] =	wrdreg $0xFFFFFFFF;
	(pc) =	sbr.abs _section_cstart, $3  }
0xc0: {  	[dreg:$0x1] =	wrdreg $0xFFFFFFFF  }
0xc1: {  	_ =	task.clear_ibuf [dreg:s6], $0x2FFFF;
	_ =	strace $0x9FFFFFFF  }
0xc2: {  	(tm) =	ssettm $0x7FFFFFFF  }
0xc3: {  	_ =	shalt  }
tec
execute0_lowered:
.L_overlay_start_1:
0x0: {  	(tag) =	ssettag $0x1  }
0x1: {  	s0 =	srdreg.scid  }
0x2: {  	s10 =	stileid.u32;
	s1 =	rddreg [dreg:$0x0]  }
0x3: {  	s2 =	rddreg [dreg:$0x1];
	s4 =	smul.u32 $0x9E, s10  }
0x4: {  	s3 =	simm.s32 $0x0;
	s19 =	simm.s32 $0x3;
	s7 =	smul.u32 $0xA000, s10  }
0x5: {  	s28 =	simm.s32 $0x1;
	s0 =	sand.u32 $0x1, s0;
	s10 =	smul.u32 $0x28000, s10  }
0x6: {  	s31 =	simm.s32 $0x2;
	[smem:$0x7FF] =	sst s3;
	s5 =	smul.u32 $0x82, s0  }
0x7: {  	s11 =	sadd.s32 $0x3F000, s1;
	s6 =	smul.u32 $0x140000, s0;
	_ =	strace $0x8000004A  }
0x8: {  	[dreg:$0x3] =	wrdreg s11;
	s10 =	sshrl.u32 s10, $0x2;
	s11 =	sadd.s32 s7, s2  }
0x9: {  	s4 =	sadd.s32 s5, s4;
	s5 =	sadd.s32 $0x2B600, s1;
	s8 =	sadd.s32 s7, s6  }
0xa: {  	s6 =	smul.u32 $0xFFFFFF9A, s0;
	s0 =	ssub.s32 $0x2, s0;
	s23 =	sadd.s32 s10, s2  }
0xb: {  	s4 =	sshll.u32 s4, $0x4;
	s8 =	sshrl.u32 s8, $0x3;
	s21 =	sshrl.u32 s0, $0x1  }
0xc: {  	s26 =	sadd.s32 $0x2000, s23;
	s29 =	sadd.s32 $0x4000, s23;
	s30 =	sadd.s32 $0x6000, s23  }
0xd: {  	s24 =	sadd.s32 $0x8000, s23;
	s23 =	simm.s32 $0x8200;
	s9 =	sadd.s32 s4, s1  }
0xe: {  	s4 =	sadd.s32 $0x17C00, s1;
	[dreg:$0x6] =	wrdreg s24;
	s22 =	sadd.s32 $0xD600, s9  }
0xf: {  	s1 =	sadd.s32 s8, s1;
	s9 =	sadd.s32 $0x2C00, s9;
	[dreg:$0x4] =	wrdreg s22  }
0x10: {  	s0 =	ssub.s32 s0, s21;
	s25 =	sadd.s32 $0x3F400, s1;
	[dreg:$0x5] =	wrdreg s9  }
0x11: {  	s8 =	sadd.s32 $0x82, s6;
	s1 =	sadd.s32 $0x53400, s1;
	[dreg:$0x7] =	wrdreg s25  }
0x12: {  	s21 =	simm.s32 $0x10200;
	s0 =	smax.u32 s0, $0x1;
	[dreg:$0x8] =	wrdreg s1  }
0x13: {  	[dreg:$0x9] =	wrdreg s0;
	s22 =	simm.s32 $0x80;
	s1 =	simm.s32 $0x0  }
.LBB2_1:
0x14: {  	s0 =	rddreg [dreg:$0x4]  }
0x15: {  	[tilespmem:s3], [sflag:$0x3] =	stream.linear.gather [hbm4b:s0+s3], $0x4100, $0x38;
	[tilespmem:$0x1C200] =	vst v63  }
0x16: {  	_ =	swait.ge [sflag:s19], $0x4100  }
0x17: {  	[sflag:s19] =	ssyncset.done $0x0  }
0x18: {  	s7 =	simm.s32 $0x4100;
	s15 =	rddreg [dreg:$0x5];
	[sflag:s19] =	ssyncadd.s32 $0xFFFFBF00  }
0x19: {  	[tilespmem:s7], [sflag:$0x3] =	stream.linear.gather [hbm4b:s15+s3], $0x4100, $0x38;
	[tilespmem:$0x1C200] =	vst v63  }
0x1a: {  	_ =	swait.ge [sflag:s19], $0x4100  }
0x1b: {  	[sflag:s19] =	ssyncset.done $0x0  }
0x1c: {  	s16 =	rddreg [dreg:$0x3];
	[sflag:s19] =	ssyncadd.s32 $0xFFFFBF00  }
0x1d: {  	[tilespmem:s21], [sflag:$0x3] =	stream.linear.gather [hbm4b:s16+s3], $0x2000, $0x38;
	[tilespmem:$0x1C200] =	vst v63  }
0x1e: {  	_ =	swait.ge [sflag:s19], $0x2000  }
0x1f: {  	[sflag:s19] =	ssyncset.done $0x0  }
0x20: {  	[sflag:s19] =	ssyncadd.s32 $0xFFFFE000  }
0x21: {  	[spmem:s11] =	stream.linear.scatter [tilespmem:s21], [sflag:$0x3], $0x2000, $0x38;
	[tilespmem:$0x1C200] =	vst v63  }
0x22: {  	_ =	swait.ge [sflag:s19], $0x2000  }
0x23: {  	[sflag:s19] =	ssyncset.done $0x0  }
0x24: {  	[sflag:s19] =	ssyncadd.s32 $0xFFFFE000  }
0x25: {  	[spmem:s26] =	stream.linear.scatter [tilespmem:s21], [sflag:$0x3], $0x2000, $0x38;
	[tilespmem:$0x1C200] =	vst v63  }
0x26: {  	_ =	swait.ge [sflag:s19], $0x2000  }
0x27: {  	[sflag:s19] =	ssyncset.done $0x0  }
0x28: {  	[sflag:s19] =	ssyncadd.s32 $0xFFFFE000  }
0x29: {  	[spmem:s29] =	stream.linear.scatter [tilespmem:s21], [sflag:$0x3], $0x2000, $0x38;
	[tilespmem:$0x1C200] =	vst v63  }
0x2a: {  	_ =	swait.ge [sflag:s19], $0x2000  }
0x2b: {  	[sflag:s19] =	ssyncset.done $0x0  }
0x2c: {  	[sflag:s19] =	ssyncadd.s32 $0xFFFFE000  }
0x2d: {  	[spmem:s30] =	stream.linear.scatter [tilespmem:s21], [sflag:$0x3], $0x2000, $0x38;
	[tilespmem:$0x1C200] =	vst v63  }
0x2e: {  	_ =	swait.ge [sflag:s19], $0x2000  }
0x2f: {  	[sflag:s19] =	ssyncset.done $0x0  }
0x30: {  	s17 =	rddreg [dreg:$0x6];
	[sflag:s19] =	ssyncadd.s32 $0xFFFFE000  }
0x31: {  	[spmem:s17] =	stream.linear.scatter [tilespmem:s21], [sflag:$0x3], $0x2000, $0x38;
	[tilespmem:$0x1C200] =	vst v63  }
0x32: {  	_ =	swait.ge [sflag:s19], $0x2000  }
0x33: {  	[sflag:s19] =	ssyncset.done $0x0  }
0x34: {  	[sflag:s19] =	ssyncadd.s32 $0xFFFFE000  }
0x35: {  	s13 =	smov.u32 s26;
	s14 =	smov.u32 s29;
	[bflag:$0x0] =	sbarrier.arrive $0xFFFF  }
0x36: {  	[tilespmem:s23], [sflag:$0x1] =	stream.indirect.gather [hbm4b:s4+s22], $0x40, s3, s22, $0xb8;
	[tilespmem:$0x1C200] =	vst v63  }
0x37: {  	s18 =	simm.s32 $0xA200;
	s20 =	simm.s32 $0x100;
	s9 =	simm.s32 $0xC200  }
0x38: {  	[tilespmem:s18], [sflag:$0x1] =	stream.indirect.gather [hbm4b:s4+s22], $0x40, s22, s22, $0xb8;
	[tilespmem:$0x1C200] =	vst v63  }
0x39: {  	s24 =	simm.s32 $0x180;
	s25 =	simm.s32 $0xE200;
	s10 =	simm.s32 $0x4180  }
0x3a: {  	[tilespmem:s9], [sflag:$0x1] =	stream.indirect.gather [hbm4b:s4+s22], $0x40, s20, s22, $0xb8;
	[tilespmem:$0x1C200] =	vst v63  }
0x3b: {  	p1 =	sne.s32 s6, $0xFFFFFF80;
	p0 =	sle.u32 s8, $0x4;
	_ =	swait.ge [sflag:s28], $0x2000  }
0x3c: {  	s0 =	simm.s32 $0x20000;
	p2 =	por p0, p0;
	[sflag:s28] =	ssyncset.done $0x0  }
0x3d: {  	s15 =	smov.u32 s30;
	s16 =	sand.u32 @!p0 $0x18000, s0;
	[sflag:s28] =	ssyncadd.s32 $0xFFFFE000  }
0x3e: {  	[spmem:s2] =	stream.indirect.scatter.add.f32 [tilespmem:s23], [sflag:$0x2], $0x40, s7, s22, $0xb8;
	[tilespmem:$0x1C200] =	vst v63  }
0x3f: {  	s26 =	simm.s32 $0x8000;
	s29 =	simm.s32 $0x200;
	s30 =	simm.s32 @!p0 $0x80  }
0x40: {  	[tilespmem:s25], [sflag:$0x1] =	stream.indirect.gather [hbm4b:s4+s22], $0x40, s24, s22, $0xb8;
	[tilespmem:$0x1C200] =	vst v63  }
0x41: {  	s18 =	simm.s32 $0xFFFFFF80;
	s9 =	sand.u32 $0x18000, s26;
	_ =	swait.ge [sflag:s28], $0x2000  }
0x42: {  	s20 =	sshrl.u32 @!p0 s16, $0x2;
	s9 =	sshrl.u32 s9, $0x2;
	[sflag:s28] =	ssyncset.done $0x0  }
.Ltmp0:
0x43: {  	s17 =	sor.u32 $0x8200, s9;
	[sflag:s28] =	ssyncadd.s32 $0xFFFFE000;
	(pc) =	sbr.rel @!p1 .LBB2_3-.Ltmp0, $4  }
0x44: {  	[spmem:s2] =	stream.indirect.scatter.add.f32 [tilespmem:s17], [sflag:$0x2], $0x40, s10, s22, $0xb8;
	[tilespmem:$0x1C200] =	vst v63  }
0x45: {  	s26 =	simm.s32 $0x20000;
	s16 =	smov.u32 s20;
	_ =	swait.ge [sflag:s31], $0x2000  }
0x46: {  	s9 =	simm.s32 @!p0 $0x80;
	s7 =	simm.s32 $0x200;
	[sflag:s31] =	ssyncset.done $0x0  }
0x47: {  	s24 =	simm.s32 $0x4200;
	s25 =	simm.s32 $0x280;
	[sflag:s31] =	ssyncadd.s32 $0xFFFFE000  }
.LBB2_2:
0x48: {  	s16 =	sor.u32 @!p2 $0x8200, s16  }
0x49: {  	s26 =	sadd.s32 $0x8000, s26;
	s12 =	smov.u32 s18;
	s18 =	sadd.s32 $0x1, s18  }
0x4a: {  	[tilespmem:s16], [sflag:$0x1] =	stream.indirect.gather @!p2 [hbm4b:s4+s30], $0x40, s29, s30, $0xb8;
	[tilespmem:$0x1C200] =	vst v63  }
0x4b: {  	p1 =	sne.s32 s6, s18;
	s29 =	smov.u32 s25  }
0x4c: {  	s16 =	sadd.s32 $0xFFFE8000, s26  }
0x4d: {  	s16 =	sand.u32 $0x18000, s16;
	_ =	swait.ge [sflag:s28], $0x2000  }
0x4e: {  	s12 =	sadd.s32 $0x85, s12;
	s16 =	sshrl.u32 s16, $0x2;
	[sflag:s28] =	ssyncset.done $0x0  }
.Ltmp1:
0x4f: {  	s16 =	sor.u32 $0x8200, s16;
	[sflag:s28] =	ssyncadd.s32 $0xFFFFE000;
	(pc) =	sbr.rel @p1 .LBB2_2-.Ltmp1, $4  }
0x50: {  	[spmem:s2] =	stream.indirect.scatter.add.f32 [tilespmem:s16], [sflag:$0x2], $0x40, s24, s22, $0xb8;
	[tilespmem:$0x1C200] =	vst v63  }
0x51: {  	p2 =	sge.u32 s12, s8;
	s24 =	sadd.s32 $0x80, s24;
	_ =	swait.ge [sflag:s31], $0x2000  }
0x52: {  	s12 =	sand.u32 @!p2 $0x18000, s26;
	s30 =	simm.s32 @!p2 $0x80;
	[sflag:s31] =	ssyncset.done $0x0  }
0x53: {  	s25 =	sadd.s32 $0x80, s25;
	s16 =	sshrl.u32 @!p2 s12, $0x2;
	[sflag:s31] =	ssyncadd.s32 $0xFFFFE000  }
.LBB2_3:
0x54: {  	s12 =	sor.u32 @!p2 $0x8200, s16  }
0x55: {  	[tilespmem:s12], [sflag:$0x1] =	stream.indirect.gather @!p2 [hbm4b:s4+s30], $0x40, s29, s30, $0xb8;
	[tilespmem:$0x1C200] =	vst v63  }
0x56: {  	_ =	swait.ge [sflag:s31], $0x2000  }
0x57: {  	[sflag:s31] =	ssyncset.done $0x0  }
0x58: {  	s25 =	stileid.u32;
	[sflag:s31] =	ssyncadd.s32 $0xFFFFE000  }
0x59: {  	s12 =	sshll.u32 s25, $0x6;
	[bflag:$0x0] =	sbarrier.arrive $0xFFFF  }
0x5a: {  	s24 =	sshrl.u32 s11, $0x3;
	s18 =	sor.u32 $0x1C03, s12;
	s26 =	rddreg [dreg:$0x7]  }
0x5b: {  	[hbm:s26], [sflag:s18] =	dma.local [spmem:s24], $0x1400  }
0x5c: {  	_ =	swait.ge [sflag:s19], $0x1400  }
0x5d: {  	[sflag:s19] =	ssyncset.done $0x0  }
0x5e: {  	[sflag:s19] =	ssyncadd.s32 $0xFFFFEC00  }
0x5f: {  	[bflag:$0x0] =	sbarrier.arrive $0xFFFF  }
0x60: {  	[spmem:s11] =	stream.linear.scatter [tilespmem:s21], [sflag:$0x3], $0x2000, $0x38;
	[tilespmem:$0x1C200] =	vst v63  }
0x61: {  	_ =	swait.ge [sflag:s19], $0x2000  }
0x62: {  	[sflag:s19] =	ssyncset.done $0x0  }
0x63: {  	[sflag:s19] =	ssyncadd.s32 $0xFFFFE000  }
0x64: {  	[spmem:s13] =	stream.linear.scatter [tilespmem:s21], [sflag:$0x3], $0x2000, $0x38;
	[tilespmem:$0x1C200] =	vst v63  }
0x65: {  	_ =	swait.ge [sflag:s19], $0x2000  }
0x66: {  	[sflag:s19] =	ssyncset.done $0x0  }
0x67: {  	[sflag:s19] =	ssyncadd.s32 $0xFFFFE000  }
0x68: {  	[spmem:s14] =	stream.linear.scatter [tilespmem:s21], [sflag:$0x3], $0x2000, $0x38;
	[tilespmem:$0x1C200] =	vst v63  }
0x69: {  	_ =	swait.ge [sflag:s19], $0x2000  }
0x6a: {  	[sflag:s19] =	ssyncset.done $0x0  }
0x6b: {  	[sflag:s19] =	ssyncadd.s32 $0xFFFFE000  }
0x6c: {  	[spmem:s15] =	stream.linear.scatter [tilespmem:s21], [sflag:$0x3], $0x2000, $0x38;
	[tilespmem:$0x1C200] =	vst v63  }
0x6d: {  	_ =	swait.ge [sflag:s19], $0x2000  }
0x6e: {  	[sflag:s19] =	ssyncset.done $0x0  }
0x6f: {  	s16 =	rddreg [dreg:$0x6];
	[sflag:s19] =	ssyncadd.s32 $0xFFFFE000  }
0x70: {  	[spmem:s16] =	stream.linear.scatter [tilespmem:s21], [sflag:$0x3], $0x2000, $0x38;
	[tilespmem:$0x1C200] =	vst v63  }
0x71: {  	_ =	swait.ge [sflag:s19], $0x2000  }
0x72: {  	[sflag:s19] =	ssyncset.done $0x0  }
0x73: {  	[sflag:s19] =	ssyncadd.s32 $0xFFFFE000  }
0x74: {  	[bflag:$0x0] =	sbarrier.arrive $0xFFFF  }
0x75: {  	[tilespmem:s23], [sflag:$0x1] =	stream.indirect.gather [hbm4b:s5+s22], $0x40, s3, s22, $0xb8;
	[tilespmem:$0x1C200] =	vst v63  }
0x76: {  	s29 =	smov.u32 s14;
	s25 =	simm.s32 $0xA200  }
0x77: {  	[tilespmem:s25], [sflag:$0x1] =	stream.indirect.gather [hbm4b:s5+s22], $0x40, s22, s22, $0xb8;
	[tilespmem:$0x1C200] =	vst v63  }
0x78: {  	s26 =	smov.u32 s13;
	s13 =	simm.s32 $0x100;
	s14 =	simm.s32 $0xC200  }
0x79: {  	[tilespmem:s14], [sflag:$0x1] =	stream.indirect.gather [hbm4b:s5+s22], $0x40, s13, s22, $0xb8;
	[tilespmem:$0x1C200] =	vst v63  }
0x7a: {  	_ =	swait.ge [sflag:s28], $0x2000  }
0x7b: {  	[sflag:s28] =	ssyncset.done $0x0  }
0x7c: {  	s30 =	smov.u32 s15;
	s15 =	simm.s32 $0x4100;
	[sflag:s28] =	ssyncadd.s32 $0xFFFFE000  }
0x7d: {  	[spmem:s2] =	stream.indirect.scatter.add.f32 [tilespmem:s23], [sflag:$0x2], $0x40, s15, s22, $0xb8;
	[tilespmem:$0x1C200] =	vst v63  }
0x7e: {  	s16 =	simm.s32 $0x180;
	s25 =	simm.s32 $0xE200  }
0x7f: {  	[tilespmem:s25], [sflag:$0x1] =	stream.indirect.gather [hbm4b:s5+s22], $0x40, s16, s22, $0xb8;
	[tilespmem:$0x1C200] =	vst v63  }
0x80: {  	_ =	swait.ge [sflag:s28], $0x2000  }
0x81: {  	p1 =	sne.s32 s6, $0xFFFFFF80;
	[sflag:s28] =	ssyncset.done $0x0  }
.Ltmp2:
0x82: {  	[sflag:s28] =	ssyncadd.s32 $0xFFFFE000;
	(pc) =	sbr.rel @!p1 .LBB2_5-.Ltmp2, $4  }
0x83: {  	[spmem:s2] =	stream.indirect.scatter.add.f32 [tilespmem:s17], [sflag:$0x2], $0x40, s10, s22, $0xb8;
	[tilespmem:$0x1C200] =	vst v63  }
0x84: {  	_ =	swait.ge [sflag:s31], $0x2000  }
0x85: {  	s25 =	simm.s32 $0x280;
	[sflag:s31] =	ssyncset.done $0x0  }
0x86: {  	s10 =	simm.s32 $0xFFFFFF80;
	s17 =	simm.s32 $0x4200;
	[sflag:s31] =	ssyncadd.s32 $0xFFFFE000  }
.LBB2_4:
0x87: {  	s12 =	sor.u32 @!p0 $0x8200, s20  }
0x88: {  	s0 =	sadd.s32 $0x8000, s0;
	s16 =	smov.u32 s10;
	s10 =	sadd.s32 $0x1, s10  }
0x89: {  	[tilespmem:s12], [sflag:$0x1] =	stream.indirect.gather @!p0 [hbm4b:s5+s9], $0x40, s7, s9, $0xb8;
	[tilespmem:$0x1C200] =	vst v63  }
0x8a: {  	p1 =	sne.s32 s6, s10;
	s7 =	smov.u32 s25  }
0x8b: {  	s9 =	sadd.s32 $0xFFFE8000, s0  }
0x8c: {  	s9 =	sand.u32 $0x18000, s9;
	_ =	swait.ge [sflag:s28], $0x2000  }
0x8d: {  	s12 =	sadd.s32 $0x85, s16;
	s9 =	sshrl.u32 s9, $0x2;
	[sflag:s28] =	ssyncset.done $0x0  }
.Ltmp3:
0x8e: {  	s9 =	sor.u32 $0x8200, s9;
	[sflag:s28] =	ssyncadd.s32 $0xFFFFE000;
	(pc) =	sbr.rel @p1 .LBB2_4-.Ltmp3, $4  }
0x8f: {  	[spmem:s2] =	stream.indirect.scatter.add.f32 [tilespmem:s9], [sflag:$0x2], $0x40, s17, s22, $0xb8;
	[tilespmem:$0x1C200] =	vst v63  }
0x90: {  	p0 =	sge.u32 s12, s8;
	s17 =	sadd.s32 $0x80, s17;
	_ =	swait.ge [sflag:s31], $0x2000  }
0x91: {  	s12 =	sand.u32 @!p0 $0x18000, s0;
	s9 =	simm.s32 @!p0 $0x80;
	[sflag:s31] =	ssyncset.done $0x0  }
0x92: {  	s25 =	sadd.s32 $0x80, s25;
	s20 =	sshrl.u32 @!p0 s12, $0x2;
	[sflag:s31] =	ssyncadd.s32 $0xFFFFE000  }
.LBB2_5:
0x93: {  	s0 =	sor.u32 @!p0 $0x8200, s20  }
0x94: {  	[tilespmem:s0], [sflag:$0x1] =	stream.indirect.gather @!p0 [hbm4b:s5+s9], $0x40, s7, s9, $0xb8;
	[tilespmem:$0x1C200] =	vst v63  }
0x95: {  	_ =	swait.ge [sflag:s31], $0x2000  }
0x96: {  	[sflag:s31] =	ssyncset.done $0x0  }
0x97: {  	[sflag:s31] =	ssyncadd.s32 $0xFFFFE000  }
0x98: {  	[bflag:$0x0] =	sbarrier.arrive $0xFFFF  }
0x99: {  	s20 =	rddreg [dreg:$0x8]  }
0x9a: {  	[hbm:s20], [sflag:s18] =	dma.local [spmem:s24], $0x1400  }
0x9b: {  	_ =	swait.ge [sflag:s19], $0x1400  }
0x9c: {  	s1 =	sadd.s32 $0x1, s1;
	s25 =	rddreg [dreg:$0x9]  }
0x9d: {  	p0 =	sne.s32 s1, s25  }
.Ltmp4:
0x9e: {  	_ = 	snop;
	(pc) =	sbr.rel @p0 .LBB2_1-.Ltmp4, $3  }
0x9f: {  	[sflag:s19] =	ssyncset.done $0x0  }
0xa0: {  	[sflag:s19] =	ssyncadd.s32 $0xFFFFEC00  }
0xa1: {  	[bflag:$0x0] =	sbarrier.arrive $0xFFFF;
	_ =	sdelay $0x1  }
0xa2: {  	_ =	sfence.sel $0x180000  }
0xa3: {  	[bflag:$0x0] =	sbarrier.arrive $0xFFFF  }
0xa4: {  	_ =	strace $0x9000004A  }
0xa5: {  	s0 =	stileid.u32;
	[bflag:$0x2] =	sbarrier.arrive $0xFFFF  }
0xa6: {  	p0 =	sne.s32 s0, $0x0;
	s0 =	rddreg [dreg:$0x2]  }
0xa7: {  	s0 =	sadd.s32 @!p0 $0x100000, s0  }
0xa8: {  	[sflag:s0] =	ssyncadd.tile.s32 @!p0 $0x1;
	_ =	shalt  }
.Lfunc_end2:
_tile_overlayer_lowered:
.L_overlay_start_2:
0xa9: {  	(tag) =	ssettag $0x2  }
0xaa: {  	s0 =	rddreg [dreg:$0x0];
	s2 =	stileid.u32  }
0xab: {  	s1 =	rddreg [dreg:$0x1];
	p0 =	sne.s32 s2, $0x0  }
0xac: {  	s3 =	rddreg [dreg:$0x2];
	[bflag:$0x3] =	sbarrier.arrive $0xFFFF;
	s2 =	simm.s32 @!p0 $0x1C03  }
0xad: {  	[timem:s3], [sflag:s2] =	dma.local @!p0 [hbm:s0], s1  }
0xae: {  	s0 =	simm.s32 @!p0 $0x3  }
0xaf: {  	_ =	swait.ge @!p0 [sflag:s0], s1  }
0xb0: {  	s1 =	ssub.s32 @!p0 $0x0, s1;
	[sflag:s0] =	ssyncset.done @!p0 $0x0  }
0xb1: {  	[sflag:s0] =	ssyncadd.s32 @!p0 s1  }
0xb2: {  	[bflag:$0x3] =	sbarrier.arrive $0xFFFF  }
0xb3: {  	_ =	shalt  }

// kernel: kernel.14.cloned.1.call-start
scs
__scs_entry_jumppad:
0x0: {  	(pc) =	sbr.rel $0x88, $3  }
0x1: {  	(tag) =	ssettag $0x0;
	lr =	simm.s32 $0x1  }
0x2: {  	[smem:$0x3F9B] =	sst lr;
	_ =	strace $0xD0000000  }
0x3: {  	_ = 	snop  }
0x4: {  	_ = 	snop  }
0x5: {  	_ = 	snop  }
0x6: {  	_ = 	snop  }
0x7: {  	_ = 	snop  }
__scs_overlays_trampoline_lowered:
0x8: {  	[smem:$0x3FAA] =	sst s0  }
0x9: {  	[smem:$0x3FAB] =	sst s1  }
0xa: {  	[smem:$0x3FAC] =	sst s2  }
0xb: {  	[smem:$0x3FAD] =	sst s3  }
0xc: {  	[smem:$0x3FAE] =	sst s4  }
0xd: {  	[smem:$0x3FAF] =	sst s5  }
0xe: {  	[smem:$0x3FB0] =	sst s6  }
0xf: {  	[smem:$0x3FB1] =	sst s7  }
0x10: {  	[smem:$0x3FB2] =	sst s8  }
0x11: {  	[smem:$0x3FB3] =	sst s9;
	s0 =	simm.s32 @!p0 $0x0  }
0x12: {  	s1 =	sld [smem:$0x3F99];
	s0 =	simm.s32 @p0 $0x1  }
0x13: {  	[smem:$0x3FB4] =	sst s0;
	s0 =	simm.s32 @!p1 $0x0  }
0x14: {  	s2 =	sld [smem:$0x3F98];
	s0 =	simm.s32 @p1 $0x1  }
0x15: {  	[smem:$0x3FB5] =	sst s0;
	s0 =	simm.s32 @!p2 $0x0  }
0x16: {  	s3 =	sld [smem:$0x3FDB];
	s0 =	simm.s32 @p2 $0x1  }
0x17: {  	s4 =	simm.s32 $0x1BF5;
	[smem:$0x3FB7] =	sst s0  }
0x18: {  	s0 =	sld [smem:$0x3F9A];
	_ =	swait.ge [sflag:s4], $0x0  }
0x19: {  	s7 =	sld [smem:$0x3F9B]  }
0x1a: {  	s8 =	sadd.s32 $0xFFFFE003, lr  }
0x1b: {  	s9 =	sadd.s32 $0xFFFFFEF7, lr;
	s5 =	simm.s32 $0xFFFFFFFF;
	p2 =	slt.u32 s8, $0xFFFFF086  }
0x1c: {  	p1 =	slt.u32 s9, $0xF7A;
	s5 =	simm.s32 @!p2 $0x0  }
0x1d: {  	s5 =	simm.s32 @p1 $0x1;
	p0 =	seq.s32 s7, s2  }
0x1e: {  	s7 =	smul.u32 @!p0 $0xF7A, s2;
	p2 =	seq.s32 @!p0 s5, $0x0  }
0x1f: {  	s9 =	smul.u32 $0xF7A, s1;
	s8 =	simm.s32 @!p0 $0x1BF5;
	p2 =	por !p2, p0  }
0x20: {  	[sflag:s8] =	ssyncset.s32 @!p0 $0xFFFFF086;
	s6 =	sadd.s32 @!p0 s3, s7;
	s7 =	simm.s32 @!p0 $0x108  }
0x21: {  	s3 =	sadd.s32 s3, s9;
	s6 =	sadd.s32 @!p0 $0x88, s6;
	s7 =	simm.s32 @p2 $0x1082  }
0x22: {  	[simem:s7], [sflag:s8] =	dma.local @!p0 [hbm:s6], $0xF7A  }
0x23: {  	s9 =	sor.u32 $0xD0000000, s2;
	s6 =	simm.s32 $0x108;
	_ =	swait.ge @!p0 [sflag:s8], $0x0  }
0x24: {  	s3 =	sadd.s32 $0x88, s3;
	s6 =	simm.s32 @!p1 $0x1082;
	[sflag:s4] =	ssyncset.s32 $0xFFFFF086  }
0x25: {  	[simem:s6], [sflag:s4] =	dma.local [hbm:s3], $0xF7A  }
0x26: {  	[smem:$0x3F9B] =	sst s1;
	(tag) =	ssettag s2;
	_ =	strace s9  }
0x27: {  	s1 =	sld [smem:$0x3FAB]  }
0x28: {  	s2 =	sld [smem:$0x3FAC]  }
0x29: {  	s4 =	sld [smem:$0x3FAE]  }
0x2a: {  	p0 =	seq.s32 s5, $0x0;
	s5 =	sld [smem:$0x3FAF]  }
0x2b: {  	s6 =	sld [smem:$0x3FB0]  }
0x2c: {  	s7 =	sld [smem:$0x3FB1]  }
0x2d: {  	s3 =	simm.s32 $0x108;
	s8 =	sld [smem:$0x3FB2]  }
0x2e: {  	s3 =	simm.s32 @!p0 $0x1082;
	s9 =	sld [smem:$0x3FB3]  }
0x2f: {  	lr =	sadd.s32 s0, s3;
	s0 =	sld [smem:$0x3FAA]  }
0x30: {  	s3 =	sld [smem:$0x3FAD]  }
0x31: {  	[smem:$0x3FB6] =	sst s10  }
0x32: {  	s10 =	sld [smem:$0x3FB4];
	_ =	sdelay $0x3  }
0x33: {  	p0 =	seq.s32 s10, $0x1;
	s10 =	sld [smem:$0x3FB6];
	_ =	sdelay $0x3  }
0x34: {  	[smem:$0x3FB6] =	sst s10  }
0x35: {  	s10 =	sld [smem:$0x3FB5];
	_ =	sdelay $0x3  }
0x36: {  	p1 =	seq.s32 s10, $0x1;
	s10 =	sld [smem:$0x3FB6];
	_ =	sdelay $0x3  }
0x37: {  	[smem:$0x3FB6] =	sst s10  }
0x38: {  	s10 =	sld [smem:$0x3FB7]  }
0x39: {  	_ = 	snop;
	(pc) =	sbr.ind lr, $3  }
0x3a: {  	_ = 	snop  }
0x3b: {  	_ = 	snop  }
0x3c: {  	p2 =	seq.s32 s10, $0x1;
	s10 =	sld [smem:$0x3FB6]  }
0x3d: {  	_ =	shalt  }
0x3e: {  	_ =	shalt  }
0x3f: {  	_ =	shalt  }
0x40: {  	_ =	shalt  }
0x41: {  	_ =	shalt  }
0x42: {  	_ =	shalt  }
0x43: {  	_ =	shalt  }
0x44: {  	_ =	shalt  }
0x45: {  	_ =	shalt  }
0x46: {  	_ =	shalt  }
0x47: {  	_ =	shalt  }
0x48: {  	_ =	shalt  }
0x49: {  	_ =	shalt  }
0x4a: {  	_ =	shalt  }
0x4b: {  	_ =	shalt  }
0x4c: {  	_ =	shalt  }
0x4d: {  	_ =	shalt  }
0x4e: {  	_ =	shalt  }
0x4f: {  	_ =	shalt  }
0x50: {  	_ =	shalt  }
0x51: {  	_ =	shalt  }
0x52: {  	_ =	shalt  }
0x53: {  	_ =	shalt  }
0x54: {  	_ =	shalt  }
0x55: {  	_ =	shalt  }
0x56: {  	_ =	shalt  }
0x57: {  	_ =	shalt  }
0x58: {  	_ =	shalt  }
0x59: {  	_ =	shalt  }
0x5a: {  	_ =	shalt  }
0x5b: {  	_ =	shalt  }
0x5c: {  	_ =	shalt  }
0x5d: {  	_ =	shalt  }
0x5e: {  	_ =	shalt  }
0x5f: {  	_ =	shalt  }
0x60: {  	_ =	shalt  }
0x61: {  	_ =	shalt  }
0x62: {  	_ =	shalt  }
0x63: {  	_ =	shalt  }
0x64: {  	_ =	shalt  }
0x65: {  	_ =	shalt  }
0x66: {  	_ =	shalt  }
0x67: {  	_ =	shalt  }
0x68: {  	_ =	shalt  }
0x69: {  	_ =	shalt  }
0x6a: {  	_ =	shalt  }
0x6b: {  	_ =	shalt  }
0x6c: {  	_ =	shalt  }
0x6d: {  	_ =	shalt  }
0x6e: {  	_ =	shalt  }
0x6f: {  	_ =	shalt  }
0x70: {  	_ =	shalt  }
0x71: {  	_ =	shalt  }
0x72: {  	_ =	shalt  }
0x73: {  	_ =	shalt  }
0x74: {  	_ =	shalt  }
0x75: {  	_ =	shalt  }
0x76: {  	_ =	shalt  }
0x77: {  	_ =	shalt  }
0x78: {  	_ =	shalt  }
0x79: {  	_ =	shalt  }
0x7a: {  	_ =	shalt  }
0x7b: {  	_ =	shalt  }
0x7c: {  	_ =	shalt  }
0x7d: {  	_ =	shalt  }
0x7e: {  	_ =	shalt  }
0x7f: {  	_ =	shalt  }
0x80: {  	_ =	shalt  }
0x81: {  	_ =	shalt  }
0x82: {  	_ =	shalt  }
0x83: {  	_ =	shalt  }
0x84: {  	_ =	shalt  }
0x85: {  	_ =	shalt  }
0x86: {  	_ =	shalt  }
0x87: {  	_ =	shalt  }
.Lfunc_end0:
.L_simem_size_0:
called_computation.2_lowered:
.L_overlay_start_0:
0x88: {  	s2 =	sld [smem:$0x3FD9]  }
0x89: {  	s3 =	sld [smem:$0x3FFE];
	_ =	sdelay $0x1  }
0x8a: {  	s1 =	srdreg.scid  }
0x8b: {  	s0 =	sand.u32 $0x1, s1  }
0x8c: {  	s16 =	sshll.u32 s0, $0xA;
	s2 =	sadd.s32 s3, s2  }
0x8d: {  	s2 =	sadd.s32 s2, s16  }
0x8e: {  	[smem:$0x3FC2] =	sst s2  }
0x8f: {  	_ = 	snop  }
0x90: {  	(tm) =	ssettm $0x1  }
0x91: {  	s17 =	sld [smem:$0x3FFB];
	_ =	sdelay $0x3  }
0x92: {  	_ =	strace s17  }
0x93: {  	s2 =	sld [smem:$0x3FFC];
	_ =	sdelay $0x3  }
0x94: {  	_ =	strace s2  }
0x95: {  	s2 =	sld [smem:$0x3FFD];
	_ =	sdelay $0x3  }
0x96: {  	_ =	strace s2  }
0x97: {  	_ =	strace $0x8FFFFFFF  }
0x98: {  	s18 =	sld [smem:$0x3FDB];
	_ =	sdelay $0x1  }
0x99: {  	s19 =	simm.s32 $_scs_section_size  }
0x9a: {  	s4 =	simm.s32 $_size__tile_overlayer_lowered;
	s5 =	simm.s32 $_tile_overlayer_lowered  }
0x9b: {  	s22 =	simm.s32 $0x1BFF;
	s21 =	sshll.u32 s5, $0x1;
	s2 =	sadd.s32 s19, s18  }
0x9c: {  	s6 =	simm.s32 $0x0;
	s20 =	sshll.u32 s4, $0x1;
	s4 =	sadd.s32 s21, s2  }
0x9d: {  	[timem:s6], [sflag:s22] =	dma.local [hbm:s4], s20  }
0x9e: {  	_ =	swait.ge [sflag:s22], s20  }
0x9f: {  	s3 =	ssub.s32 $0x0, s20;
	[sflag:s22] =	ssyncset.done $0x0  }
0xa0: {  	[sflag:s22] =	ssyncadd.s32 s3;
	_ =	sdelay $0x1  }
0xa1: {  	s23 =	simm.s32 $0x1B8B  }
0xa2: {  	_ =	swait.ge [sflag:s23], $0x1  }
0xa3: {  	[sflag:s23] =	ssyncset.done $0x0  }
0xa4: {  	s25 =	simm.s32 $0x1B8E;
	s24 =	sld [smem:$0x3FFE];
	[sflag:s23] =	ssyncadd.s32 $0xFFFFFFFF  }
0xa5: {  	s26 =	simm.s32 $execute0_lowered;
	[smem:$0x3FD2] =	sst s25  }
0xa6: {  	s4 =	sshll.u32 s26, $0x1;
	_ =	strace $0x8000004C;
	[dreg:$0x1] =	wrdreg $0xFFFFFFFF  }
0xa7: {  	s28 =	simm.s32 $_size_execute0_lowered;
	s2 =	sadd.s32 s2, s4;
	[dreg:$0x0] =	wrdreg $0x0  }
0xa8: {  	s4 =	sshll.u32 s28, $0x1;
	[dreg:$0x2] =	wrdreg s2  }
0xa9: {  	[dreg:$0x3] =	wrdreg s4  }
0xaa: {  	[dreg:$0x4] =	wrdreg $0xC0  }
0xab: {  	_ =	task [dreg:s6], $0x5FFFF  }
0xac: {  	[dreg:$0x1] =	wrdreg $0xFFFFFFFF  }
0xad: {  	[dreg:$0x0] =	wrdreg $0x60  }
0xae: {  	[dreg:$0x2] =	wrdreg s24  }
0xaf: {  	[dreg:$0x3] =	wrdreg $0x122000  }
0xb0: {  	[dreg:$0x4] =	wrdreg $0x9  }
0xb1: {  	_ =	task.clear_ibuf [dreg:s6], $0x5FFFF;
	_ =	strace $0x9000004C  }
0xb2: {  	s29 =	simm.s32 $0x9;
	_ =	strace $0x8000004E  }
0xb3: {  	_ =	swait.ge [sflag:s29], $0x1  }
0xb4: {  	[sflag:s29] =	ssyncadd.s32 $0xFFFFFFFF  }
0xb5: {  	_ =	strace $0x9000004E  }
0xb6: {  	_ =	sfence  }
0xb7: {  	s30 =	sld [smem:$0x0];
	_ =	sdelay $0x2  }
0xb8: {  	s31 =	sshll.u32 s1, $0xD;
	s1 =	sshrl.u32 s1, $0x2  }
0xb9: {  	s3 =	sand.u32 $0x4000, s31;
	s1 =	sadd.s32 s1, s30  }
0xba: {  	s0 =	sor.u32 s3, s0;
	s1 =	sshll.u32 s1, $0x11  }
0xbb: {  	s0 =	sor.u32 s1, s0  }
0xbc: {  	s0 =	sadd.s32 $0x8F2B, s0  }
0xbd: {  	[sflag:s0] =	ssyncadd.remote.s32 $0x1  }
0xbe: {  	_ =	sfence.sel $0xFFFF  }
0xbf: {  	[dreg:$0x0] =	wrdreg $0xFFFFFFFF;
	(pc) =	sbr.abs _section_cstart, $3  }
0xc0: {  	[dreg:$0x1] =	wrdreg $0xFFFFFFFF  }
0xc1: {  	_ =	task.clear_ibuf [dreg:s6], $0x2FFFF;
	_ =	strace $0x9FFFFFFF  }
0xc2: {  	(tm) =	ssettm $0x7FFFFFFF  }
0xc3: {  	_ =	shalt  }
tec
execute0_lowered:
.L_overlay_start_1:
0x0: {  	(tag) =	ssettag $0x1  }
0x1: {  	s0 =	srdreg.scid  }
0x2: {  	s10 =	stileid.u32;
	s1 =	rddreg [dreg:$0x0]  }
0x3: {  	s2 =	rddreg [dreg:$0x1];
	s4 =	smul.u32 $0x9E, s10  }
0x4: {  	s3 =	simm.s32 $0x0;
	s19 =	simm.s32 $0x3;
	s7 =	smul.u32 $0xA000, s10  }
0x5: {  	s28 =	simm.s32 $0x1;
	s0 =	sand.u32 $0x1, s0;
	s10 =	smul.u32 $0x28000, s10  }
0x6: {  	s31 =	simm.s32 $0x2;
	[smem:$0x7FF] =	sst s3;
	s5 =	smul.u32 $0x82, s0  }
0x7: {  	s11 =	sadd.s32 $0x3F000, s1;
	s6 =	smul.u32 $0x140000, s0;
	_ =	strace $0x8000004D  }
0x8: {  	[dreg:$0x3] =	wrdreg s11;
	s10 =	sshrl.u32 s10, $0x2;
	s11 =	sadd.s32 s7, s2  }
0x9: {  	s4 =	sadd.s32 s5, s4;
	s5 =	sadd.s32 $0x52E00, s1;
	s8 =	sadd.s32 s7, s6  }
0xa: {  	s6 =	smul.u32 $0xFFFFFF9A, s0;
	s0 =	ssub.s32 $0x2, s0;
	s23 =	sadd.s32 s10, s2  }
0xb: {  	s4 =	sshll.u32 s4, $0x4;
	s8 =	sshrl.u32 s8, $0x3;
	s21 =	sshrl.u32 s0, $0x1  }
0xc: {  	s26 =	sadd.s32 $0x2000, s23;
	s29 =	sadd.s32 $0x4000, s23;
	s30 =	sadd.s32 $0x6000, s23  }
0xd: {  	s24 =	sadd.s32 $0x8000, s23;
	s23 =	simm.s32 $0x8200;
	s9 =	sadd.s32 s4, s1  }
0xe: {  	s4 =	sadd.s32 $0x3F400, s1;
	[dreg:$0x6] =	wrdreg s24;
	s22 =	sadd.s32 $0xD600, s9  }
0xf: {  	s1 =	sadd.s32 s8, s1;
	s9 =	sadd.s32 $0x2C00, s9;
	[dreg:$0x4] =	wrdreg s22  }
0x10: {  	s0 =	ssub.s32 s0, s21;
	s25 =	sadd.s32 $0x66800, s1;
	[dreg:$0x5] =	wrdreg s9  }
0x11: {  	s8 =	sadd.s32 $0x82, s6;
	s1 =	sadd.s32 $0x7A800, s1;
	[dreg:$0x7] =	wrdreg s25  }
0x12: {  	s21 =	simm.s32 $0x10200;
	s0 =	smax.u32 s0, $0x1;
	[dreg:$0x8] =	wrdreg s1  }
0x13: {  	[dreg:$0x9] =	wrdreg s0;
	s22 =	simm.s32 $0x80;
	s1 =	simm.s32 $0x0  }
.LBB2_1:
0x14: {  	s0 =	rddreg [dreg:$0x4]  }
0x15: {  	[tilespmem:s3], [sflag:$0x3] =	stream.linear.gather [hbm4b:s0+s3], $0x4100, $0x38;
	[tilespmem:$0x1C200] =	vst v63  }
0x16: {  	_ =	swait.ge [sflag:s19], $0x4100  }
0x17: {  	[sflag:s19] =	ssyncset.done $0x0  }
0x18: {  	s7 =	simm.s32 $0x4100;
	s15 =	rddreg [dreg:$0x5];
	[sflag:s19] =	ssyncadd.s32 $0xFFFFBF00  }
0x19: {  	[tilespmem:s7], [sflag:$0x3] =	stream.linear.gather [hbm4b:s15+s3], $0x4100, $0x38;
	[tilespmem:$0x1C200] =	vst v63  }
0x1a: {  	_ =	swait.ge [sflag:s19], $0x4100  }
0x1b: {  	[sflag:s19] =	ssyncset.done $0x0  }
0x1c: {  	s16 =	rddreg [dreg:$0x3];
	[sflag:s19] =	ssyncadd.s32 $0xFFFFBF00  }
0x1d: {  	[tilespmem:s21], [sflag:$0x3] =	stream.linear.gather [hbm4b:s16+s3], $0x2000, $0x38;
	[tilespmem:$0x1C200] =	vst v63  }
0x1e: {  	_ =	swait.ge [sflag:s19], $0x2000  }
0x1f: {  	[sflag:s19] =	ssyncset.done $0x0  }
0x20: {  	[sflag:s19] =	ssyncadd.s32 $0xFFFFE000  }
0x21: {  	[spmem:s11] =	stream.linear.scatter [tilespmem:s21], [sflag:$0x3], $0x2000, $0x38;
	[tilespmem:$0x1C200] =	vst v63  }
0x22: {  	_ =	swait.ge [sflag:s19], $0x2000  }
0x23: {  	[sflag:s19] =	ssyncset.done $0x0  }
0x24: {  	[sflag:s19] =	ssyncadd.s32 $0xFFFFE000  }
0x25: {  	[spmem:s26] =	stream.linear.scatter [tilespmem:s21], [sflag:$0x3], $0x2000, $0x38;
	[tilespmem:$0x1C200] =	vst v63  }
0x26: {  	_ =	swait.ge [sflag:s19], $0x2000  }
0x27: {  	[sflag:s19] =	ssyncset.done $0x0  }
0x28: {  	[sflag:s19] =	ssyncadd.s32 $0xFFFFE000  }
0x29: {  	[spmem:s29] =	stream.linear.scatter [tilespmem:s21], [sflag:$0x3], $0x2000, $0x38;
	[tilespmem:$0x1C200] =	vst v63  }
0x2a: {  	_ =	swait.ge [sflag:s19], $0x2000  }
0x2b: {  	[sflag:s19] =	ssyncset.done $0x0  }
0x2c: {  	[sflag:s19] =	ssyncadd.s32 $0xFFFFE000  }
0x2d: {  	[spmem:s30] =	stream.linear.scatter [tilespmem:s21], [sflag:$0x3], $0x2000, $0x38;
	[tilespmem:$0x1C200] =	vst v63  }
0x2e: {  	_ =	swait.ge [sflag:s19], $0x2000  }
0x2f: {  	[sflag:s19] =	ssyncset.done $0x0  }
0x30: {  	s17 =	rddreg [dreg:$0x6];
	[sflag:s19] =	ssyncadd.s32 $0xFFFFE000  }
0x31: {  	[spmem:s17] =	stream.linear.scatter [tilespmem:s21], [sflag:$0x3], $0x2000, $0x38;
	[tilespmem:$0x1C200] =	vst v63  }
0x32: {  	_ =	swait.ge [sflag:s19], $0x2000  }
0x33: {  	[sflag:s19] =	ssyncset.done $0x0  }
0x34: {  	[sflag:s19] =	ssyncadd.s32 $0xFFFFE000  }
0x35: {  	s13 =	smov.u32 s26;
	s14 =	smov.u32 s29;
	[bflag:$0x0] =	sbarrier.arrive $0xFFFF  }
0x36: {  	[tilespmem:s23], [sflag:$0x1] =	stream.indirect.gather [hbm4b:s4+s22], $0x40, s3, s22, $0xb8;
	[tilespmem:$0x1C200] =	vst v63  }
0x37: {  	s18 =	simm.s32 $0xA200;
	s20 =	simm.s32 $0x100;
	s9 =	simm.s32 $0xC200  }
0x38: {  	[tilespmem:s18], [sflag:$0x1] =	stream.indirect.gather [hbm4b:s4+s22], $0x40, s22, s22, $0xb8;
	[tilespmem:$0x1C200] =	vst v63  }
0x39: {  	s24 =	simm.s32 $0x180;
	s25 =	simm.s32 $0xE200;
	s10 =	simm.s32 $0x4180  }
0x3a: {  	[tilespmem:s9], [sflag:$0x1] =	stream.indirect.gather [hbm4b:s4+s22], $0x40, s20, s22, $0xb8;
	[tilespmem:$0x1C200] =	vst v63  }
0x3b: {  	p1 =	sne.s32 s6, $0xFFFFFF80;
	p0 =	sle.u32 s8, $0x4;
	_ =	swait.ge [sflag:s28], $0x2000  }
0x3c: {  	s0 =	simm.s32 $0x20000;
	p2 =	por p0, p0;
	[sflag:s28] =	ssyncset.done $0x0  }
0x3d: {  	s15 =	smov.u32 s30;
	s16 =	sand.u32 @!p0 $0x18000, s0;
	[sflag:s28] =	ssyncadd.s32 $0xFFFFE000  }
0x3e: {  	[spmem:s2] =	stream.indirect.scatter.add.f32 [tilespmem:s23], [sflag:$0x2], $0x40, s7, s22, $0xb8;
	[tilespmem:$0x1C200] =	vst v63  }
0x3f: {  	s26 =	simm.s32 $0x8000;
	s29 =	simm.s32 $0x200;
	s30 =	simm.s32 @!p0 $0x80  }
0x40: {  	[tilespmem:s25], [sflag:$0x1] =	stream.indirect.gather [hbm4b:s4+s22], $0x40, s24, s22, $0xb8;
	[tilespmem:$0x1C200] =	vst v63  }
0x41: {  	s18 =	simm.s32 $0xFFFFFF80;
	s9 =	sand.u32 $0x18000, s26;
	_ =	swait.ge [sflag:s28], $0x2000  }
0x42: {  	s20 =	sshrl.u32 @!p0 s16, $0x2;
	s9 =	sshrl.u32 s9, $0x2;
	[sflag:s28] =	ssyncset.done $0x0  }
.Ltmp0:
0x43: {  	s17 =	sor.u32 $0x8200, s9;
	[sflag:s28] =	ssyncadd.s32 $0xFFFFE000;
	(pc) =	sbr.rel @!p1 .LBB2_3-.Ltmp0, $4  }
0x44: {  	[spmem:s2] =	stream.indirect.scatter.add.f32 [tilespmem:s17], [sflag:$0x2], $0x40, s10, s22, $0xb8;
	[tilespmem:$0x1C200] =	vst v63  }
0x45: {  	s26 =	simm.s32 $0x20000;
	s16 =	smov.u32 s20;
	_ =	swait.ge [sflag:s31], $0x2000  }
0x46: {  	s9 =	simm.s32 @!p0 $0x80;
	s7 =	simm.s32 $0x200;
	[sflag:s31] =	ssyncset.done $0x0  }
0x47: {  	s24 =	simm.s32 $0x4200;
	s25 =	simm.s32 $0x280;
	[sflag:s31] =	ssyncadd.s32 $0xFFFFE000  }
.LBB2_2:
0x48: {  	s16 =	sor.u32 @!p2 $0x8200, s16  }
0x49: {  	s26 =	sadd.s32 $0x8000, s26;
	s12 =	smov.u32 s18;
	s18 =	sadd.s32 $0x1, s18  }
0x4a: {  	[tilespmem:s16], [sflag:$0x1] =	stream.indirect.gather @!p2 [hbm4b:s4+s30], $0x40, s29, s30, $0xb8;
	[tilespmem:$0x1C200] =	vst v63  }
0x4b: {  	p1 =	sne.s32 s6, s18;
	s29 =	smov.u32 s25  }
0x4c: {  	s16 =	sadd.s32 $0xFFFE8000, s26  }
0x4d: {  	s16 =	sand.u32 $0x18000, s16;
	_ =	swait.ge [sflag:s28], $0x2000  }
0x4e: {  	s12 =	sadd.s32 $0x85, s12;
	s16 =	sshrl.u32 s16, $0x2;
	[sflag:s28] =	ssyncset.done $0x0  }
.Ltmp1:
0x4f: {  	s16 =	sor.u32 $0x8200, s16;
	[sflag:s28] =	ssyncadd.s32 $0xFFFFE000;
	(pc) =	sbr.rel @p1 .LBB2_2-.Ltmp1, $4  }
0x50: {  	[spmem:s2] =	stream.indirect.scatter.add.f32 [tilespmem:s16], [sflag:$0x2], $0x40, s24, s22, $0xb8;
	[tilespmem:$0x1C200] =	vst v63  }
0x51: {  	p2 =	sge.u32 s12, s8;
	s24 =	sadd.s32 $0x80, s24;
	_ =	swait.ge [sflag:s31], $0x2000  }
0x52: {  	s12 =	sand.u32 @!p2 $0x18000, s26;
	s30 =	simm.s32 @!p2 $0x80;
	[sflag:s31] =	ssyncset.done $0x0  }
0x53: {  	s25 =	sadd.s32 $0x80, s25;
	s16 =	sshrl.u32 @!p2 s12, $0x2;
	[sflag:s31] =	ssyncadd.s32 $0xFFFFE000  }
.LBB2_3:
0x54: {  	s12 =	sor.u32 @!p2 $0x8200, s16  }
0x55: {  	[tilespmem:s12], [sflag:$0x1] =	stream.indirect.gather @!p2 [hbm4b:s4+s30], $0x40, s29, s30, $0xb8;
	[tilespmem:$0x1C200] =	vst v63  }
0x56: {  	_ =	swait.ge [sflag:s31], $0x2000  }
0x57: {  	[sflag:s31] =	ssyncset.done $0x0  }
0x58: {  	s25 =	stileid.u32;
	[sflag:s31] =	ssyncadd.s32 $0xFFFFE000  }
0x59: {  	s12 =	sshll.u32 s25, $0x6;
	[bflag:$0x0] =	sbarrier.arrive $0xFFFF  }
0x5a: {  	s24 =	sshrl.u32 s11, $0x3;
	s18 =	sor.u32 $0x1C03, s12;
	s26 =	rddreg [dreg:$0x7]  }
0x5b: {  	[hbm:s26], [sflag:s18] =	dma.local [spmem:s24], $0x1400  }
0x5c: {  	_ =	swait.ge [sflag:s19], $0x1400  }
0x5d: {  	[sflag:s19] =	ssyncset.done $0x0  }
0x5e: {  	[sflag:s19] =	ssyncadd.s32 $0xFFFFEC00  }
0x5f: {  	[bflag:$0x0] =	sbarrier.arrive $0xFFFF  }
0x60: {  	[spmem:s11] =	stream.linear.scatter [tilespmem:s21], [sflag:$0x3], $0x2000, $0x38;
	[tilespmem:$0x1C200] =	vst v63  }
0x61: {  	_ =	swait.ge [sflag:s19], $0x2000  }
0x62: {  	[sflag:s19] =	ssyncset.done $0x0  }
0x63: {  	[sflag:s19] =	ssyncadd.s32 $0xFFFFE000  }
0x64: {  	[spmem:s13] =	stream.linear.scatter [tilespmem:s21], [sflag:$0x3], $0x2000, $0x38;
	[tilespmem:$0x1C200] =	vst v63  }
0x65: {  	_ =	swait.ge [sflag:s19], $0x2000  }
0x66: {  	[sflag:s19] =	ssyncset.done $0x0  }
0x67: {  	[sflag:s19] =	ssyncadd.s32 $0xFFFFE000  }
0x68: {  	[spmem:s14] =	stream.linear.scatter [tilespmem:s21], [sflag:$0x3], $0x2000, $0x38;
	[tilespmem:$0x1C200] =	vst v63  }
0x69: {  	_ =	swait.ge [sflag:s19], $0x2000  }
0x6a: {  	[sflag:s19] =	ssyncset.done $0x0  }
0x6b: {  	[sflag:s19] =	ssyncadd.s32 $0xFFFFE000  }
0x6c: {  	[spmem:s15] =	stream.linear.scatter [tilespmem:s21], [sflag:$0x3], $0x2000, $0x38;
	[tilespmem:$0x1C200] =	vst v63  }
0x6d: {  	_ =	swait.ge [sflag:s19], $0x2000  }
0x6e: {  	[sflag:s19] =	ssyncset.done $0x0  }
0x6f: {  	s16 =	rddreg [dreg:$0x6];
	[sflag:s19] =	ssyncadd.s32 $0xFFFFE000  }
0x70: {  	[spmem:s16] =	stream.linear.scatter [tilespmem:s21], [sflag:$0x3], $0x2000, $0x38;
	[tilespmem:$0x1C200] =	vst v63  }
0x71: {  	_ =	swait.ge [sflag:s19], $0x2000  }
0x72: {  	[sflag:s19] =	ssyncset.done $0x0  }
0x73: {  	[sflag:s19] =	ssyncadd.s32 $0xFFFFE000  }
0x74: {  	[bflag:$0x0] =	sbarrier.arrive $0xFFFF  }
0x75: {  	[tilespmem:s23], [sflag:$0x1] =	stream.indirect.gather [hbm4b:s5+s22], $0x40, s3, s22, $0xb8;
	[tilespmem:$0x1C200] =	vst v63  }
0x76: {  	s29 =	smov.u32 s14;
	s25 =	simm.s32 $0xA200  }
0x77: {  	[tilespmem:s25], [sflag:$0x1] =	stream.indirect.gather [hbm4b:s5+s22], $0x40, s22, s22, $0xb8;
	[tilespmem:$0x1C200] =	vst v63  }
0x78: {  	s26 =	smov.u32 s13;
	s13 =	simm.s32 $0x100;
	s14 =	simm.s32 $0xC200  }
0x79: {  	[tilespmem:s14], [sflag:$0x1] =	stream.indirect.gather [hbm4b:s5+s22], $0x40, s13, s22, $0xb8;
	[tilespmem:$0x1C200] =	vst v63  }
0x7a: {  	_ =	swait.ge [sflag:s28], $0x2000  }
0x7b: {  	[sflag:s28] =	ssyncset.done $0x0  }
0x7c: {  	s30 =	smov.u32 s15;
	s15 =	simm.s32 $0x4100;
	[sflag:s28] =	ssyncadd.s32 $0xFFFFE000  }
0x7d: {  	[spmem:s2] =	stream.indirect.scatter.add.f32 [tilespmem:s23], [sflag:$0x2], $0x40, s15, s22, $0xb8;
	[tilespmem:$0x1C200] =	vst v63  }
0x7e: {  	s16 =	simm.s32 $0x180;
	s25 =	simm.s32 $0xE200  }
0x7f: {  	[tilespmem:s25], [sflag:$0x1] =	stream.indirect.gather [hbm4b:s5+s22], $0x40, s16, s22, $0xb8;
	[tilespmem:$0x1C200] =	vst v63  }
0x80: {  	_ =	swait.ge [sflag:s28], $0x2000  }
0x81: {  	p1 =	sne.s32 s6, $0xFFFFFF80;
	[sflag:s28] =	ssyncset.done $0x0  }
.Ltmp2:
0x82: {  	[sflag:s28] =	ssyncadd.s32 $0xFFFFE000;
	(pc) =	sbr.rel @!p1 .LBB2_5-.Ltmp2, $4  }
0x83: {  	[spmem:s2] =	stream.indirect.scatter.add.f32 [tilespmem:s17], [sflag:$0x2], $0x40, s10, s22, $0xb8;
	[tilespmem:$0x1C200] =	vst v63  }
0x84: {  	_ =	swait.ge [sflag:s31], $0x2000  }
0x85: {  	s25 =	simm.s32 $0x280;
	[sflag:s31] =	ssyncset.done $0x0  }
0x86: {  	s10 =	simm.s32 $0xFFFFFF80;
	s17 =	simm.s32 $0x4200;
	[sflag:s31] =	ssyncadd.s32 $0xFFFFE000  }
.LBB2_4:
0x87: {  	s12 =	sor.u32 @!p0 $0x8200, s20  }
0x88: {  	s0 =	sadd.s32 $0x8000, s0;
	s16 =	smov.u32 s10;
	s10 =	sadd.s32 $0x1, s10  }
0x89: {  	[tilespmem:s12], [sflag:$0x1] =	stream.indirect.gather @!p0 [hbm4b:s5+s9], $0x40, s7, s9, $0xb8;
	[tilespmem:$0x1C200] =	vst v63  }
0x8a: {  	p1 =	sne.s32 s6, s10;
	s7 =	smov.u32 s25  }
0x8b: {  	s9 =	sadd.s32 $0xFFFE8000, s0  }
0x8c: {  	s9 =	sand.u32 $0x18000, s9;
	_ =	swait.ge [sflag:s28], $0x2000  }
0x8d: {  	s12 =	sadd.s32 $0x85, s16;
	s9 =	sshrl.u32 s9, $0x2;
	[sflag:s28] =	ssyncset.done $0x0  }
.Ltmp3:
0x8e: {  	s9 =	sor.u32 $0x8200, s9;
	[sflag:s28] =	ssyncadd.s32 $0xFFFFE000;
	(pc) =	sbr.rel @p1 .LBB2_4-.Ltmp3, $4  }
0x8f: {  	[spmem:s2] =	stream.indirect.scatter.add.f32 [tilespmem:s9], [sflag:$0x2], $0x40, s17, s22, $0xb8;
	[tilespmem:$0x1C200] =	vst v63  }
0x90: {  	p0 =	sge.u32 s12, s8;
	s17 =	sadd.s32 $0x80, s17;
	_ =	swait.ge [sflag:s31], $0x2000  }
0x91: {  	s12 =	sand.u32 @!p0 $0x18000, s0;
	s9 =	simm.s32 @!p0 $0x80;
	[sflag:s31] =	ssyncset.done $0x0  }
0x92: {  	s25 =	sadd.s32 $0x80, s25;
	s20 =	sshrl.u32 @!p0 s12, $0x2;
	[sflag:s31] =	ssyncadd.s32 $0xFFFFE000  }
.LBB2_5:
0x93: {  	s0 =	sor.u32 @!p0 $0x8200, s20  }
0x94: {  	[tilespmem:s0], [sflag:$0x1] =	stream.indirect.gather @!p0 [hbm4b:s5+s9], $0x40, s7, s9, $0xb8;
	[tilespmem:$0x1C200] =	vst v63  }
0x95: {  	_ =	swait.ge [sflag:s31], $0x2000  }
0x96: {  	[sflag:s31] =	ssyncset.done $0x0  }
0x97: {  	[sflag:s31] =	ssyncadd.s32 $0xFFFFE000  }
0x98: {  	[bflag:$0x0] =	sbarrier.arrive $0xFFFF  }
0x99: {  	s20 =	rddreg [dreg:$0x8]  }
0x9a: {  	[hbm:s20], [sflag:s18] =	dma.local [spmem:s24], $0x1400  }
0x9b: {  	_ =	swait.ge [sflag:s19], $0x1400  }
0x9c: {  	s1 =	sadd.s32 $0x1, s1;
	s25 =	rddreg [dreg:$0x9]  }
0x9d: {  	p0 =	sne.s32 s1, s25  }
.Ltmp4:
0x9e: {  	_ = 	snop;
	(pc) =	sbr.rel @p0 .LBB2_1-.Ltmp4, $3  }
0x9f: {  	[sflag:s19] =	ssyncset.done $0x0  }
0xa0: {  	[sflag:s19] =	ssyncadd.s32 $0xFFFFEC00  }
0xa1: {  	[bflag:$0x0] =	sbarrier.arrive $0xFFFF;
	_ =	sdelay $0x1  }
0xa2: {  	_ =	sfence.sel $0x180000  }
0xa3: {  	[bflag:$0x0] =	sbarrier.arrive $0xFFFF  }
0xa4: {  	_ =	strace $0x9000004D  }
0xa5: {  	s0 =	stileid.u32;
	[bflag:$0x2] =	sbarrier.arrive $0xFFFF  }
0xa6: {  	p0 =	sne.s32 s0, $0x0;
	s0 =	rddreg [dreg:$0x2]  }
0xa7: {  	s0 =	sadd.s32 @!p0 $0x100000, s0  }
0xa8: {  	[sflag:s0] =	ssyncadd.tile.s32 @!p0 $0x1;
	_ =	shalt  }
.Lfunc_end2:
_tile_overlayer_lowered:
.L_overlay_start_2:
0xa9: {  	(tag) =	ssettag $0x2  }
0xaa: {  	s0 =	rddreg [dreg:$0x0];
	s2 =	stileid.u32  }
0xab: {  	s1 =	rddreg [dreg:$0x1];
	p0 =	sne.s32 s2, $0x0  }
0xac: {  	s3 =	rddreg [dreg:$0x2];
	[bflag:$0x3] =	sbarrier.arrive $0xFFFF;
	s2 =	simm.s32 @!p0 $0x1C03  }
0xad: {  	[timem:s3], [sflag:s2] =	dma.local @!p0 [hbm:s0], s1  }
0xae: {  	s0 =	simm.s32 @!p0 $0x3  }
0xaf: {  	_ =	swait.ge @!p0 [sflag:s0], s1  }
0xb0: {  	s1 =	ssub.s32 @!p0 $0x0, s1;
	[sflag:s0] =	ssyncset.done @!p0 $0x0  }
0xb1: {  	[sflag:s0] =	ssyncadd.s32 @!p0 s1  }
0xb2: {  	[bflag:$0x3] =	sbarrier.arrive $0xFFFF  }
0xb3: {  	_ =	shalt  }

// kernel: kernel.8.cloned.1.call-start
scs
__scs_entry_jumppad:
0x0: {  	(pc) =	sbr.rel $0x88, $3  }
0x1: {  	(tag) =	ssettag $0x0;
	lr =	simm.s32 $0x1  }
0x2: {  	[smem:$0x3F9B] =	sst lr;
	_ =	strace $0xD0000000  }
0x3: {  	_ = 	snop  }
0x4: {  	_ = 	snop  }
0x5: {  	_ = 	snop  }
0x6: {  	_ = 	snop  }
0x7: {  	_ = 	snop  }
__scs_overlays_trampoline_lowered:
0x8: {  	[smem:$0x3FAA] =	sst s0  }
0x9: {  	[smem:$0x3FAB] =	sst s1  }
0xa: {  	[smem:$0x3FAC] =	sst s2  }
0xb: {  	[smem:$0x3FAD] =	sst s3  }
0xc: {  	[smem:$0x3FAE] =	sst s4  }
0xd: {  	[smem:$0x3FAF] =	sst s5  }
0xe: {  	[smem:$0x3FB0] =	sst s6  }
0xf: {  	[smem:$0x3FB1] =	sst s7  }
0x10: {  	[smem:$0x3FB2] =	sst s8  }
0x11: {  	[smem:$0x3FB3] =	sst s9;
	s0 =	simm.s32 @!p0 $0x0  }
0x12: {  	s1 =	sld [smem:$0x3F99];
	s0 =	simm.s32 @p0 $0x1  }
0x13: {  	[smem:$0x3FB4] =	sst s0;
	s0 =	simm.s32 @!p1 $0x0  }
0x14: {  	s2 =	sld [smem:$0x3F98];
	s0 =	simm.s32 @p1 $0x1  }
0x15: {  	[smem:$0x3FB5] =	sst s0;
	s0 =	simm.s32 @!p2 $0x0  }
0x16: {  	s3 =	sld [smem:$0x3FDB];
	s0 =	simm.s32 @p2 $0x1  }
0x17: {  	s4 =	simm.s32 $0x1BF5;
	[smem:$0x3FB7] =	sst s0  }
0x18: {  	s0 =	sld [smem:$0x3F9A];
	_ =	swait.ge [sflag:s4], $0x0  }
0x19: {  	s7 =	sld [smem:$0x3F9B]  }
0x1a: {  	s8 =	sadd.s32 $0xFFFFE003, lr  }
0x1b: {  	s9 =	sadd.s32 $0xFFFFFEF7, lr;
	s5 =	simm.s32 $0xFFFFFFFF;
	p2 =	slt.u32 s8, $0xFFFFF086  }
0x1c: {  	p1 =	slt.u32 s9, $0xF7A;
	s5 =	simm.s32 @!p2 $0x0  }
0x1d: {  	s5 =	simm.s32 @p1 $0x1;
	p0 =	seq.s32 s7, s2  }
0x1e: {  	s7 =	smul.u32 @!p0 $0xF7A, s2;
	p2 =	seq.s32 @!p0 s5, $0x0  }
0x1f: {  	s9 =	smul.u32 $0xF7A, s1;
	s8 =	simm.s32 @!p0 $0x1BF5;
	p2 =	por !p2, p0  }
0x20: {  	[sflag:s8] =	ssyncset.s32 @!p0 $0xFFFFF086;
	s6 =	sadd.s32 @!p0 s3, s7;
	s7 =	simm.s32 @!p0 $0x108  }
0x21: {  	s3 =	sadd.s32 s3, s9;
	s6 =	sadd.s32 @!p0 $0x88, s6;
	s7 =	simm.s32 @p2 $0x1082  }
0x22: {  	[simem:s7], [sflag:s8] =	dma.local @!p0 [hbm:s6], $0xF7A  }
0x23: {  	s9 =	sor.u32 $0xD0000000, s2;
	s6 =	simm.s32 $0x108;
	_ =	swait.ge @!p0 [sflag:s8], $0x0  }
0x24: {  	s3 =	sadd.s32 $0x88, s3;
	s6 =	simm.s32 @!p1 $0x1082;
	[sflag:s4] =	ssyncset.s32 $0xFFFFF086  }
0x25: {  	[simem:s6], [sflag:s4] =	dma.local [hbm:s3], $0xF7A  }
0x26: {  	[smem:$0x3F9B] =	sst s1;
	(tag) =	ssettag s2;
	_ =	strace s9  }
0x27: {  	s1 =	sld [smem:$0x3FAB]  }
0x28: {  	s2 =	sld [smem:$0x3FAC]  }
0x29: {  	s4 =	sld [smem:$0x3FAE]  }
0x2a: {  	p0 =	seq.s32 s5, $0x0;
	s5 =	sld [smem:$0x3FAF]  }
0x2b: {  	s6 =	sld [smem:$0x3FB0]  }
0x2c: {  	s7 =	sld [smem:$0x3FB1]  }
0x2d: {  	s3 =	simm.s32 $0x108;
	s8 =	sld [smem:$0x3FB2]  }
0x2e: {  	s3 =	simm.s32 @!p0 $0x1082;
	s9 =	sld [smem:$0x3FB3]  }
0x2f: {  	lr =	sadd.s32 s0, s3;
	s0 =	sld [smem:$0x3FAA]  }
0x30: {  	s3 =	sld [smem:$0x3FAD]  }
0x31: {  	[smem:$0x3FB6] =	sst s10  }
0x32: {  	s10 =	sld [smem:$0x3FB4];
	_ =	sdelay $0x3  }
0x33: {  	p0 =	seq.s32 s10, $0x1;
	s10 =	sld [smem:$0x3FB6];
	_ =	sdelay $0x3  }
0x34: {  	[smem:$0x3FB6] =	sst s10  }
0x35: {  	s10 =	sld [smem:$0x3FB5];
	_ =	sdelay $0x3  }
0x36: {  	p1 =	seq.s32 s10, $0x1;
	s10 =	sld [smem:$0x3FB6];
	_ =	sdelay $0x3  }
0x37: {  	[smem:$0x3FB6] =	sst s10  }
0x38: {  	s10 =	sld [smem:$0x3FB7]  }
0x39: {  	_ = 	snop;
	(pc) =	sbr.ind lr, $3  }
0x3a: {  	_ = 	snop  }
0x3b: {  	_ = 	snop  }
0x3c: {  	p2 =	seq.s32 s10, $0x1;
	s10 =	sld [smem:$0x3FB6]  }
0x3d: {  	_ =	shalt  }
0x3e: {  	_ =	shalt  }
0x3f: {  	_ =	shalt  }
0x40: {  	_ =	shalt  }
0x41: {  	_ =	shalt  }
0x42: {  	_ =	shalt  }
0x43: {  	_ =	shalt  }
0x44: {  	_ =	shalt  }
0x45: {  	_ =	shalt  }
0x46: {  	_ =	shalt  }
0x47: {  	_ =	shalt  }
0x48: {  	_ =	shalt  }
0x49: {  	_ =	shalt  }
0x4a: {  	_ =	shalt  }
0x4b: {  	_ =	shalt  }
0x4c: {  	_ =	shalt  }
0x4d: {  	_ =	shalt  }
0x4e: {  	_ =	shalt  }
0x4f: {  	_ =	shalt  }
0x50: {  	_ =	shalt  }
0x51: {  	_ =	shalt  }
0x52: {  	_ =	shalt  }
0x53: {  	_ =	shalt  }
0x54: {  	_ =	shalt  }
0x55: {  	_ =	shalt  }
0x56: {  	_ =	shalt  }
0x57: {  	_ =	shalt  }
0x58: {  	_ =	shalt  }
0x59: {  	_ =	shalt  }
0x5a: {  	_ =	shalt  }
0x5b: {  	_ =	shalt  }
0x5c: {  	_ =	shalt  }
0x5d: {  	_ =	shalt  }
0x5e: {  	_ =	shalt  }
0x5f: {  	_ =	shalt  }
0x60: {  	_ =	shalt  }
0x61: {  	_ =	shalt  }
0x62: {  	_ =	shalt  }
0x63: {  	_ =	shalt  }
0x64: {  	_ =	shalt  }
0x65: {  	_ =	shalt  }
0x66: {  	_ =	shalt  }
0x67: {  	_ =	shalt  }
0x68: {  	_ =	shalt  }
0x69: {  	_ =	shalt  }
0x6a: {  	_ =	shalt  }
0x6b: {  	_ =	shalt  }
0x6c: {  	_ =	shalt  }
0x6d: {  	_ =	shalt  }
0x6e: {  	_ =	shalt  }
0x6f: {  	_ =	shalt  }
0x70: {  	_ =	shalt  }
0x71: {  	_ =	shalt  }
0x72: {  	_ =	shalt  }
0x73: {  	_ =	shalt  }
0x74: {  	_ =	shalt  }
0x75: {  	_ =	shalt  }
0x76: {  	_ =	shalt  }
0x77: {  	_ =	shalt  }
0x78: {  	_ =	shalt  }
0x79: {  	_ =	shalt  }
0x7a: {  	_ =	shalt  }
0x7b: {  	_ =	shalt  }
0x7c: {  	_ =	shalt  }
0x7d: {  	_ =	shalt  }
0x7e: {  	_ =	shalt  }
0x7f: {  	_ =	shalt  }
0x80: {  	_ =	shalt  }
0x81: {  	_ =	shalt  }
0x82: {  	_ =	shalt  }
0x83: {  	_ =	shalt  }
0x84: {  	_ =	shalt  }
0x85: {  	_ =	shalt  }
0x86: {  	_ =	shalt  }
0x87: {  	_ =	shalt  }
.Lfunc_end0:
.L_simem_size_0:
called_computation_lowered:
.L_overlay_start_0:
0x88: {  	s2 =	sld [smem:$0x3FD9]  }
0x89: {  	s3 =	sld [smem:$0x3FFE];
	_ =	sdelay $0x1  }
0x8a: {  	s1 =	srdreg.scid  }
0x8b: {  	s0 =	sand.u32 $0x1, s1  }
0x8c: {  	s17 =	sshll.u32 s0, $0xA;
	s2 =	sadd.s32 s3, s2  }
0x8d: {  	s2 =	sadd.s32 s2, s17  }
0x8e: {  	[smem:$0x3FC2] =	sst s2  }
0x8f: {  	_ = 	snop  }
0x90: {  	s2 =	sld [smem:$0x3FD0];
	(tm) =	ssettm $0x1  }
0x91: {  	s18 =	sld [smem:$0x3FFB];
	_ =	sdelay $0x3  }
0x92: {  	_ =	strace s18  }
0x93: {  	s3 =	sld [smem:$0x3FFC];
	_ =	sdelay $0x3  }
0x94: {  	_ =	strace s3  }
0x95: {  	s3 =	sld [smem:$0x3FFD];
	_ =	sdelay $0x3  }
0x96: {  	_ =	strace s3  }
0x97: {  	_ =	strace $0x8FFFFFFF  }
0x98: {  	s19 =	sld [smem:$0x3FDB];
	_ =	sdelay $0x1  }
0x99: {  	s4 =	simm.s32 $_scs_section_size  }
0x9a: {  	s5 =	simm.s32 $_size__tile_overlayer_lowered;
	s6 =	simm.s32 $_tile_overlayer_lowered  }
0x9b: {  	s22 =	simm.s32 $0x1BFF;
	s21 =	sshll.u32 s6, $0x1;
	s3 =	sadd.s32 s4, s19  }
0x9c: {  	s7 =	simm.s32 $0x0;
	s20 =	sshll.u32 s5, $0x1;
	s5 =	sadd.s32 s21, s3  }
0x9d: {  	[timem:s7], [sflag:s22] =	dma.local [hbm:s5], s20  }
0x9e: {  	_ =	swait.ge [sflag:s22], s20  }
0x9f: {  	s4 =	ssub.s32 $0x0, s20;
	[sflag:s22] =	ssyncset.done $0x0  }
0xa0: {  	[sflag:s22] =	ssyncadd.s32 s4;
	_ =	sdelay $0x1  }
0xa1: {  	s23 =	simm.s32 $0x1B8B  }
0xa2: {  	_ =	swait.ge [sflag:s23], $0x1  }
0xa3: {  	[sflag:s23] =	ssyncset.done $0x0  }
0xa4: {  	s25 =	simm.s32 $0x1B8E;
	s24 =	sld [smem:$0x3FFE];
	[sflag:s23] =	ssyncadd.s32 $0xFFFFFFFF  }
0xa5: {  	s26 =	simm.s32 $execute0_lowered;
	[smem:$0x3FD2] =	sst s25  }
0xa6: {  	s5 =	sshll.u32 s26, $0x1;
	_ =	strace $0x80000046;
	[dreg:$0x1] =	wrdreg $0xFFFFFFFF  }
0xa7: {  	s28 =	simm.s32 $_size_execute0_lowered;
	s3 =	sadd.s32 s3, s5;
	[dreg:$0x0] =	wrdreg $0x0  }
0xa8: {  	s5 =	sshll.u32 s28, $0x1;
	[dreg:$0x2] =	wrdreg s3  }
0xa9: {  	[dreg:$0x3] =	wrdreg s5  }
0xaa: {  	[dreg:$0x4] =	wrdreg $0xC0  }
0xab: {  	_ =	task [dreg:s7], $0x5FFFF  }
0xac: {  	[dreg:$0x1] =	wrdreg $0xFFFFFFFF  }
0xad: {  	[dreg:$0x0] =	wrdreg $0x60  }
0xae: {  	[dreg:$0x2] =	wrdreg s24  }
0xaf: {  	[dreg:$0x3] =	wrdreg s2  }
0xb0: {  	[dreg:$0x4] =	wrdreg $0x37800  }
0xb1: {  	[dreg:$0x5] =	wrdreg $0x9  }
0xb2: {  	_ =	task.clear_ibuf [dreg:s7], $0x6FFFF;
	_ =	strace $0x90000046  }
0xb3: {  	s29 =	simm.s32 $0x9;
	_ =	strace $0x80000048  }
0xb4: {  	_ =	swait.ge [sflag:s29], $0x1  }
0xb5: {  	[sflag:s29] =	ssyncadd.s32 $0xFFFFFFFF  }
0xb6: {  	_ =	strace $0x90000048  }
0xb7: {  	_ =	sfence  }
0xb8: {  	s30 =	sld [smem:$0x0];
	_ =	sdelay $0x2  }
0xb9: {  	s31 =	sshll.u32 s1, $0xD;
	s1 =	sshrl.u32 s1, $0x2  }
0xba: {  	s3 =	sand.u32 $0x4000, s31;
	s1 =	sadd.s32 s1, s30  }
0xbb: {  	s0 =	sor.u32 s3, s0;
	s1 =	sshll.u32 s1, $0x11  }
0xbc: {  	s0 =	sor.u32 s1, s0  }
0xbd: {  	s0 =	sadd.s32 $0x8F2B, s0  }
0xbe: {  	[sflag:s0] =	ssyncadd.remote.s32 $0x1  }
0xbf: {  	_ =	sfence.sel $0xFFFF  }
0xc0: {  	[dreg:$0x0] =	wrdreg $0xFFFFFFFF;
	(pc) =	sbr.abs _section_cstart, $3  }
0xc1: {  	[dreg:$0x1] =	wrdreg $0xFFFFFFFF  }
0xc2: {  	_ =	task.clear_ibuf [dreg:s7], $0x2FFFF;
	_ =	strace $0x9FFFFFFF  }
0xc3: {  	(tm) =	ssettm $0x7FFFFFFF  }
tec
execute0_lowered:
.L_overlay_start_1:
0x0: {  	(tag) =	ssettag $0x1  }
0x1: {  	s5 =	rddreg [dreg:$0x0]  }
0x2: {  	s1 =	srdreg.scid;
	s12 =	rddreg [dreg:$0x1]  }
0x3: {  	s0 =	stileid.u32;
	s2 =	rddreg [dreg:$0x2];
	s3 =	simm.s32 $0x0  }
0x4: {  	s15 =	simm.s32 $0x2780;
	s16 =	simm.s32 $0x2F80;
	s17 =	simm.s32 $0x80  }
0x5: {  	s20 =	simm.s32 $0x0;
	s6 =	sand.u32 $0x1, s1;
	s1 =	rddreg [dreg:$0x3]  }
0x6: {  	s28 =	sshll.u32 s0, $0x1;
	[smem:$0x7FF] =	sst s3;
	s8 =	smul.u32 $0x2800, s0  }
0x7: {  	s10 =	smul.u32 $0xA000, s0;
	s18 =	sshll.u32 s0, $0x6;
	s4 =	sor.u32 s6, s28  }
0x8: {  	_ =	strace $0x80000047;
	s9 =	ssub.s32 $0x2, s6;
	s13 =	smul.u32 $0x28000, s6  }
0x9: {  	s4 =	smul.u32 $0x4F0, s4;
	s11 =	sshrl.u32 s9, $0x1;
	s29 =	sshrl.u32 s10, $0x2  }
0xa: {  	s18 =	sor.u32 $0x1C01, s18;
	s14 =	ssub.s32 s9, s11;
	s30 =	sadd.s32 s29, s2  }
0xb: {  	s31 =	sadd.s32 s8, s13;
	s7 =	sadd.s32 s4, s5;
	s4 =	sadd.s32 $0xD400, s5  }
0xc: {  	s5 =	sadd.s32 $0xD200, s5;
	s9 =	sadd.s32 $0x1000, s30;
	s13 =	sshrl.u32 s31, $0x3  }
0xd: {  	s10 =	sadd.s32 $0x1800, s30;
	s11 =	sadd.s32 $0x2000, s30;
	s6 =	sadd.s32 $0x2C00, s7  }
0xe: {  	s7 =	sadd.s32 s8, s2;
	s8 =	sadd.s32 $0x800, s30;
	s12 =	sadd.s32 s12, s13  }
0xf: {  	s13 =	smax.u32 s14, $0x1;
	s14 =	simm.s32 $0x1;
	s19 =	sshrl.u32 s7, $0x3  }
.LBB2_1:
0x10: {  	[tilespmem:s3], [sflag:$0x1] =	stream.linear.gather [hbm4b:s6+s3], $0x2780, $0x38;
	[tilespmem:$0x5F80] =	vst v63  }
0x11: {  	_ =	swait.ge [sflag:s14], $0x2780  }
0x12: {  	[sflag:s14] =	ssyncset.done $0x0  }
0x13: {  	[sflag:s14] =	ssyncadd.s32 $0xFFFFD880  }
0x14: {  	[tilespmem:s15], [sflag:$0x1] =	stream.linear.gather [hbm4b:s4+s3], $0x800, $0x38;
	[tilespmem:$0x5F80] =	vst v63  }
0x15: {  	_ =	swait.ge [sflag:s14], $0x800  }
0x16: {  	[sflag:s14] =	ssyncset.done $0x0  }
0x17: {  	[sflag:s14] =	ssyncadd.s32 $0xFFFFF800  }
0x18: {  	[tilespmem:s16], [sflag:$0x1] =	stream.linear.gather [hbm4b:s5+s3], $0x800, $0x38;
	[tilespmem:$0x5F80] =	vst v63  }
0x19: {  	_ =	swait.ge [sflag:s14], $0x800  }
0x1a: {  	[sflag:s14] =	ssyncset.done $0x0  }
0x1b: {  	[sflag:s14] =	ssyncadd.s32 $0xFFFFF800  }
0x1c: {  	[spmem:s7] =	stream.linear.scatter [tilespmem:s16], [sflag:$0x1], $0x800, $0x38;
	[tilespmem:$0x5F80] =	vst v63  }
0x1d: {  	_ =	swait.ge [sflag:s14], $0x800  }
0x1e: {  	[sflag:s14] =	ssyncset.done $0x0  }
0x1f: {  	[sflag:s14] =	ssyncadd.s32 $0xFFFFF800  }
0x20: {  	[spmem:s8] =	stream.linear.scatter [tilespmem:s16], [sflag:$0x1], $0x800, $0x38;
	[tilespmem:$0x5F80] =	vst v63  }
0x21: {  	_ =	swait.ge [sflag:s14], $0x800  }
0x22: {  	[sflag:s14] =	ssyncset.done $0x0  }
0x23: {  	[sflag:s14] =	ssyncadd.s32 $0xFFFFF800  }
0x24: {  	[spmem:s9] =	stream.linear.scatter [tilespmem:s16], [sflag:$0x1], $0x800, $0x38;
	[tilespmem:$0x5F80] =	vst v63  }
0x25: {  	_ =	swait.ge [sflag:s14], $0x800  }
0x26: {  	[sflag:s14] =	ssyncset.done $0x0  }
0x27: {  	[sflag:s14] =	ssyncadd.s32 $0xFFFFF800  }
0x28: {  	[spmem:s10] =	stream.linear.scatter [tilespmem:s16], [sflag:$0x1], $0x800, $0x38;
	[tilespmem:$0x5F80] =	vst v63  }
0x29: {  	_ =	swait.ge [sflag:s14], $0x800  }
0x2a: {  	[sflag:s14] =	ssyncset.done $0x0  }
0x2b: {  	[sflag:s14] =	ssyncadd.s32 $0xFFFFF800  }
0x2c: {  	[spmem:s11] =	stream.linear.scatter [tilespmem:s16], [sflag:$0x1], $0x800, $0x38;
	[tilespmem:$0x5F80] =	vst v63  }
0x2d: {  	_ =	swait.ge [sflag:s14], $0x800  }
0x2e: {  	[sflag:s14] =	ssyncset.done $0x0  }
0x2f: {  	[sflag:s14] =	ssyncadd.s32 $0xFFFFF800  }
0x30: {  	s21 =	simm.s32 $0x0;
	[bflag:$0x0] =	sbarrier.arrive $0xFFFF  }
0x31: {  	[spmem:s2] =	stream.indirect.scatter.add.f32 [tilespmem:s15], [sflag:$0x1], $0x10, s21, s17, $0xb8;
	[tilespmem:$0x5F80] =	vst v63  }
0x32: {  	_ =	swait.ge [sflag:s14], $0x800  }
0x33: {  	s21 =	simm.s32 $0x200;
	[sflag:s14] =	ssyncset.done $0x0  }
.LBB2_2:
0x34: {  	s22 =	sshra.s32 s21, $0x2;
	[sflag:s14] =	ssyncadd.s32 $0xFFFFF800;
	p0 =	sne.s32 s21, $0x9C00  }
0x35: {  	[spmem:s2] =	stream.indirect.scatter.add.f32 [tilespmem:s15], [sflag:$0x1], $0x10, s22, s17, $0xb8;
	[tilespmem:$0x5F80] =	vst v63  }
.Ltmp0:
0x36: {  	_ = 	snop;
	(pc) =	sbr.rel @p0 .LBB2_2-.Ltmp0, $4  }
0x37: {  	_ = 	snop  }
0x38: {  	s21 =	sadd.s32 $0x200, s21  }
0x39: {  	_ =	swait.ge [sflag:s14], $0x800  }
0x3a: {  	[sflag:s14] =	ssyncset.done $0x0  }
0x3b: {  	s20 =	sadd.s32 $0x1, s20  }
0x3c: {  	[sflag:s14] =	ssyncadd.s32 $0xFFFFF800;
	p0 =	sne.s32 s20, s13  }
.Ltmp1:
0x3d: {  	[bflag:$0x0] =	sbarrier.arrive $0xFFFF;
	(pc) =	sbr.rel @p0 .LBB2_1-.Ltmp1, $4  }
0x3e: {  	[hbm:s12], [sflag:s18] =	dma.local [spmem:s19], $0x500  }
0x3f: {  	_ =	swait.ge [sflag:s14], $0x500  }
0x40: {  	[sflag:s14] =	ssyncset.done $0x0  }
0x41: {  	[sflag:s14] =	ssyncadd.s32 $0xFFFFFB00  }
0x42: {  	_ =	sfence.sel $0x180000  }
0x43: {  	[bflag:$0x0] =	sbarrier.arrive $0xFFFF  }
0x44: {  	p0 =	sne.s32 s0, $0x0;
	_ =	strace $0x90000047  }
0x45: {  	s0 =	sadd.s32 @!p0 $0x100000, s1;
	[bflag:$0x2] =	sbarrier.arrive $0xFFFF  }
0x46: {  	[sflag:s0] =	ssyncadd.tile.s32 @!p0 $0x1;
	_ =	shalt  }
.Lfunc_end2:
_tile_overlayer_lowered:
.L_overlay_start_2:
0x47: {  	(tag) =	ssettag $0x2  }
0x48: {  	s0 =	rddreg [dreg:$0x0];
	s2 =	stileid.u32  }
0x49: {  	s1 =	rddreg [dreg:$0x1];
	p0 =	sne.s32 s2, $0x0  }
0x4a: {  	s3 =	rddreg [dreg:$0x2];
	[bflag:$0x3] =	sbarrier.arrive $0xFFFF;
	s2 =	simm.s32 @!p0 $0x1C01  }
0x4b: {  	[timem:s3], [sflag:s2] =	dma.local @!p0 [hbm:s0], s1  }
0x4c: {  	s0 =	simm.s32 @!p0 $0x1  }
0x4d: {  	_ =	swait.ge @!p0 [sflag:s0], s1  }
0x4e: {  	s1 =	ssub.s32 @!p0 $0x0, s1;
	[sflag:s0] =	ssyncset.done @!p0 $0x0  }
0x4f: {  	[sflag:s0] =	ssyncadd.s32 @!p0 s1  }
0x50: {  	[bflag:$0x3] =	sbarrier.arrive $0xFFFF  }
0x51: {  	_ =	shalt  }

</sc_bundles>
